<compile_context>
chip_gen: v7x
topology: tpu7x:2x2x1
jax: 0.10.2.dev20260603
libtpu: 0.0.44.dev20260713+nightly
codegen_flags: <defaults>
</compile_context>

<pallas_src>
import functools

import jax
import jax.numpy as jnp
from jax import lax
from jax.experimental import pallas as pl
from jax.experimental.pallas import tpu as pltpu
from jax.experimental.pallas import tpu_sc as plsc

_N_NODES = 10000
_N_EDGES = 320000
_DIM = 128
_BATCH = 4096

_NC = 2
_NS = 16
_NW = _NC * _NS
_L = 16

_EB = 128
_CH = 4
_NB = 80
_EPW = _NB * _EB
_EPAD = _NW * _EPW
_R = 10240
_RPS = _R // _NS
_SB = _BATCH // _NW
_BR = 1024

_mesh = plsc.VectorSubcoreMesh(core_axis_name="c", subcore_axis_name="s")


@functools.partial(
    pl.kernel,
    mesh=_mesh,
    out_type=jax.ShapeDtypeStruct((_NC, _R, _DIM), jnp.float32),
    scratch_types=[
        pltpu.VMEM((2, _CH, _EB), jnp.int32),
        pltpu.VMEM((2, _CH, _EB), jnp.int32),
        pltpu.VMEM((_EB, _DIM), jnp.float32),
        pltpu.VMEM((_EB, _DIM), jnp.float32),
        pltpu.VMEM_SHARED((_R, _DIM), jnp.float32),
        pltpu.SemaphoreType.DMA,
        pltpu.SemaphoreType.DMA,
    ],
)
def _aggregate(src_hbm, dst_hbm, table_hbm, zrow_hbm,
               agg_out,
               src_v, dst_v, rows0, rows1, agg_sh, sem0, sem1):
    c = lax.axis_index("c")
    s = lax.axis_index("s")
    wid = c * _NS + s
    ncH = _NB // _CH

    pltpu.sync_copy(zrow_hbm, rows0)
    for k in range(_RPS // _EB):
        pltpu.sync_copy(rows0, agg_sh.at[pl.ds(s * _RPS + k * _EB, _EB)])
    plsc.subcore_barrier()

    pltpu.sync_copy(src_hbm.at[wid, pl.ds(0, _CH)], src_v.at[0])
    pltpu.sync_copy(dst_hbm.at[wid, pl.ds(0, _CH)], dst_v.at[0])
    bufs = ((rows0, sem0), (rows1, sem1))
    pltpu.async_copy(table_hbm.at[src_v.at[0, 0]], rows0, sem0)
    pltpu.async_copy(table_hbm.at[src_v.at[0, 1]], rows1, sem1)

    @pl.loop(0, ncH)
    def _chunk(ci):
        p = lax.rem(ci, 2)
        q = 1 - p

        @pl.when(ci + 1 < ncH)
        def _():
            pltpu.sync_copy(src_hbm.at[wid, pl.ds((ci + 1) * _CH, _CH)],
                            src_v.at[q])
            pltpu.sync_copy(dst_hbm.at[wid, pl.ds((ci + 1) * _CH, _CH)],
                            dst_v.at[q])

        for b in range(_CH):
            rv, sm = bufs[b % 2]
            pltpu.make_async_copy(table_hbm.at[src_v.at[p, b]], rv, sm).wait()
            pltpu.sync_copy(rv, agg_sh.at[dst_v.at[p, b]], add=True)
            if b + 2 < _CH:
                pltpu.async_copy(table_hbm.at[src_v.at[p, b + 2]], rv, sm)
            else:

                @pl.when(ci + 1 < ncH)
                def _():
                    pltpu.async_copy(
                        table_hbm.at[src_v.at[q, b + 2 - _CH]], rv, sm)

    plsc.subcore_barrier()

    for k in range(_RPS // _EB):
        r0 = s * _RPS + k * _EB
        pltpu.sync_copy(agg_sh.at[pl.ds(r0, _EB)], rows0)
        pltpu.sync_copy(rows0, agg_out.at[c, pl.ds(r0, _EB)])


@functools.partial(
    pl.kernel,
    mesh=_mesh,
    out_type=jax.ShapeDtypeStruct((_NC, _R, _DIM), jnp.float32),
    scratch_types=[
        pltpu.VMEM((_CH, _EB), jnp.int32),
        pltpu.VMEM((_EB, _DIM), jnp.float32),
        pltpu.VMEM((_EB, _DIM), jnp.float32),
        pltpu.VMEM_SHARED((_R, _DIM), jnp.float32),
    ],
)
def _degree(dst_hbm, ones_hbm, zrow_hbm,
            deg_out,
            dst_v, ones_v, tmp_v, deg_sh):
    c = lax.axis_index("c")
    s = lax.axis_index("s")
    wid = c * _NS + s

    pltpu.sync_copy(ones_hbm, ones_v)
    pltpu.sync_copy(zrow_hbm, tmp_v)
    for k in range(_RPS // _EB):
        pltpu.sync_copy(tmp_v, deg_sh.at[pl.ds(s * _RPS + k * _EB, _EB)])
    plsc.subcore_barrier()

    def body(ci, carry):
        pltpu.sync_copy(dst_hbm.at[wid, pl.ds(ci * _CH, _CH)], dst_v)
        for b in range(_CH):
            pltpu.sync_copy(ones_v, deg_sh.at[dst_v.at[b]], add=True)
        return carry

    lax.fori_loop(0, _NB // _CH, body, 0)
    plsc.subcore_barrier()

    for k in range(_RPS // _EB):
        r0 = s * _RPS + k * _EB
        pltpu.sync_copy(deg_sh.at[pl.ds(r0, _EB)], tmp_v)
        pltpu.sync_copy(tmp_v, deg_out.at[c, pl.ds(r0, _EB)])


def _x_body(agg_ref, deg_ref, w_ref, x_ref):
    a = agg_ref[0] + agg_ref[1]
    d = deg_ref[0, :, 0:1] + deg_ref[1, :, 0:1]
    norm = 1.0 / jnp.maximum(d, 1.0)
    x_ref[...] = jnp.tanh(
        jnp.dot(a * norm, w_ref[...], preferred_element_type=jnp.float32))


def _x_from_agg(agg_part, deg_part, W):
    return pl.pallas_call(
        _x_body,
        grid=(_R // _BR,),
        in_specs=[
            pl.BlockSpec((_NC, _BR, _DIM), lambda i: (0, i, 0)),
            pl.BlockSpec((_NC, _BR, _DIM), lambda i: (0, i, 0)),
            pl.BlockSpec((_DIM, _DIM), lambda i: (0, 0)),
        ],
        out_specs=pl.BlockSpec((_BR, _DIM), lambda i: (i, 0)),
        out_shape=jax.ShapeDtypeStruct((_R, _DIM), jnp.float32),
    )(agg_part, deg_part, W)


@functools.partial(
    pl.kernel,
    mesh=_mesh,
    out_type=jax.ShapeDtypeStruct((_BATCH, _DIM), jnp.float32),
    scratch_types=[
        pltpu.VMEM((_SB,), jnp.int32),
        pltpu.VMEM((_SB,), jnp.int32),
        pltpu.VMEM((_SB,), jnp.int32),
        pltpu.VMEM((_SB, _DIM), jnp.float32),
        pltpu.VMEM((_SB, _DIM), jnp.float32),
        pltpu.VMEM((_SB, _DIM), jnp.float32),
        pltpu.SemaphoreType.DMA,
    ],
)
def _score(x_hbm, rel_hbm, hi_hbm, ri_hbm, ti_hbm, out_hbm,
           hi_v, ri_v, ti_v, h_rows, r_rows, t_rows, sem):
    c = lax.axis_index("c")
    s = lax.axis_index("s")
    wid = c * _NS + s
    pltpu.sync_copy(hi_hbm.at[wid], hi_v)
    pltpu.sync_copy(ri_hbm.at[wid], ri_v)
    pltpu.sync_copy(ti_hbm.at[wid], ti_v)
    cp1 = pltpu.async_copy(x_hbm.at[hi_v], h_rows, sem)
    cp2 = pltpu.async_copy(rel_hbm.at[ri_v], r_rows, sem)
    cp3 = pltpu.async_copy(x_hbm.at[ti_v], t_rows, sem)
    cp1.wait()
    cp2.wait()
    cp3.wait()

    def body(i, carry):
        for k in range(_DIM // _L):
            sl = pl.ds(k * _L, _L)
            h_rows[i, sl] = h_rows[i, sl] * (r_rows[i, sl] * t_rows[i, sl])
        return carry

    lax.fori_loop(0, _SB, body, 0)
    pltpu.sync_copy(h_rows, out_hbm.at[pl.ds(wid * _SB, _SB)])


def kernel(sample, edge_index, edge_type, init_embed, init_rel, W):
    del edge_type
    src = edge_index[0]
    dst = edge_index[1]
    ppw = _EPW - _N_EDGES // _NW
    pad_src = jnp.broadcast_to(
        (jnp.arange(ppw, dtype=jnp.int32) * 37) % _N_NODES, (_NW, ppw))
    pad_dst = jnp.broadcast_to(
        _N_NODES + jnp.arange(ppw, dtype=jnp.int32) % (_R - _N_NODES),
        (_NW, ppw))
    srcp = jnp.concatenate(
        [src.reshape(_NW, _N_EDGES // _NW), pad_src],
        axis=1).reshape(_NW, _NB, _EB)
    dstp = jnp.concatenate(
        [dst.reshape(_NW, _N_EDGES // _NW), pad_dst],
        axis=1).reshape(_NW, _NB, _EB)
    zrow = jnp.zeros((_EB, _DIM), jnp.float32)
    agg_part = _aggregate(srcp, dstp, init_embed, zrow)
    dstp2, agg_part = lax.optimization_barrier((dstp, agg_part))
    ones_row = jnp.ones((_EB, _DIM), jnp.float32)
    deg_part = _degree(dstp2, ones_row, zrow)
    x = _x_from_agg(agg_part, deg_part, W)
    hi = sample[:, 0].reshape(_NW, _SB)
    ri = sample[:, 1].reshape(_NW, _SB)
    ti = sample[:, 2].reshape(_NW, _SB)
    return _score(x, init_rel, hi, ri, ti)

# --- scband reference (transcript-rebuilt; emitter-appended) ---
"""Pipeline reference for scband-rgcn-87393994539773 (READ-ONLY COPY).

The authoritative reference and input builder live on the scoring server;
editing this copy changes nothing except your own understanding.
"""

import jax, jax.numpy as jnp
import numpy as np

N_NODES = 10000
N_EDGES = 320000
N_REL = 10000
DIM = 128
BATCH = 4096


def _xavier_normal(key, shape):
    fan_in, fan_out = shape[0], shape[1]
    std = (2.0 / (fan_in + fan_out)) ** 0.5
    return jax.random.normal(key, shape, dtype=jnp.float32) * std


def setup_inputs(seed: int = 0):
    key = jax.random.key(seed)
    k1, k2, k3, k4, k5, k6 = jax.random.split(key, 6)
    sample = jax.random.randint(k1, (BATCH, 3), 0, N_NODES, dtype=jnp.int32)
    edge_index = jax.random.randint(k2, (2, N_EDGES), 0, N_NODES, dtype=jnp.int32)
    edge_type = jax.random.randint(k3, (N_EDGES,), 0, N_REL, dtype=jnp.int32)
    init_embed = _xavier_normal(k4, (N_NODES, DIM))
    init_rel = _xavier_normal(k5, (N_REL, DIM))
    W = _xavier_normal(k6, (DIM, DIM))
    return {"sample": sample, "edge_index": edge_index, "edge_type": edge_type,
            "init_embed": init_embed, "init_rel": init_rel, "W": W}


def reference(sample, edge_index, edge_type, init_embed, init_rel, W):
    # edge_type is stored by the module but not consumed by conv1(x, edge_index)
    del edge_type
    src = edge_index[0]
    dst = edge_index[1]
    n = init_embed.shape[0]
    # RGCNConv message passing: gather source-node features, scatter-add to dst,
    # mean-normalize by in-degree, linear transform, tanh activation (dropout=eval/no-op)
    msg = jnp.take(init_embed, src, axis=0)
    agg = jax.ops.segment_sum(msg, dst, num_segments=n)
    deg = jax.ops.segment_sum(jnp.ones((src.shape[0],), dtype=init_embed.dtype), dst, num_segments=n)
    norm = 1.0 / jnp.maximum(deg, 1.0)
    x = jnp.tanh((agg * norm[:, None]) @ W)
    # DistMult-style triple scoring
    h = jnp.take(x, sample[:, 0], axis=0)
    r = jnp.take(init_rel, sample[:, 1], axis=0)
    t = jnp.take(x, sample[:, 2], axis=0)
    return h * (r * t)

if __name__ == "__main__":
    import jax
    _d = setup_inputs()
    print(jax.jit(kernel)(*tuple(_d.values())))

</pallas_src>

<mosaic_0001>
#map = affine_map<(d0, d1) -> (0, 0, 0)>
#map1 = affine_map<(d0, d1) -> (0, 0)>
module attributes {stable_mosaic.version = 14 : i64} {
  func.func @_aggregate(%arg0: i32, %arg1: i32, %arg2: memref<32x80x128xi32, #tpu.memory_space<hbm>>, %arg3: memref<32x80x128xi32, #tpu.memory_space<hbm>>, %arg4: memref<10000x128xf32, #tpu.memory_space<hbm>>, %arg5: memref<128x128xf32, #tpu.memory_space<hbm>>, %arg6: memref<2x10240x128xf32, #tpu.memory_space<hbm>>, %arg7: memref<2x4x128xi32, #tpu.memory_space<vmem>>, %arg8: memref<2x4x128xi32, #tpu.memory_space<vmem>>, %arg9: memref<128x128xf32, #tpu.memory_space<vmem>>, %arg10: memref<128x128xf32, #tpu.memory_space<vmem>>, %arg11: memref<10240x128xf32, #tpu.memory_space<vmem_shared>>, %arg12: memref<!tpu.dma_semaphore, #tpu.memory_space<semaphore_mem>>, %arg13: memref<!tpu.dma_semaphore, #tpu.memory_space<semaphore_mem>>) attributes {dimension_semantics = [#tpu.dimension_semantics<core_parallel>, #tpu.dimension_semantics<subcore_parallel>], iteration_bounds = array<i64: 2, 16>, scalar_prefetch = 0 : i64, scratch_operands = 7 : i64, tpu.core_type = #tpu.core_type<sc_vector_subcore>, window_params = [{transform_indices = #map}, {transform_indices = #map}, {transform_indices = #map1}, {transform_indices = #map1}, {transform_indices = #map}]} {
    %mul3A = arith.constant 16 : i32
    %mul3A_0 = arith.muli %arg0, %mul3A : i32
    %add3A = arith.addi %mul3A_0, %arg1 : i32
    "tpu.region"() ({
      %run_scoped3A_62 = tpu.sem_alloc : memref<!tpu.dma_semaphore, #tpu.memory_space<semaphore_mem>>
      tpu.enqueue_dma source(%arg5 : memref<128x128xf32, #tpu.memory_space<hbm>>) target(%arg9 : memref<128x128xf32, #tpu.memory_space<vmem>>) target_semaphore(%run_scoped3A_62 : memref<!tpu.dma_semaphore, #tpu.memory_space<semaphore_mem>>)
      tpu.wait_dma2 semaphore(%run_scoped3A_62 : memref<!tpu.dma_semaphore, #tpu.memory_space<semaphore_mem>>) src(%arg5 : memref<128x128xf32, #tpu.memory_space<hbm>>) dst(%arg9 : memref<128x128xf32, #tpu.memory_space<vmem>>)
      tpu.yield
    }) : () -> ()
    %mul3A_1 = arith.constant 640 : i32
    %mul3A_2 = arith.muli %arg1, %mul3A_1 : i32
    %add3A_3 = arith.constant 0 : i32
    %add3A_4 = arith.addi %mul3A_2, %add3A_3 : i32
    "tpu.region"() ({
      %run_scoped3A_62 = tpu.sem_alloc : memref<!tpu.dma_semaphore, #tpu.memory_space<semaphore_mem>>
      %dma_start3A_63 = arith.constant 0 : i32
      %dma_start3A_64 = tpu.memref_slice %arg11[%add3A_4, %dma_start3A_63] : memref<10240x128xf32, #tpu.memory_space<vmem_shared>> -> memref<128x128xf32, #tpu.memory_space<vmem_shared>>
      %dma_start3A_65 = arith.constant 0 : i32
      %dma_start3A_66 = tpu.memref_slice %arg11[%add3A_4, %dma_start3A_65] : memref<10240x128xf32, #tpu.memory_space<vmem_shared>> -> memref<128x128xf32, #tpu.memory_space<vmem_shared>>
      tpu.enqueue_dma source(%arg9 : memref<128x128xf32, #tpu.memory_space<vmem>>) target(%dma_start3A_66 : memref<128x128xf32, #tpu.memory_space<vmem_shared>>) target_semaphore(%run_scoped3A_62 : memref<!tpu.dma_semaphore, #tpu.memory_space<semaphore_mem>>)
      %dma_wait3A = arith.constant 0 : i32
      %dma_wait3A_67 = tpu.memref_slice %arg11[%add3A_4, %dma_wait3A] : memref<10240x128xf32, #tpu.memory_space<vmem_shared>> -> memref<128x128xf32, #tpu.memory_space<vmem_shared>>
      %dma_wait3A_68 = arith.constant 0 : i32
      %dma_wait3A_69 = tpu.memref_slice %arg11[%add3A_4, %dma_wait3A_68] : memref<10240x128xf32, #tpu.memory_space<vmem_shared>> -> memref<128x128xf32, #tpu.memory_space<vmem_shared>>
      tpu.wait_dma2 semaphore(%run_scoped3A_62 : memref<!tpu.dma_semaphore, #tpu.memory_space<semaphore_mem>>) src(%arg9 : memref<128x128xf32, #tpu.memory_space<vmem>>) dst(%dma_wait3A_69 : memref<128x128xf32, #tpu.memory_space<vmem_shared>>)
      tpu.yield
    }) : () -> ()
    %mul3A_5 = arith.constant 640 : i32
    %mul3A_6 = arith.muli %arg1, %mul3A_5 : i32
    %add3A_7 = arith.constant 128 : i32
    %add3A_8 = arith.addi %mul3A_6, %add3A_7 : i32
    "tpu.region"() ({
      %run_scoped3A_62 = tpu.sem_alloc : memref<!tpu.dma_semaphore, #tpu.memory_space<semaphore_mem>>
      %dma_start3A_63 = arith.constant 0 : i32
      %dma_start3A_64 = tpu.memref_slice %arg11[%add3A_8, %dma_start3A_63] : memref<10240x128xf32, #tpu.memory_space<vmem_shared>> -> memref<128x128xf32, #tpu.memory_space<vmem_shared>>
      %dma_start3A_65 = arith.constant 0 : i32
      %dma_start3A_66 = tpu.memref_slice %arg11[%add3A_8, %dma_start3A_65] : memref<10240x128xf32, #tpu.memory_space<vmem_shared>> -> memref<128x128xf32, #tpu.memory_space<vmem_shared>>
      tpu.enqueue_dma source(%arg9 : memref<128x128xf32, #tpu.memory_space<vmem>>) target(%dma_start3A_66 : memref<128x128xf32, #tpu.memory_space<vmem_shared>>) target_semaphore(%run_scoped3A_62 : memref<!tpu.dma_semaphore, #tpu.memory_space<semaphore_mem>>)
      %dma_wait3A = arith.constant 0 : i32
      %dma_wait3A_67 = tpu.memref_slice %arg11[%add3A_8, %dma_wait3A] : memref<10240x128xf32, #tpu.memory_space<vmem_shared>> -> memref<128x128xf32, #tpu.memory_space<vmem_shared>>
      %dma_wait3A_68 = arith.constant 0 : i32
      %dma_wait3A_69 = tpu.memref_slice %arg11[%add3A_8, %dma_wait3A_68] : memref<10240x128xf32, #tpu.memory_space<vmem_shared>> -> memref<128x128xf32, #tpu.memory_space<vmem_shared>>
      tpu.wait_dma2 semaphore(%run_scoped3A_62 : memref<!tpu.dma_semaphore, #tpu.memory_space<semaphore_mem>>) src(%arg9 : memref<128x128xf32, #tpu.memory_space<vmem>>) dst(%dma_wait3A_69 : memref<128x128xf32, #tpu.memory_space<vmem_shared>>)
      tpu.yield
    }) : () -> ()
    %mul3A_9 = arith.constant 640 : i32
    %mul3A_10 = arith.muli %arg1, %mul3A_9 : i32
    %add3A_11 = arith.constant 256 : i32
    %add3A_12 = arith.addi %mul3A_10, %add3A_11 : i32
    "tpu.region"() ({
      %run_scoped3A_62 = tpu.sem_alloc : memref<!tpu.dma_semaphore, #tpu.memory_space<semaphore_mem>>
      %dma_start3A_63 = arith.constant 0 : i32
      %dma_start3A_64 = tpu.memref_slice %arg11[%add3A_12, %dma_start3A_63] : memref<10240x128xf32, #tpu.memory_space<vmem_shared>> -> memref<128x128xf32, #tpu.memory_space<vmem_shared>>
      %dma_start3A_65 = arith.constant 0 : i32
      %dma_start3A_66 = tpu.memref_slice %arg11[%add3A_12, %dma_start3A_65] : memref<10240x128xf32, #tpu.memory_space<vmem_shared>> -> memref<128x128xf32, #tpu.memory_space<vmem_shared>>
      tpu.enqueue_dma source(%arg9 : memref<128x128xf32, #tpu.memory_space<vmem>>) target(%dma_start3A_66 : memref<128x128xf32, #tpu.memory_space<vmem_shared>>) target_semaphore(%run_scoped3A_62 : memref<!tpu.dma_semaphore, #tpu.memory_space<semaphore_mem>>)
      %dma_wait3A = arith.constant 0 : i32
      %dma_wait3A_67 = tpu.memref_slice %arg11[%add3A_12, %dma_wait3A] : memref<10240x128xf32, #tpu.memory_space<vmem_shared>> -> memref<128x128xf32, #tpu.memory_space<vmem_shared>>
      %dma_wait3A_68 = arith.constant 0 : i32
      %dma_wait3A_69 = tpu.memref_slice %arg11[%add3A_12, %dma_wait3A_68] : memref<10240x128xf32, #tpu.memory_space<vmem_shared>> -> memref<128x128xf32, #tpu.memory_space<vmem_shared>>
      tpu.wait_dma2 semaphore(%run_scoped3A_62 : memref<!tpu.dma_semaphore, #tpu.memory_space<semaphore_mem>>) src(%arg9 : memref<128x128xf32, #tpu.memory_space<vmem>>) dst(%dma_wait3A_69 : memref<128x128xf32, #tpu.memory_space<vmem_shared>>)
      tpu.yield
    }) : () -> ()
    %mul3A_13 = arith.constant 640 : i32
    %mul3A_14 = arith.muli %arg1, %mul3A_13 : i32
    %add3A_15 = arith.constant 384 : i32
    %add3A_16 = arith.addi %mul3A_14, %add3A_15 : i32
    "tpu.region"() ({
      %run_scoped3A_62 = tpu.sem_alloc : memref<!tpu.dma_semaphore, #tpu.memory_space<semaphore_mem>>
      %dma_start3A_63 = arith.constant 0 : i32
      %dma_start3A_64 = tpu.memref_slice %arg11[%add3A_16, %dma_start3A_63] : memref<10240x128xf32, #tpu.memory_space<vmem_shared>> -> memref<128x128xf32, #tpu.memory_space<vmem_shared>>
      %dma_start3A_65 = arith.constant 0 : i32
      %dma_start3A_66 = tpu.memref_slice %arg11[%add3A_16, %dma_start3A_65] : memref<10240x128xf32, #tpu.memory_space<vmem_shared>> -> memref<128x128xf32, #tpu.memory_space<vmem_shared>>
      tpu.enqueue_dma source(%arg9 : memref<128x128xf32, #tpu.memory_space<vmem>>) target(%dma_start3A_66 : memref<128x128xf32, #tpu.memory_space<vmem_shared>>) target_semaphore(%run_scoped3A_62 : memref<!tpu.dma_semaphore, #tpu.memory_space<semaphore_mem>>)
      %dma_wait3A = arith.constant 0 : i32
      %dma_wait3A_67 = tpu.memref_slice %arg11[%add3A_16, %dma_wait3A] : memref<10240x128xf32, #tpu.memory_space<vmem_shared>> -> memref<128x128xf32, #tpu.memory_space<vmem_shared>>
      %dma_wait3A_68 = arith.constant 0 : i32
      %dma_wait3A_69 = tpu.memref_slice %arg11[%add3A_16, %dma_wait3A_68] : memref<10240x128xf32, #tpu.memory_space<vmem_shared>> -> memref<128x128xf32, #tpu.memory_space<vmem_shared>>
      tpu.wait_dma2 semaphore(%run_scoped3A_62 : memref<!tpu.dma_semaphore, #tpu.memory_space<semaphore_mem>>) src(%arg9 : memref<128x128xf32, #tpu.memory_space<vmem>>) dst(%dma_wait3A_69 : memref<128x128xf32, #tpu.memory_space<vmem_shared>>)
      tpu.yield
    }) : () -> ()
    %mul3A_17 = arith.constant 640 : i32
    %mul3A_18 = arith.muli %arg1, %mul3A_17 : i32
    %add3A_19 = arith.constant 512 : i32
    %add3A_20 = arith.addi %mul3A_18, %add3A_19 : i32
    "tpu.region"() ({
      %run_scoped3A_62 = tpu.sem_alloc : memref<!tpu.dma_semaphore, #tpu.memory_space<semaphore_mem>>
      %dma_start3A_63 = arith.constant 0 : i32
      %dma_start3A_64 = tpu.memref_slice %arg11[%add3A_20, %dma_start3A_63] : memref<10240x128xf32, #tpu.memory_space<vmem_shared>> -> memref<128x128xf32, #tpu.memory_space<vmem_shared>>
      %dma_start3A_65 = arith.constant 0 : i32
      %dma_start3A_66 = tpu.memref_slice %arg11[%add3A_20, %dma_start3A_65] : memref<10240x128xf32, #tpu.memory_space<vmem_shared>> -> memref<128x128xf32, #tpu.memory_space<vmem_shared>>
      tpu.enqueue_dma source(%arg9 : memref<128x128xf32, #tpu.memory_space<vmem>>) target(%dma_start3A_66 : memref<128x128xf32, #tpu.memory_space<vmem_shared>>) target_semaphore(%run_scoped3A_62 : memref<!tpu.dma_semaphore, #tpu.memory_space<semaphore_mem>>)
      %dma_wait3A = arith.constant 0 : i32
      %dma_wait3A_67 = tpu.memref_slice %arg11[%add3A_20, %dma_wait3A] : memref<10240x128xf32, #tpu.memory_space<vmem_shared>> -> memref<128x128xf32, #tpu.memory_space<vmem_shared>>
      %dma_wait3A_68 = arith.constant 0 : i32
      %dma_wait3A_69 = tpu.memref_slice %arg11[%add3A_20, %dma_wait3A_68] : memref<10240x128xf32, #tpu.memory_space<vmem_shared>> -> memref<128x128xf32, #tpu.memory_space<vmem_shared>>
      tpu.wait_dma2 semaphore(%run_scoped3A_62 : memref<!tpu.dma_semaphore, #tpu.memory_space<semaphore_mem>>) src(%arg9 : memref<128x128xf32, #tpu.memory_space<vmem>>) dst(%dma_wait3A_69 : memref<128x128xf32, #tpu.memory_space<vmem_shared>>)
      tpu.yield
    }) : () -> ()
    %barrier3A = arith.constant 0 : index
    tpu.barrier barrier_id(%barrier3A)
    %run_scoped3A = arith.constant 0 : i32
    "tpu.region"() ({
      %run_scoped3A_62 = tpu.sem_alloc : memref<!tpu.dma_semaphore, #tpu.memory_space<semaphore_mem>>
      %dma_start3A_63 = arith.constant 0 : i32
      %dma_start3A_64 = arith.constant 0 : i32
      %dma_start3A_65 = tpu.memref_slice %arg7[%run_scoped3A, %dma_start3A_63, %dma_start3A_64] : memref<2x4x128xi32, #tpu.memory_space<vmem>> -> memref<1x4x128xi32, #tpu.memory_space<vmem>>
      %dma_start3A_66 = tpu.memref_squeeze %dma_start3A_65 : memref<1x4x128xi32, #tpu.memory_space<vmem>> -> memref<4x128xi32, #tpu.memory_space<vmem>>
      %dma_start3A_67 = arith.constant 0 : i32
      %dma_start3A_68 = arith.constant 0 : i32
      %dma_start3A_69 = tpu.memref_slice %arg2[%add3A, %dma_start3A_67, %dma_start3A_68] : memref<32x80x128xi32, #tpu.memory_space<hbm>> -> memref<1x4x128xi32, #tpu.memory_space<hbm>>
      %dma_start3A_70 = tpu.memref_squeeze %dma_start3A_69 : memref<1x4x128xi32, #tpu.memory_space<hbm>> -> memref<4x128xi32, #tpu.memory_space<hbm>>
      %dma_start3A_71 = arith.constant 0 : i32
      %dma_start3A_72 = arith.constant 0 : i32
      %dma_start3A_73 = tpu.memref_slice %arg7[%run_scoped3A, %dma_start3A_71, %dma_start3A_72] : memref<2x4x128xi32, #tpu.memory_space<vmem>> -> memref<1x4x128xi32, #tpu.memory_space<vmem>>
      %dma_start3A_74 = tpu.memref_squeeze %dma_start3A_73 : memref<1x4x128xi32, #tpu.memory_space<vmem>> -> memref<4x128xi32, #tpu.memory_space<vmem>>
      %dma_start3A_75 = arith.constant 0 : i32
      %dma_start3A_76 = arith.constant 0 : i32
      %dma_start3A_77 = tpu.memref_slice %arg2[%add3A, %dma_start3A_75, %dma_start3A_76] : memref<32x80x128xi32, #tpu.memory_space<hbm>> -> memref<1x4x128xi32, #tpu.memory_space<hbm>>
      %dma_start3A_78 = tpu.memref_squeeze %dma_start3A_77 : memref<1x4x128xi32, #tpu.memory_space<hbm>> -> memref<4x128xi32, #tpu.memory_space<hbm>>
      tpu.enqueue_dma source(%dma_start3A_78 : memref<4x128xi32, #tpu.memory_space<hbm>>) target(%dma_start3A_74 : memref<4x128xi32, #tpu.memory_space<vmem>>) target_semaphore(%run_scoped3A_62 : memref<!tpu.dma_semaphore, #tpu.memory_space<semaphore_mem>>)
      %dma_wait3A = arith.constant 0 : i32
      %dma_wait3A_79 = arith.constant 0 : i32
      %dma_wait3A_80 = tpu.memref_slice %arg7[%run_scoped3A, %dma_wait3A, %dma_wait3A_79] : memref<2x4x128xi32, #tpu.memory_space<vmem>> -> memref<1x4x128xi32, #tpu.memory_space<vmem>>
      %dma_wait3A_81 = tpu.memref_squeeze %dma_wait3A_80 : memref<1x4x128xi32, #tpu.memory_space<vmem>> -> memref<4x128xi32, #tpu.memory_space<vmem>>
      %dma_wait3A_82 = arith.constant 0 : i32
      %dma_wait3A_83 = arith.constant 0 : i32
      %dma_wait3A_84 = tpu.memref_slice %arg2[%add3A, %dma_wait3A_82, %dma_wait3A_83] : memref<32x80x128xi32, #tpu.memory_space<hbm>> -> memref<1x4x128xi32, #tpu.memory_space<hbm>>
      %dma_wait3A_85 = tpu.memref_squeeze %dma_wait3A_84 : memref<1x4x128xi32, #tpu.memory_space<hbm>> -> memref<4x128xi32, #tpu.memory_space<hbm>>
      %dma_wait3A_86 = arith.constant 0 : i32
      %dma_wait3A_87 = arith.constant 0 : i32
      %dma_wait3A_88 = tpu.memref_slice %arg7[%run_scoped3A, %dma_wait3A_86, %dma_wait3A_87] : memref<2x4x128xi32, #tpu.memory_space<vmem>> -> memref<1x4x128xi32, #tpu.memory_space<vmem>>
      %dma_wait3A_89 = tpu.memref_squeeze %dma_wait3A_88 : memref<1x4x128xi32, #tpu.memory_space<vmem>> -> memref<4x128xi32, #tpu.memory_space<vmem>>
      %dma_wait3A_90 = arith.constant 0 : i32
      %dma_wait3A_91 = arith.constant 0 : i32
      %dma_wait3A_92 = tpu.memref_slice %arg2[%add3A, %dma_wait3A_90, %dma_wait3A_91] : memref<32x80x128xi32, #tpu.memory_space<hbm>> -> memref<1x4x128xi32, #tpu.memory_space<hbm>>
      %dma_wait3A_93 = tpu.memref_squeeze %dma_wait3A_92 : memref<1x4x128xi32, #tpu.memory_space<hbm>> -> memref<4x128xi32, #tpu.memory_space<hbm>>
      tpu.wait_dma2 semaphore(%run_scoped3A_62 : memref<!tpu.dma_semaphore, #tpu.memory_space<semaphore_mem>>) src(%dma_wait3A_93 : memref<4x128xi32, #tpu.memory_space<hbm>>) dst(%dma_wait3A_89 : memref<4x128xi32, #tpu.memory_space<vmem>>)
      tpu.yield
    }) : () -> ()
    %run_scoped3A_21 = arith.constant 0 : i32
    "tpu.region"() ({
      %run_scoped3A_62 = tpu.sem_alloc : memref<!tpu.dma_semaphore, #tpu.memory_space<semaphore_mem>>
      %dma_start3A_63 = arith.constant 0 : i32
      %dma_start3A_64 = arith.constant 0 : i32
      %dma_start3A_65 = tpu.memref_slice %arg8[%run_scoped3A_21, %dma_start3A_63, %dma_start3A_64] : memref<2x4x128xi32, #tpu.memory_space<vmem>> -> memref<1x4x128xi32, #tpu.memory_space<vmem>>
      %dma_start3A_66 = tpu.memref_squeeze %dma_start3A_65 : memref<1x4x128xi32, #tpu.memory_space<vmem>> -> memref<4x128xi32, #tpu.memory_space<vmem>>
      %dma_start3A_67 = arith.constant 0 : i32
      %dma_start3A_68 = arith.constant 0 : i32
      %dma_start3A_69 = tpu.memref_slice %arg3[%add3A, %dma_start3A_67, %dma_start3A_68] : memref<32x80x128xi32, #tpu.memory_space<hbm>> -> memref<1x4x128xi32, #tpu.memory_space<hbm>>
      %dma_start3A_70 = tpu.memref_squeeze %dma_start3A_69 : memref<1x4x128xi32, #tpu.memory_space<hbm>> -> memref<4x128xi32, #tpu.memory_space<hbm>>
      %dma_start3A_71 = arith.constant 0 : i32
      %dma_start3A_72 = arith.constant 0 : i32
      %dma_start3A_73 = tpu.memref_slice %arg8[%run_scoped3A_21, %dma_start3A_71, %dma_start3A_72] : memref<2x4x128xi32, #tpu.memory_space<vmem>> -> memref<1x4x128xi32, #tpu.memory_space<vmem>>
      %dma_start3A_74 = tpu.memref_squeeze %dma_start3A_73 : memref<1x4x128xi32, #tpu.memory_space<vmem>> -> memref<4x128xi32, #tpu.memory_space<vmem>>
      %dma_start3A_75 = arith.constant 0 : i32
      %dma_start3A_76 = arith.constant 0 : i32
      %dma_start3A_77 = tpu.memref_slice %arg3[%add3A, %dma_start3A_75, %dma_start3A_76] : memref<32x80x128xi32, #tpu.memory_space<hbm>> -> memref<1x4x128xi32, #tpu.memory_space<hbm>>
      %dma_start3A_78 = tpu.memref_squeeze %dma_start3A_77 : memref<1x4x128xi32, #tpu.memory_space<hbm>> -> memref<4x128xi32, #tpu.memory_space<hbm>>
      tpu.enqueue_dma source(%dma_start3A_78 : memref<4x128xi32, #tpu.memory_space<hbm>>) target(%dma_start3A_74 : memref<4x128xi32, #tpu.memory_space<vmem>>) target_semaphore(%run_scoped3A_62 : memref<!tpu.dma_semaphore, #tpu.memory_space<semaphore_mem>>)
      %dma_wait3A = arith.constant 0 : i32
      %dma_wait3A_79 = arith.constant 0 : i32
      %dma_wait3A_80 = tpu.memref_slice %arg8[%run_scoped3A_21, %dma_wait3A, %dma_wait3A_79] : memref<2x4x128xi32, #tpu.memory_space<vmem>> -> memref<1x4x128xi32, #tpu.memory_space<vmem>>
      %dma_wait3A_81 = tpu.memref_squeeze %dma_wait3A_80 : memref<1x4x128xi32, #tpu.memory_space<vmem>> -> memref<4x128xi32, #tpu.memory_space<vmem>>
      %dma_wait3A_82 = arith.constant 0 : i32
      %dma_wait3A_83 = arith.constant 0 : i32
      %dma_wait3A_84 = tpu.memref_slice %arg3[%add3A, %dma_wait3A_82, %dma_wait3A_83] : memref<32x80x128xi32, #tpu.memory_space<hbm>> -> memref<1x4x128xi32, #tpu.memory_space<hbm>>
      %dma_wait3A_85 = tpu.memref_squeeze %dma_wait3A_84 : memref<1x4x128xi32, #tpu.memory_space<hbm>> -> memref<4x128xi32, #tpu.memory_space<hbm>>
      %dma_wait3A_86 = arith.constant 0 : i32
      %dma_wait3A_87 = arith.constant 0 : i32
      %dma_wait3A_88 = tpu.memref_slice %arg8[%run_scoped3A_21, %dma_wait3A_86, %dma_wait3A_87] : memref<2x4x128xi32, #tpu.memory_space<vmem>> -> memref<1x4x128xi32, #tpu.memory_space<vmem>>
      %dma_wait3A_89 = tpu.memref_squeeze %dma_wait3A_88 : memref<1x4x128xi32, #tpu.memory_space<vmem>> -> memref<4x128xi32, #tpu.memory_space<vmem>>
      %dma_wait3A_90 = arith.constant 0 : i32
      %dma_wait3A_91 = arith.constant 0 : i32
      %dma_wait3A_92 = tpu.memref_slice %arg3[%add3A, %dma_wait3A_90, %dma_wait3A_91] : memref<32x80x128xi32, #tpu.memory_space<hbm>> -> memref<1x4x128xi32, #tpu.memory_space<hbm>>
      %dma_wait3A_93 = tpu.memref_squeeze %dma_wait3A_92 : memref<1x4x128xi32, #tpu.memory_space<hbm>> -> memref<4x128xi32, #tpu.memory_space<hbm>>
      tpu.wait_dma2 semaphore(%run_scoped3A_62 : memref<!tpu.dma_semaphore, #tpu.memory_space<semaphore_mem>>) src(%dma_wait3A_93 : memref<4x128xi32, #tpu.memory_space<hbm>>) dst(%dma_wait3A_89 : memref<4x128xi32, #tpu.memory_space<vmem>>)
      tpu.yield
    }) : () -> ()
    %dma_start3A = arith.constant 0 : i32
    %dma_start3A_22 = arith.constant 0 : i32
    %dma_start3A_23 = arith.constant 0 : i32
    %dma_start3A_24 = tpu.memref_slice %arg7[%dma_start3A, %dma_start3A_22, %dma_start3A_23] : memref<2x4x128xi32, #tpu.memory_space<vmem>> -> memref<1x1x128xi32, #tpu.memory_space<vmem>>
    %dma_start3A_25 = tpu.memref_squeeze %dma_start3A_24 : memref<1x1x128xi32, #tpu.memory_space<vmem>> -> memref<128xi32, #tpu.memory_space<vmem>>
    %dma_start3A_26 = arith.constant 0 : i32
    %dma_start3A_27 = arith.constant 0 : i32
    %dma_start3A_28 = tpu.memref_slice %arg4[%dma_start3A_26, %dma_start3A_27] : memref<10000x128xf32, #tpu.memory_space<hbm>> -> memref<10000x128xf32, #tpu.memory_space<hbm>>
    tpu.enqueue_indirect_dma source(%dma_start3A_28 : memref<10000x128xf32, #tpu.memory_space<hbm>>) target(%arg9 : memref<128x128xf32, #tpu.memory_space<vmem>>) offsets(%dma_start3A_25 : memref<128xi32, #tpu.memory_space<vmem>>) semaphore(%arg12 : memref<!tpu.dma_semaphore, #tpu.memory_space<semaphore_mem>>)
    %dma_start3A_29 = arith.constant 0 : i32
    %dma_start3A_30 = arith.constant 1 : i32
    %dma_start3A_31 = arith.constant 0 : i32
    %dma_start3A_32 = tpu.memref_slice %arg7[%dma_start3A_29, %dma_start3A_30, %dma_start3A_31] : memref<2x4x128xi32, #tpu.memory_space<vmem>> -> memref<1x1x128xi32, #tpu.memory_space<vmem>>
    %dma_start3A_33 = tpu.memref_squeeze %dma_start3A_32 : memref<1x1x128xi32, #tpu.memory_space<vmem>> -> memref<128xi32, #tpu.memory_space<vmem>>
    %dma_start3A_34 = arith.constant 0 : i32
    %dma_start3A_35 = arith.constant 0 : i32
    %dma_start3A_36 = tpu.memref_slice %arg4[%dma_start3A_34, %dma_start3A_35] : memref<10000x128xf32, #tpu.memory_space<hbm>> -> memref<10000x128xf32, #tpu.memory_space<hbm>>
    tpu.enqueue_indirect_dma source(%dma_start3A_36 : memref<10000x128xf32, #tpu.memory_space<hbm>>) target(%arg10 : memref<128x128xf32, #tpu.memory_space<vmem>>) offsets(%dma_start3A_33 : memref<128xi32, #tpu.memory_space<vmem>>) semaphore(%arg13 : memref<!tpu.dma_semaphore, #tpu.memory_space<semaphore_mem>>)
    %scan3A = arith.constant 0 : i32
    %scan3A_37 = arith.constant 20 : i32
    %scan3A_38 = arith.addi %scan3A, %scan3A_37 : i32
    %scan3A_39 = arith.constant 1 : i32
    scf.for %scan3A_62 = %scan3A to %scan3A_38 step %scan3A_39  : i32 {
      %mul3A_63 = arith.constant 1 : i32
      %mul3A_64 = arith.muli %scan3A_62, %mul3A_63 : i32
      %add3A_65 = arith.constant 0 : i32
      %add3A_66 = arith.addi %add3A_65, %mul3A_64 : i32
      %rem3A = arith.constant 2 : i32
      %rem3A_67 = arith.remsi %add3A_66, %rem3A : i32
      %sub3A = arith.constant 1 : i32
      %sub3A_68 = arith.subi %sub3A, %rem3A_67 : i32
      %add3A_69 = arith.constant 1 : i32
      %add3A_70 = arith.addi %add3A_66, %add3A_69 : i32
      %lt3A = arith.constant 20 : i32
      %lt3A_71 = arith.cmpi slt, %add3A_70, %lt3A : i32
      %convert_element_type3A = arith.extui %lt3A_71 : i1 to i32
      %cond3A = arith.constant 0 : i32
      %cond3A_72 = arith.cmpi ne, %convert_element_type3A, %cond3A : i32
      scf.if %cond3A_72 {
        %add3A_132 = arith.constant 1 : i32
        %add3A_133 = arith.addi %add3A_66, %add3A_132 : i32
        %mul3A_134 = arith.constant 4 : i32
        %mul3A_135 = arith.muli %add3A_133, %mul3A_134 : i32
        "tpu.region"() ({
          %run_scoped3A_140 = tpu.sem_alloc : memref<!tpu.dma_semaphore, #tpu.memory_space<semaphore_mem>>
          %dma_start3A_141 = arith.constant 0 : i32
          %dma_start3A_142 = arith.constant 0 : i32
          %dma_start3A_143 = tpu.memref_slice %arg7[%sub3A_68, %dma_start3A_141, %dma_start3A_142] : memref<2x4x128xi32, #tpu.memory_space<vmem>> -> memref<1x4x128xi32, #tpu.memory_space<vmem>>
          %dma_start3A_144 = tpu.memref_squeeze %dma_start3A_143 : memref<1x4x128xi32, #tpu.memory_space<vmem>> -> memref<4x128xi32, #tpu.memory_space<vmem>>
          %dma_start3A_145 = arith.constant 0 : i32
          %dma_start3A_146 = tpu.memref_slice %arg2[%add3A, %mul3A_135, %dma_start3A_145] : memref<32x80x128xi32, #tpu.memory_space<hbm>> -> memref<1x4x128xi32, #tpu.memory_space<hbm>>
          %dma_start3A_147 = tpu.memref_squeeze %dma_start3A_146 : memref<1x4x128xi32, #tpu.memory_space<hbm>> -> memref<4x128xi32, #tpu.memory_space<hbm>>
          %dma_start3A_148 = arith.constant 0 : i32
          %dma_start3A_149 = arith.constant 0 : i32
          %dma_start3A_150 = tpu.memref_slice %arg7[%sub3A_68, %dma_start3A_148, %dma_start3A_149] : memref<2x4x128xi32, #tpu.memory_space<vmem>> -> memref<1x4x128xi32, #tpu.memory_space<vmem>>
          %dma_start3A_151 = tpu.memref_squeeze %dma_start3A_150 : memref<1x4x128xi32, #tpu.memory_space<vmem>> -> memref<4x128xi32, #tpu.memory_space<vmem>>
          %dma_start3A_152 = arith.constant 0 : i32
          %dma_start3A_153 = tpu.memref_slice %arg2[%add3A, %mul3A_135, %dma_start3A_152] : memref<32x80x128xi32, #tpu.memory_space<hbm>> -> memref<1x4x128xi32, #tpu.memory_space<hbm>>
          %dma_start3A_154 = tpu.memref_squeeze %dma_start3A_153 : memref<1x4x128xi32, #tpu.memory_space<hbm>> -> memref<4x128xi32, #tpu.memory_space<hbm>>
          tpu.enqueue_dma source(%dma_start3A_154 : memref<4x128xi32, #tpu.memory_space<hbm>>) target(%dma_start3A_151 : memref<4x128xi32, #tpu.memory_space<vmem>>) target_semaphore(%run_scoped3A_140 : memref<!tpu.dma_semaphore, #tpu.memory_space<semaphore_mem>>)
          %dma_wait3A_155 = arith.constant 0 : i32
          %dma_wait3A_156 = arith.constant 0 : i32
          %dma_wait3A_157 = tpu.memref_slice %arg7[%sub3A_68, %dma_wait3A_155, %dma_wait3A_156] : memref<2x4x128xi32, #tpu.memory_space<vmem>> -> memref<1x4x128xi32, #tpu.memory_space<vmem>>
          %dma_wait3A_158 = tpu.memref_squeeze %dma_wait3A_157 : memref<1x4x128xi32, #tpu.memory_space<vmem>> -> memref<4x128xi32, #tpu.memory_space<vmem>>
          %dma_wait3A_159 = arith.constant 0 : i32
          %dma_wait3A_160 = tpu.memref_slice %arg2[%add3A, %mul3A_135, %dma_wait3A_159] : memref<32x80x128xi32, #tpu.memory_space<hbm>> -> memref<1x4x128xi32, #tpu.memory_space<hbm>>
          %dma_wait3A_161 = tpu.memref_squeeze %dma_wait3A_160 : memref<1x4x128xi32, #tpu.memory_space<hbm>> -> memref<4x128xi32, #tpu.memory_space<hbm>>
          %dma_wait3A_162 = arith.constant 0 : i32
          %dma_wait3A_163 = arith.constant 0 : i32
          %dma_wait3A_164 = tpu.memref_slice %arg7[%sub3A_68, %dma_wait3A_162, %dma_wait3A_163] : memref<2x4x128xi32, #tpu.memory_space<vmem>> -> memref<1x4x128xi32, #tpu.memory_space<vmem>>
          %dma_wait3A_165 = tpu.memref_squeeze %dma_wait3A_164 : memref<1x4x128xi32, #tpu.memory_space<vmem>> -> memref<4x128xi32, #tpu.memory_space<vmem>>
          %dma_wait3A_166 = arith.constant 0 : i32
          %dma_wait3A_167 = tpu.memref_slice %arg2[%add3A, %mul3A_135, %dma_wait3A_166] : memref<32x80x128xi32, #tpu.memory_space<hbm>> -> memref<1x4x128xi32, #tpu.memory_space<hbm>>
          %dma_wait3A_168 = tpu.memref_squeeze %dma_wait3A_167 : memref<1x4x128xi32, #tpu.memory_space<hbm>> -> memref<4x128xi32, #tpu.memory_space<hbm>>
          tpu.wait_dma2 semaphore(%run_scoped3A_140 : memref<!tpu.dma_semaphore, #tpu.memory_space<semaphore_mem>>) src(%dma_wait3A_168 : memref<4x128xi32, #tpu.memory_space<hbm>>) dst(%dma_wait3A_165 : memref<4x128xi32, #tpu.memory_space<vmem>>)
          tpu.yield
        }) : () -> ()
        %add3A_136 = arith.constant 1 : i32
        %add3A_137 = arith.addi %add3A_66, %add3A_136 : i32
        %mul3A_138 = arith.constant 4 : i32
        %mul3A_139 = arith.muli %add3A_137, %mul3A_138 : i32
        "tpu.region"() ({
          %run_scoped3A_140 = tpu.sem_alloc : memref<!tpu.dma_semaphore, #tpu.memory_space<semaphore_mem>>
          %dma_start3A_141 = arith.constant 0 : i32
          %dma_start3A_142 = arith.constant 0 : i32
          %dma_start3A_143 = tpu.memref_slice %arg8[%sub3A_68, %dma_start3A_141, %dma_start3A_142] : memref<2x4x128xi32, #tpu.memory_space<vmem>> -> memref<1x4x128xi32, #tpu.memory_space<vmem>>
          %dma_start3A_144 = tpu.memref_squeeze %dma_start3A_143 : memref<1x4x128xi32, #tpu.memory_space<vmem>> -> memref<4x128xi32, #tpu.memory_space<vmem>>
          %dma_start3A_145 = arith.constant 0 : i32
          %dma_start3A_146 = tpu.memref_slice %arg3[%add3A, %mul3A_139, %dma_start3A_145] : memref<32x80x128xi32, #tpu.memory_space<hbm>> -> memref<1x4x128xi32, #tpu.memory_space<hbm>>
          %dma_start3A_147 = tpu.memref_squeeze %dma_start3A_146 : memref<1x4x128xi32, #tpu.memory_space<hbm>> -> memref<4x128xi32, #tpu.memory_space<hbm>>
          %dma_start3A_148 = arith.constant 0 : i32
          %dma_start3A_149 = arith.constant 0 : i32
          %dma_start3A_150 = tpu.memref_slice %arg8[%sub3A_68, %dma_start3A_148, %dma_start3A_149] : memref<2x4x128xi32, #tpu.memory_space<vmem>> -> memref<1x4x128xi32, #tpu.memory_space<vmem>>
          %dma_start3A_151 = tpu.memref_squeeze %dma_start3A_150 : memref<1x4x128xi32, #tpu.memory_space<vmem>> -> memref<4x128xi32, #tpu.memory_space<vmem>>
          %dma_start3A_152 = arith.constant 0 : i32
          %dma_start3A_153 = tpu.memref_slice %arg3[%add3A, %mul3A_139, %dma_start3A_152] : memref<32x80x128xi32, #tpu.memory_space<hbm>> -> memref<1x4x128xi32, #tpu.memory_space<hbm>>
          %dma_start3A_154 = tpu.memref_squeeze %dma_start3A_153 : memref<1x4x128xi32, #tpu.memory_space<hbm>> -> memref<4x128xi32, #tpu.memory_space<hbm>>
          tpu.enqueue_dma source(%dma_start3A_154 : memref<4x128xi32, #tpu.memory_space<hbm>>) target(%dma_start3A_151 : memref<4x128xi32, #tpu.memory_space<vmem>>) target_semaphore(%run_scoped3A_140 : memref<!tpu.dma_semaphore, #tpu.memory_space<semaphore_mem>>)
          %dma_wait3A_155 = arith.constant 0 : i32
          %dma_wait3A_156 = arith.constant 0 : i32
          %dma_wait3A_157 = tpu.memref_slice %arg8[%sub3A_68, %dma_wait3A_155, %dma_wait3A_156] : memref<2x4x128xi32, #tpu.memory_space<vmem>> -> memref<1x4x128xi32, #tpu.memory_space<vmem>>
          %dma_wait3A_158 = tpu.memref_squeeze %dma_wait3A_157 : memref<1x4x128xi32, #tpu.memory_space<vmem>> -> memref<4x128xi32, #tpu.memory_space<vmem>>
          %dma_wait3A_159 = arith.constant 0 : i32
          %dma_wait3A_160 = tpu.memref_slice %arg3[%add3A, %mul3A_139, %dma_wait3A_159] : memref<32x80x128xi32, #tpu.memory_space<hbm>> -> memref<1x4x128xi32, #tpu.memory_space<hbm>>
          %dma_wait3A_161 = tpu.memref_squeeze %dma_wait3A_160 : memref<1x4x128xi32, #tpu.memory_space<hbm>> -> memref<4x128xi32, #tpu.memory_space<hbm>>
          %dma_wait3A_162 = arith.constant 0 : i32
          %dma_wait3A_163 = arith.constant 0 : i32
          %dma_wait3A_164 = tpu.memref_slice %arg8[%sub3A_68, %dma_wait3A_162, %dma_wait3A_163] : memref<2x4x128xi32, #tpu.memory_space<vmem>> -> memref<1x4x128xi32, #tpu.memory_space<vmem>>
          %dma_wait3A_165 = tpu.memref_squeeze %dma_wait3A_164 : memref<1x4x128xi32, #tpu.memory_space<vmem>> -> memref<4x128xi32, #tpu.memory_space<vmem>>
          %dma_wait3A_166 = arith.constant 0 : i32
          %dma_wait3A_167 = tpu.memref_slice %arg3[%add3A, %mul3A_139, %dma_wait3A_166] : memref<32x80x128xi32, #tpu.memory_space<hbm>> -> memref<1x4x128xi32, #tpu.memory_space<hbm>>
          %dma_wait3A_168 = tpu.memref_squeeze %dma_wait3A_167 : memref<1x4x128xi32, #tpu.memory_space<hbm>> -> memref<4x128xi32, #tpu.memory_space<hbm>>
          tpu.wait_dma2 semaphore(%run_scoped3A_140 : memref<!tpu.dma_semaphore, #tpu.memory_space<semaphore_mem>>) src(%dma_wait3A_168 : memref<4x128xi32, #tpu.memory_space<hbm>>) dst(%dma_wait3A_165 : memref<4x128xi32, #tpu.memory_space<vmem>>)
          tpu.yield
        }) : () -> ()
      } else {
      }
      %dma_wait3A = arith.constant 0 : i32
      %dma_wait3A_73 = arith.constant 0 : i32
      %dma_wait3A_74 = tpu.memref_slice %arg7[%rem3A_67, %dma_wait3A, %dma_wait3A_73] : memref<2x4x128xi32, #tpu.memory_space<vmem>> -> memref<1x1x128xi32, #tpu.memory_space<vmem>>
      %dma_wait3A_75 = tpu.memref_squeeze %dma_wait3A_74 : memref<1x1x128xi32, #tpu.memory_space<vmem>> -> memref<128xi32, #tpu.memory_space<vmem>>
      %dma_wait3A_76 = arith.constant 0 : i32
      %dma_wait3A_77 = arith.constant 0 : i32
      %dma_wait3A_78 = tpu.memref_slice %arg4[%dma_wait3A_76, %dma_wait3A_77] : memref<10000x128xf32, #tpu.memory_space<hbm>> -> memref<10000x128xf32, #tpu.memory_space<hbm>>
      tpu.wait_indirect_dma semaphore(%arg12 : memref<!tpu.dma_semaphore, #tpu.memory_space<semaphore_mem>>) src(%dma_wait3A_78 : memref<10000x128xf32, #tpu.memory_space<hbm>>) dst(%arg9 : memref<128x128xf32, #tpu.memory_space<vmem>>)
      %run_scoped3A_79 = arith.constant 0 : i32
      "tpu.region"() ({
        %run_scoped3A_132 = tpu.sem_alloc : memref<!tpu.dma_semaphore, #tpu.memory_space<semaphore_mem>>
        %dma_start3A_133 = arith.constant 0 : i32
        %dma_start3A_134 = tpu.memref_slice %arg8[%rem3A_67, %run_scoped3A_79, %dma_start3A_133] : memref<2x4x128xi32, #tpu.memory_space<vmem>> -> memref<1x1x128xi32, #tpu.memory_space<vmem>>
        %dma_start3A_135 = tpu.memref_squeeze %dma_start3A_134 : memref<1x1x128xi32, #tpu.memory_space<vmem>> -> memref<128xi32, #tpu.memory_space<vmem>>
        %dma_start3A_136 = arith.constant 0 : i32
        %dma_start3A_137 = arith.constant 0 : i32
        %dma_start3A_138 = tpu.memref_slice %arg11[%dma_start3A_136, %dma_start3A_137] : memref<10240x128xf32, #tpu.memory_space<vmem_shared>> -> memref<10240x128xf32, #tpu.memory_space<vmem_shared>>
        tpu.enqueue_indirect_dma source(%arg9 : memref<128x128xf32, #tpu.memory_space<vmem>>) target(%dma_start3A_138 : memref<10240x128xf32, #tpu.memory_space<vmem_shared>>) offsets(%dma_start3A_135 : memref<128xi32, #tpu.memory_space<vmem>>) semaphore(%run_scoped3A_132 : memref<!tpu.dma_semaphore, #tpu.memory_space<semaphore_mem>>) {add = true}
        %dma_wait3A_139 = arith.constant 0 : i32
        %dma_wait3A_140 = tpu.memref_slice %arg8[%rem3A_67, %run_scoped3A_79, %dma_wait3A_139] : memref<2x4x128xi32, #tpu.memory_space<vmem>> -> memref<1x1x128xi32, #tpu.memory_space<vmem>>
        %dma_wait3A_141 = tpu.memref_squeeze %dma_wait3A_140 : memref<1x1x128xi32, #tpu.memory_space<vmem>> -> memref<128xi32, #tpu.memory_space<vmem>>
        %dma_wait3A_142 = arith.constant 0 : i32
        %dma_wait3A_143 = arith.constant 0 : i32
        %dma_wait3A_144 = tpu.memref_slice %arg11[%dma_wait3A_142, %dma_wait3A_143] : memref<10240x128xf32, #tpu.memory_space<vmem_shared>> -> memref<10240x128xf32, #tpu.memory_space<vmem_shared>>
        tpu.wait_indirect_dma semaphore(%run_scoped3A_132 : memref<!tpu.dma_semaphore, #tpu.memory_space<semaphore_mem>>) src(%arg9 : memref<128x128xf32, #tpu.memory_space<vmem>>) dst(%dma_wait3A_144 : memref<10240x128xf32, #tpu.memory_space<vmem_shared>>)
        tpu.yield
      }) : () -> ()
      %dma_start3A_80 = arith.constant 2 : i32
      %dma_start3A_81 = arith.constant 0 : i32
      %dma_start3A_82 = tpu.memref_slice %arg7[%rem3A_67, %dma_start3A_80, %dma_start3A_81] : memref<2x4x128xi32, #tpu.memory_space<vmem>> -> memref<1x1x128xi32, #tpu.memory_space<vmem>>
      %dma_start3A_83 = tpu.memref_squeeze %dma_start3A_82 : memref<1x1x128xi32, #tpu.memory_space<vmem>> -> memref<128xi32, #tpu.memory_space<vmem>>
      %dma_start3A_84 = arith.constant 0 : i32
      %dma_start3A_85 = arith.constant 0 : i32
      %dma_start3A_86 = tpu.memref_slice %arg4[%dma_start3A_84, %dma_start3A_85] : memref<10000x128xf32, #tpu.memory_space<hbm>> -> memref<10000x128xf32, #tpu.memory_space<hbm>>
      tpu.enqueue_indirect_dma source(%dma_start3A_86 : memref<10000x128xf32, #tpu.memory_space<hbm>>) target(%arg9 : memref<128x128xf32, #tpu.memory_space<vmem>>) offsets(%dma_start3A_83 : memref<128xi32, #tpu.memory_space<vmem>>) semaphore(%arg12 : memref<!tpu.dma_semaphore, #tpu.memory_space<semaphore_mem>>)
      %dma_wait3A_87 = arith.constant 1 : i32
      %dma_wait3A_88 = arith.constant 0 : i32
      %dma_wait3A_89 = tpu.memref_slice %arg7[%rem3A_67, %dma_wait3A_87, %dma_wait3A_88] : memref<2x4x128xi32, #tpu.memory_space<vmem>> -> memref<1x1x128xi32, #tpu.memory_space<vmem>>
      %dma_wait3A_90 = tpu.memref_squeeze %dma_wait3A_89 : memref<1x1x128xi32, #tpu.memory_space<vmem>> -> memref<128xi32, #tpu.memory_space<vmem>>
      %dma_wait3A_91 = arith.constant 0 : i32
      %dma_wait3A_92 = arith.constant 0 : i32
      %dma_wait3A_93 = tpu.memref_slice %arg4[%dma_wait3A_91, %dma_wait3A_92] : memref<10000x128xf32, #tpu.memory_space<hbm>> -> memref<10000x128xf32, #tpu.memory_space<hbm>>
      tpu.wait_indirect_dma semaphore(%arg13 : memref<!tpu.dma_semaphore, #tpu.memory_space<semaphore_mem>>) src(%dma_wait3A_93 : memref<10000x128xf32, #tpu.memory_space<hbm>>) dst(%arg10 : memref<128x128xf32, #tpu.memory_space<vmem>>)
      %run_scoped3A_94 = arith.constant 1 : i32
      "tpu.region"() ({
        %run_scoped3A_132 = tpu.sem_alloc : memref<!tpu.dma_semaphore, #tpu.memory_space<semaphore_mem>>
        %dma_start3A_133 = arith.constant 0 : i32
        %dma_start3A_134 = tpu.memref_slice %arg8[%rem3A_67, %run_scoped3A_94, %dma_start3A_133] : memref<2x4x128xi32, #tpu.memory_space<vmem>> -> memref<1x1x128xi32, #tpu.memory_space<vmem>>
        %dma_start3A_135 = tpu.memref_squeeze %dma_start3A_134 : memref<1x1x128xi32, #tpu.memory_space<vmem>> -> memref<128xi32, #tpu.memory_space<vmem>>
        %dma_start3A_136 = arith.constant 0 : i32
        %dma_start3A_137 = arith.constant 0 : i32
        %dma_start3A_138 = tpu.memref_slice %arg11[%dma_start3A_136, %dma_start3A_137] : memref<10240x128xf32, #tpu.memory_space<vmem_shared>> -> memref<10240x128xf32, #tpu.memory_space<vmem_shared>>
        tpu.enqueue_indirect_dma source(%arg10 : memref<128x128xf32, #tpu.memory_space<vmem>>) target(%dma_start3A_138 : memref<10240x128xf32, #tpu.memory_space<vmem_shared>>) offsets(%dma_start3A_135 : memref<128xi32, #tpu.memory_space<vmem>>) semaphore(%run_scoped3A_132 : memref<!tpu.dma_semaphore, #tpu.memory_space<semaphore_mem>>) {add = true}
        %dma_wait3A_139 = arith.constant 0 : i32
        %dma_wait3A_140 = tpu.memref_slice %arg8[%rem3A_67, %run_scoped3A_94, %dma_wait3A_139] : memref<2x4x128xi32, #tpu.memory_space<vmem>> -> memref<1x1x128xi32, #tpu.memory_space<vmem>>
        %dma_wait3A_141 = tpu.memref_squeeze %dma_wait3A_140 : memref<1x1x128xi32, #tpu.memory_space<vmem>> -> memref<128xi32, #tpu.memory_space<vmem>>
        %dma_wait3A_142 = arith.constant 0 : i32
        %dma_wait3A_143 = arith.constant 0 : i32
        %dma_wait3A_144 = tpu.memref_slice %arg11[%dma_wait3A_142, %dma_wait3A_143] : memref<10240x128xf32, #tpu.memory_space<vmem_shared>> -> memref<10240x128xf32, #tpu.memory_space<vmem_shared>>
        tpu.wait_indirect_dma semaphore(%run_scoped3A_132 : memref<!tpu.dma_semaphore, #tpu.memory_space<semaphore_mem>>) src(%arg10 : memref<128x128xf32, #tpu.memory_space<vmem>>) dst(%dma_wait3A_144 : memref<10240x128xf32, #tpu.memory_space<vmem_shared>>)
        tpu.yield
      }) : () -> ()
      %dma_start3A_95 = arith.constant 3 : i32
      %dma_start3A_96 = arith.constant 0 : i32
      %dma_start3A_97 = tpu.memref_slice %arg7[%rem3A_67, %dma_start3A_95, %dma_start3A_96] : memref<2x4x128xi32, #tpu.memory_space<vmem>> -> memref<1x1x128xi32, #tpu.memory_space<vmem>>
      %dma_start3A_98 = tpu.memref_squeeze %dma_start3A_97 : memref<1x1x128xi32, #tpu.memory_space<vmem>> -> memref<128xi32, #tpu.memory_space<vmem>>
      %dma_start3A_99 = arith.constant 0 : i32
      %dma_start3A_100 = arith.constant 0 : i32
      %dma_start3A_101 = tpu.memref_slice %arg4[%dma_start3A_99, %dma_start3A_100] : memref<10000x128xf32, #tpu.memory_space<hbm>> -> memref<10000x128xf32, #tpu.memory_space<hbm>>
      tpu.enqueue_indirect_dma source(%dma_start3A_101 : memref<10000x128xf32, #tpu.memory_space<hbm>>) target(%arg10 : memref<128x128xf32, #tpu.memory_space<vmem>>) offsets(%dma_start3A_98 : memref<128xi32, #tpu.memory_space<vmem>>) semaphore(%arg13 : memref<!tpu.dma_semaphore, #tpu.memory_space<semaphore_mem>>)
      %dma_wait3A_102 = arith.constant 2 : i32
      %dma_wait3A_103 = arith.constant 0 : i32
      %dma_wait3A_104 = tpu.memref_slice %arg7[%rem3A_67, %dma_wait3A_102, %dma_wait3A_103] : memref<2x4x128xi32, #tpu.memory_space<vmem>> -> memref<1x1x128xi32, #tpu.memory_space<vmem>>
      %dma_wait3A_105 = tpu.memref_squeeze %dma_wait3A_104 : memref<1x1x128xi32, #tpu.memory_space<vmem>> -> memref<128xi32, #tpu.memory_space<vmem>>
      %dma_wait3A_106 = arith.constant 0 : i32
      %dma_wait3A_107 = arith.constant 0 : i32
      %dma_wait3A_108 = tpu.memref_slice %arg4[%dma_wait3A_106, %dma_wait3A_107] : memref<10000x128xf32, #tpu.memory_space<hbm>> -> memref<10000x128xf32, #tpu.memory_space<hbm>>
      tpu.wait_indirect_dma semaphore(%arg12 : memref<!tpu.dma_semaphore, #tpu.memory_space<semaphore_mem>>) src(%dma_wait3A_108 : memref<10000x128xf32, #tpu.memory_space<hbm>>) dst(%arg9 : memref<128x128xf32, #tpu.memory_space<vmem>>)
      %run_scoped3A_109 = arith.constant 2 : i32
      "tpu.region"() ({
        %run_scoped3A_132 = tpu.sem_alloc : memref<!tpu.dma_semaphore, #tpu.memory_space<semaphore_mem>>
        %dma_start3A_133 = arith.constant 0 : i32
        %dma_start3A_134 = tpu.memref_slice %arg8[%rem3A_67, %run_scoped3A_109, %dma_start3A_133] : memref<2x4x128xi32, #tpu.memory_space<vmem>> -> memref<1x1x128xi32, #tpu.memory_space<vmem>>
        %dma_start3A_135 = tpu.memref_squeeze %dma_start3A_134 : memref<1x1x128xi32, #tpu.memory_space<vmem>> -> memref<128xi32, #tpu.memory_space<vmem>>
        %dma_start3A_136 = arith.constant 0 : i32
        %dma_start3A_137 = arith.constant 0 : i32
        %dma_start3A_138 = tpu.memref_slice %arg11[%dma_start3A_136, %dma_start3A_137] : memref<10240x128xf32, #tpu.memory_space<vmem_shared>> -> memref<10240x128xf32, #tpu.memory_space<vmem_shared>>
        tpu.enqueue_indirect_dma source(%arg9 : memref<128x128xf32, #tpu.memory_space<vmem>>) target(%dma_start3A_138 : memref<10240x128xf32, #tpu.memory_space<vmem_shared>>) offsets(%dma_start3A_135 : memref<128xi32, #tpu.memory_space<vmem>>) semaphore(%run_scoped3A_132 : memref<!tpu.dma_semaphore, #tpu.memory_space<semaphore_mem>>) {add = true}
        %dma_wait3A_139 = arith.constant 0 : i32
        %dma_wait3A_140 = tpu.memref_slice %arg8[%rem3A_67, %run_scoped3A_109, %dma_wait3A_139] : memref<2x4x128xi32, #tpu.memory_space<vmem>> -> memref<1x1x128xi32, #tpu.memory_space<vmem>>
        %dma_wait3A_141 = tpu.memref_squeeze %dma_wait3A_140 : memref<1x1x128xi32, #tpu.memory_space<vmem>> -> memref<128xi32, #tpu.memory_space<vmem>>
        %dma_wait3A_142 = arith.constant 0 : i32
        %dma_wait3A_143 = arith.constant 0 : i32
        %dma_wait3A_144 = tpu.memref_slice %arg11[%dma_wait3A_142, %dma_wait3A_143] : memref<10240x128xf32, #tpu.memory_space<vmem_shared>> -> memref<10240x128xf32, #tpu.memory_space<vmem_shared>>
        tpu.wait_indirect_dma semaphore(%run_scoped3A_132 : memref<!tpu.dma_semaphore, #tpu.memory_space<semaphore_mem>>) src(%arg9 : memref<128x128xf32, #tpu.memory_space<vmem>>) dst(%dma_wait3A_144 : memref<10240x128xf32, #tpu.memory_space<vmem_shared>>)
        tpu.yield
      }) : () -> ()
      %add3A_110 = arith.constant 1 : i32
      %add3A_111 = arith.addi %add3A_66, %add3A_110 : i32
      %lt3A_112 = arith.constant 20 : i32
      %lt3A_113 = arith.cmpi slt, %add3A_111, %lt3A_112 : i32
      %convert_element_type3A_114 = arith.extui %lt3A_113 : i1 to i32
      %cond3A_115 = arith.constant 0 : i32
      %cond3A_116 = arith.cmpi ne, %convert_element_type3A_114, %cond3A_115 : i32
      scf.if %cond3A_116 {
        %dma_start3A_132 = arith.constant 0 : i32
        %dma_start3A_133 = arith.constant 0 : i32
        %dma_start3A_134 = tpu.memref_slice %arg7[%sub3A_68, %dma_start3A_132, %dma_start3A_133] : memref<2x4x128xi32, #tpu.memory_space<vmem>> -> memref<1x1x128xi32, #tpu.memory_space<vmem>>
        %dma_start3A_135 = tpu.memref_squeeze %dma_start3A_134 : memref<1x1x128xi32, #tpu.memory_space<vmem>> -> memref<128xi32, #tpu.memory_space<vmem>>
        %dma_start3A_136 = arith.constant 0 : i32
        %dma_start3A_137 = arith.constant 0 : i32
        %dma_start3A_138 = tpu.memref_slice %arg4[%dma_start3A_136, %dma_start3A_137] : memref<10000x128xf32, #tpu.memory_space<hbm>> -> memref<10000x128xf32, #tpu.memory_space<hbm>>
        tpu.enqueue_indirect_dma source(%dma_start3A_138 : memref<10000x128xf32, #tpu.memory_space<hbm>>) target(%arg9 : memref<128x128xf32, #tpu.memory_space<vmem>>) offsets(%dma_start3A_135 : memref<128xi32, #tpu.memory_space<vmem>>) semaphore(%arg12 : memref<!tpu.dma_semaphore, #tpu.memory_space<semaphore_mem>>)
      } else {
      }
      %dma_wait3A_117 = arith.constant 3 : i32
      %dma_wait3A_118 = arith.constant 0 : i32
      %dma_wait3A_119 = tpu.memref_slice %arg7[%rem3A_67, %dma_wait3A_117, %dma_wait3A_118] : memref<2x4x128xi32, #tpu.memory_space<vmem>> -> memref<1x1x128xi32, #tpu.memory_space<vmem>>
      %dma_wait3A_120 = tpu.memref_squeeze %dma_wait3A_119 : memref<1x1x128xi32, #tpu.memory_space<vmem>> -> memref<128xi32, #tpu.memory_space<vmem>>
      %dma_wait3A_121 = arith.constant 0 : i32
      %dma_wait3A_122 = arith.constant 0 : i32
      %dma_wait3A_123 = tpu.memref_slice %arg4[%dma_wait3A_121, %dma_wait3A_122] : memref<10000x128xf32, #tpu.memory_space<hbm>> -> memref<10000x128xf32, #tpu.memory_space<hbm>>
      tpu.wait_indirect_dma semaphore(%arg13 : memref<!tpu.dma_semaphore, #tpu.memory_space<semaphore_mem>>) src(%dma_wait3A_123 : memref<10000x128xf32, #tpu.memory_space<hbm>>) dst(%arg10 : memref<128x128xf32, #tpu.memory_space<vmem>>)
      %run_scoped3A_124 = arith.constant 3 : i32
      "tpu.region"() ({
        %run_scoped3A_132 = tpu.sem_alloc : memref<!tpu.dma_semaphore, #tpu.memory_space<semaphore_mem>>
        %dma_start3A_133 = arith.constant 0 : i32
        %dma_start3A_134 = tpu.memref_slice %arg8[%rem3A_67, %run_scoped3A_124, %dma_start3A_133] : memref<2x4x128xi32, #tpu.memory_space<vmem>> -> memref<1x1x128xi32, #tpu.memory_space<vmem>>
        %dma_start3A_135 = tpu.memref_squeeze %dma_start3A_134 : memref<1x1x128xi32, #tpu.memory_space<vmem>> -> memref<128xi32, #tpu.memory_space<vmem>>
        %dma_start3A_136 = arith.constant 0 : i32
        %dma_start3A_137 = arith.constant 0 : i32
        %dma_start3A_138 = tpu.memref_slice %arg11[%dma_start3A_136, %dma_start3A_137] : memref<10240x128xf32, #tpu.memory_space<vmem_shared>> -> memref<10240x128xf32, #tpu.memory_space<vmem_shared>>
        tpu.enqueue_indirect_dma source(%arg10 : memref<128x128xf32, #tpu.memory_space<vmem>>) target(%dma_start3A_138 : memref<10240x128xf32, #tpu.memory_space<vmem_shared>>) offsets(%dma_start3A_135 : memref<128xi32, #tpu.memory_space<vmem>>) semaphore(%run_scoped3A_132 : memref<!tpu.dma_semaphore, #tpu.memory_space<semaphore_mem>>) {add = true}
        %dma_wait3A_139 = arith.constant 0 : i32
        %dma_wait3A_140 = tpu.memref_slice %arg8[%rem3A_67, %run_scoped3A_124, %dma_wait3A_139] : memref<2x4x128xi32, #tpu.memory_space<vmem>> -> memref<1x1x128xi32, #tpu.memory_space<vmem>>
        %dma_wait3A_141 = tpu.memref_squeeze %dma_wait3A_140 : memref<1x1x128xi32, #tpu.memory_space<vmem>> -> memref<128xi32, #tpu.memory_space<vmem>>
        %dma_wait3A_142 = arith.constant 0 : i32
        %dma_wait3A_143 = arith.constant 0 : i32
        %dma_wait3A_144 = tpu.memref_slice %arg11[%dma_wait3A_142, %dma_wait3A_143] : memref<10240x128xf32, #tpu.memory_space<vmem_shared>> -> memref<10240x128xf32, #tpu.memory_space<vmem_shared>>
        tpu.wait_indirect_dma semaphore(%run_scoped3A_132 : memref<!tpu.dma_semaphore, #tpu.memory_space<semaphore_mem>>) src(%arg10 : memref<128x128xf32, #tpu.memory_space<vmem>>) dst(%dma_wait3A_144 : memref<10240x128xf32, #tpu.memory_space<vmem_shared>>)
        tpu.yield
      }) : () -> ()
      %add3A_125 = arith.constant 1 : i32
      %add3A_126 = arith.addi %add3A_66, %add3A_125 : i32
      %lt3A_127 = arith.constant 20 : i32
      %lt3A_128 = arith.cmpi slt, %add3A_126, %lt3A_127 : i32
      %convert_element_type3A_129 = arith.extui %lt3A_128 : i1 to i32
      %cond3A_130 = arith.constant 0 : i32
      %cond3A_131 = arith.cmpi ne, %convert_element_type3A_129, %cond3A_130 : i32
      scf.if %cond3A_131 {
        %dma_start3A_132 = arith.constant 1 : i32
        %dma_start3A_133 = arith.constant 0 : i32
        %dma_start3A_134 = tpu.memref_slice %arg7[%sub3A_68, %dma_start3A_132, %dma_start3A_133] : memref<2x4x128xi32, #tpu.memory_space<vmem>> -> memref<1x1x128xi32, #tpu.memory_space<vmem>>
        %dma_start3A_135 = tpu.memref_squeeze %dma_start3A_134 : memref<1x1x128xi32, #tpu.memory_space<vmem>> -> memref<128xi32, #tpu.memory_space<vmem>>
        %dma_start3A_136 = arith.constant 0 : i32
        %dma_start3A_137 = arith.constant 0 : i32
        %dma_start3A_138 = tpu.memref_slice %arg4[%dma_start3A_136, %dma_start3A_137] : memref<10000x128xf32, #tpu.memory_space<hbm>> -> memref<10000x128xf32, #tpu.memory_space<hbm>>
        tpu.enqueue_indirect_dma source(%dma_start3A_138 : memref<10000x128xf32, #tpu.memory_space<hbm>>) target(%arg10 : memref<128x128xf32, #tpu.memory_space<vmem>>) offsets(%dma_start3A_135 : memref<128xi32, #tpu.memory_space<vmem>>) semaphore(%arg13 : memref<!tpu.dma_semaphore, #tpu.memory_space<semaphore_mem>>)
      } else {
      }
    }
    %scan3A_40 = arith.constant 20 : i32
    %barrier3A_41 = arith.constant 0 : index
    tpu.barrier barrier_id(%barrier3A_41)
    %mul3A_42 = arith.constant 640 : i32
    %mul3A_43 = arith.muli %arg1, %mul3A_42 : i32
    %add3A_44 = arith.constant 0 : i32
    %add3A_45 = arith.addi %mul3A_43, %add3A_44 : i32
    "tpu.region"() ({
      %run_scoped3A_62 = tpu.sem_alloc : memref<!tpu.dma_semaphore, #tpu.memory_space<semaphore_mem>>
      %dma_start3A_63 = arith.constant 0 : i32
      %dma_start3A_64 = tpu.memref_slice %arg11[%add3A_45, %dma_start3A_63] : memref<10240x128xf32, #tpu.memory_space<vmem_shared>> -> memref<128x128xf32, #tpu.memory_space<vmem_shared>>
      %dma_start3A_65 = arith.constant 0 : i32
      %dma_start3A_66 = tpu.memref_slice %arg11[%add3A_45, %dma_start3A_65] : memref<10240x128xf32, #tpu.memory_space<vmem_shared>> -> memref<128x128xf32, #tpu.memory_space<vmem_shared>>
      tpu.enqueue_dma source(%dma_start3A_66 : memref<128x128xf32, #tpu.memory_space<vmem_shared>>) target(%arg9 : memref<128x128xf32, #tpu.memory_space<vmem>>) target_semaphore(%run_scoped3A_62 : memref<!tpu.dma_semaphore, #tpu.memory_space<semaphore_mem>>)
      %dma_wait3A = arith.constant 0 : i32
      %dma_wait3A_67 = tpu.memref_slice %arg11[%add3A_45, %dma_wait3A] : memref<10240x128xf32, #tpu.memory_space<vmem_shared>> -> memref<128x128xf32, #tpu.memory_space<vmem_shared>>
      %dma_wait3A_68 = arith.constant 0 : i32
      %dma_wait3A_69 = tpu.memref_slice %arg11[%add3A_45, %dma_wait3A_68] : memref<10240x128xf32, #tpu.memory_space<vmem_shared>> -> memref<128x128xf32, #tpu.memory_space<vmem_shared>>
      tpu.wait_dma2 semaphore(%run_scoped3A_62 : memref<!tpu.dma_semaphore, #tpu.memory_space<semaphore_mem>>) src(%dma_wait3A_69 : memref<128x128xf32, #tpu.memory_space<vmem_shared>>) dst(%arg9 : memref<128x128xf32, #tpu.memory_space<vmem>>)
      tpu.yield
    }) : () -> ()
    "tpu.region"() ({
      %run_scoped3A_62 = tpu.sem_alloc : memref<!tpu.dma_semaphore, #tpu.memory_space<semaphore_mem>>
      %dma_start3A_63 = arith.constant 0 : i32
      %dma_start3A_64 = tpu.memref_slice %arg6[%arg0, %add3A_45, %dma_start3A_63] : memref<2x10240x128xf32, #tpu.memory_space<hbm>> -> memref<1x128x128xf32, #tpu.memory_space<hbm>>
      %dma_start3A_65 = tpu.memref_squeeze %dma_start3A_64 : memref<1x128x128xf32, #tpu.memory_space<hbm>> -> memref<128x128xf32, #tpu.memory_space<hbm>>
      %dma_start3A_66 = arith.constant 0 : i32
      %dma_start3A_67 = tpu.memref_slice %arg6[%arg0, %add3A_45, %dma_start3A_66] : memref<2x10240x128xf32, #tpu.memory_space<hbm>> -> memref<1x128x128xf32, #tpu.memory_space<hbm>>
      %dma_start3A_68 = tpu.memref_squeeze %dma_start3A_67 : memref<1x128x128xf32, #tpu.memory_space<hbm>> -> memref<128x128xf32, #tpu.memory_space<hbm>>
      tpu.enqueue_dma source(%arg9 : memref<128x128xf32, #tpu.memory_space<vmem>>) target(%dma_start3A_68 : memref<128x128xf32, #tpu.memory_space<hbm>>) target_semaphore(%run_scoped3A_62 : memref<!tpu.dma_semaphore, #tpu.memory_space<semaphore_mem>>)
      %dma_wait3A = arith.constant 0 : i32
      %dma_wait3A_69 = tpu.memref_slice %arg6[%arg0, %add3A_45, %dma_wait3A] : memref<2x10240x128xf32, #tpu.memory_space<hbm>> -> memref<1x128x128xf32, #tpu.memory_space<hbm>>
      %dma_wait3A_70 = tpu.memref_squeeze %dma_wait3A_69 : memref<1x128x128xf32, #tpu.memory_space<hbm>> -> memref<128x128xf32, #tpu.memory_space<hbm>>
      %dma_wait3A_71 = arith.constant 0 : i32
      %dma_wait3A_72 = tpu.memref_slice %arg6[%arg0, %add3A_45, %dma_wait3A_71] : memref<2x10240x128xf32, #tpu.memory_space<hbm>> -> memref<1x128x128xf32, #tpu.memory_space<hbm>>
      %dma_wait3A_73 = tpu.memref_squeeze %dma_wait3A_72 : memref<1x128x128xf32, #tpu.memory_space<hbm>> -> memref<128x128xf32, #tpu.memory_space<hbm>>
      tpu.wait_dma2 semaphore(%run_scoped3A_62 : memref<!tpu.dma_semaphore, #tpu.memory_space<semaphore_mem>>) src(%arg9 : memref<128x128xf32, #tpu.memory_space<vmem>>) dst(%dma_wait3A_73 : memref<128x128xf32, #tpu.memory_space<hbm>>)
      tpu.yield
    }) : () -> ()
    %mul3A_46 = arith.constant 640 : i32
    %mul3A_47 = arith.muli %arg1, %mul3A_46 : i32
    %add3A_48 = arith.constant 128 : i32
    %add3A_49 = arith.addi %mul3A_47, %add3A_48 : i32
    "tpu.region"() ({
      %run_scoped3A_62 = tpu.sem_alloc : memref<!tpu.dma_semaphore, #tpu.memory_space<semaphore_mem>>
      %dma_start3A_63 = arith.constant 0 : i32
      %dma_start3A_64 = tpu.memref_slice %arg11[%add3A_49, %dma_start3A_63] : memref<10240x128xf32, #tpu.memory_space<vmem_shared>> -> memref<128x128xf32, #tpu.memory_space<vmem_shared>>
      %dma_start3A_65 = arith.constant 0 : i32
      %dma_start3A_66 = tpu.memref_slice %arg11[%add3A_49, %dma_start3A_65] : memref<10240x128xf32, #tpu.memory_space<vmem_shared>> -> memref<128x128xf32, #tpu.memory_space<vmem_shared>>
      tpu.enqueue_dma source(%dma_start3A_66 : memref<128x128xf32, #tpu.memory_space<vmem_shared>>) target(%arg9 : memref<128x128xf32, #tpu.memory_space<vmem>>) target_semaphore(%run_scoped3A_62 : memref<!tpu.dma_semaphore, #tpu.memory_space<semaphore_mem>>)
      %dma_wait3A = arith.constant 0 : i32
      %dma_wait3A_67 = tpu.memref_slice %arg11[%add3A_49, %dma_wait3A] : memref<10240x128xf32, #tpu.memory_space<vmem_shared>> -> memref<128x128xf32, #tpu.memory_space<vmem_shared>>
      %dma_wait3A_68 = arith.constant 0 : i32
      %dma_wait3A_69 = tpu.memref_slice %arg11[%add3A_49, %dma_wait3A_68] : memref<10240x128xf32, #tpu.memory_space<vmem_shared>> -> memref<128x128xf32, #tpu.memory_space<vmem_shared>>
      tpu.wait_dma2 semaphore(%run_scoped3A_62 : memref<!tpu.dma_semaphore, #tpu.memory_space<semaphore_mem>>) src(%dma_wait3A_69 : memref<128x128xf32, #tpu.memory_space<vmem_shared>>) dst(%arg9 : memref<128x128xf32, #tpu.memory_space<vmem>>)
      tpu.yield
    }) : () -> ()
    "tpu.region"() ({
      %run_scoped3A_62 = tpu.sem_alloc : memref<!tpu.dma_semaphore, #tpu.memory_space<semaphore_mem>>
      %dma_start3A_63 = arith.constant 0 : i32
      %dma_start3A_64 = tpu.memref_slice %arg6[%arg0, %add3A_49, %dma_start3A_63] : memref<2x10240x128xf32, #tpu.memory_space<hbm>> -> memref<1x128x128xf32, #tpu.memory_space<hbm>>
      %dma_start3A_65 = tpu.memref_squeeze %dma_start3A_64 : memref<1x128x128xf32, #tpu.memory_space<hbm>> -> memref<128x128xf32, #tpu.memory_space<hbm>>
      %dma_start3A_66 = arith.constant 0 : i32
      %dma_start3A_67 = tpu.memref_slice %arg6[%arg0, %add3A_49, %dma_start3A_66] : memref<2x10240x128xf32, #tpu.memory_space<hbm>> -> memref<1x128x128xf32, #tpu.memory_space<hbm>>
      %dma_start3A_68 = tpu.memref_squeeze %dma_start3A_67 : memref<1x128x128xf32, #tpu.memory_space<hbm>> -> memref<128x128xf32, #tpu.memory_space<hbm>>
      tpu.enqueue_dma source(%arg9 : memref<128x128xf32, #tpu.memory_space<vmem>>) target(%dma_start3A_68 : memref<128x128xf32, #tpu.memory_space<hbm>>) target_semaphore(%run_scoped3A_62 : memref<!tpu.dma_semaphore, #tpu.memory_space<semaphore_mem>>)
      %dma_wait3A = arith.constant 0 : i32
      %dma_wait3A_69 = tpu.memref_slice %arg6[%arg0, %add3A_49, %dma_wait3A] : memref<2x10240x128xf32, #tpu.memory_space<hbm>> -> memref<1x128x128xf32, #tpu.memory_space<hbm>>
      %dma_wait3A_70 = tpu.memref_squeeze %dma_wait3A_69 : memref<1x128x128xf32, #tpu.memory_space<hbm>> -> memref<128x128xf32, #tpu.memory_space<hbm>>
      %dma_wait3A_71 = arith.constant 0 : i32
      %dma_wait3A_72 = tpu.memref_slice %arg6[%arg0, %add3A_49, %dma_wait3A_71] : memref<2x10240x128xf32, #tpu.memory_space<hbm>> -> memref<1x128x128xf32, #tpu.memory_space<hbm>>
      %dma_wait3A_73 = tpu.memref_squeeze %dma_wait3A_72 : memref<1x128x128xf32, #tpu.memory_space<hbm>> -> memref<128x128xf32, #tpu.memory_space<hbm>>
      tpu.wait_dma2 semaphore(%run_scoped3A_62 : memref<!tpu.dma_semaphore, #tpu.memory_space<semaphore_mem>>) src(%arg9 : memref<128x128xf32, #tpu.memory_space<vmem>>) dst(%dma_wait3A_73 : memref<128x128xf32, #tpu.memory_space<hbm>>)
      tpu.yield
    }) : () -> ()
    %mul3A_50 = arith.constant 640 : i32
    %mul3A_51 = arith.muli %arg1, %mul3A_50 : i32
    %add3A_52 = arith.constant 256 : i32
    %add3A_53 = arith.addi %mul3A_51, %add3A_52 : i32
    "tpu.region"() ({
      %run_scoped3A_62 = tpu.sem_alloc : memref<!tpu.dma_semaphore, #tpu.memory_space<semaphore_mem>>
      %dma_start3A_63 = arith.constant 0 : i32
      %dma_start3A_64 = tpu.memref_slice %arg11[%add3A_53, %dma_start3A_63] : memref<10240x128xf32, #tpu.memory_space<vmem_shared>> -> memref<128x128xf32, #tpu.memory_space<vmem_shared>>
      %dma_start3A_65 = arith.constant 0 : i32
      %dma_start3A_66 = tpu.memref_slice %arg11[%add3A_53, %dma_start3A_65] : memref<10240x128xf32, #tpu.memory_space<vmem_shared>> -> memref<128x128xf32, #tpu.memory_space<vmem_shared>>
      tpu.enqueue_dma source(%dma_start3A_66 : memref<128x128xf32, #tpu.memory_space<vmem_shared>>) target(%arg9 : memref<128x128xf32, #tpu.memory_space<vmem>>) target_semaphore(%run_scoped3A_62 : memref<!tpu.dma_semaphore, #tpu.memory_space<semaphore_mem>>)
      %dma_wait3A = arith.constant 0 : i32
      %dma_wait3A_67 = tpu.memref_slice %arg11[%add3A_53, %dma_wait3A] : memref<10240x128xf32, #tpu.memory_space<vmem_shared>> -> memref<128x128xf32, #tpu.memory_space<vmem_shared>>
      %dma_wait3A_68 = arith.constant 0 : i32
      %dma_wait3A_69 = tpu.memref_slice %arg11[%add3A_53, %dma_wait3A_68] : memref<10240x128xf32, #tpu.memory_space<vmem_shared>> -> memref<128x128xf32, #tpu.memory_space<vmem_shared>>
      tpu.wait_dma2 semaphore(%run_scoped3A_62 : memref<!tpu.dma_semaphore, #tpu.memory_space<semaphore_mem>>) src(%dma_wait3A_69 : memref<128x128xf32, #tpu.memory_space<vmem_shared>>) dst(%arg9 : memref<128x128xf32, #tpu.memory_space<vmem>>)
      tpu.yield
    }) : () -> ()
    "tpu.region"() ({
      %run_scoped3A_62 = tpu.sem_alloc : memref<!tpu.dma_semaphore, #tpu.memory_space<semaphore_mem>>
      %dma_start3A_63 = arith.constant 0 : i32
      %dma_start3A_64 = tpu.memref_slice %arg6[%arg0, %add3A_53, %dma_start3A_63] : memref<2x10240x128xf32, #tpu.memory_space<hbm>> -> memref<1x128x128xf32, #tpu.memory_space<hbm>>
      %dma_start3A_65 = tpu.memref_squeeze %dma_start3A_64 : memref<1x128x128xf32, #tpu.memory_space<hbm>> -> memref<128x128xf32, #tpu.memory_space<hbm>>
      %dma_start3A_66 = arith.constant 0 : i32
      %dma_start3A_67 = tpu.memref_slice %arg6[%arg0, %add3A_53, %dma_start3A_66] : memref<2x10240x128xf32, #tpu.memory_space<hbm>> -> memref<1x128x128xf32, #tpu.memory_space<hbm>>
      %dma_start3A_68 = tpu.memref_squeeze %dma_start3A_67 : memref<1x128x128xf32, #tpu.memory_space<hbm>> -> memref<128x128xf32, #tpu.memory_space<hbm>>
      tpu.enqueue_dma source(%arg9 : memref<128x128xf32, #tpu.memory_space<vmem>>) target(%dma_start3A_68 : memref<128x128xf32, #tpu.memory_space<hbm>>) target_semaphore(%run_scoped3A_62 : memref<!tpu.dma_semaphore, #tpu.memory_space<semaphore_mem>>)
      %dma_wait3A = arith.constant 0 : i32
      %dma_wait3A_69 = tpu.memref_slice %arg6[%arg0, %add3A_53, %dma_wait3A] : memref<2x10240x128xf32, #tpu.memory_space<hbm>> -> memref<1x128x128xf32, #tpu.memory_space<hbm>>
      %dma_wait3A_70 = tpu.memref_squeeze %dma_wait3A_69 : memref<1x128x128xf32, #tpu.memory_space<hbm>> -> memref<128x128xf32, #tpu.memory_space<hbm>>
      %dma_wait3A_71 = arith.constant 0 : i32
      %dma_wait3A_72 = tpu.memref_slice %arg6[%arg0, %add3A_53, %dma_wait3A_71] : memref<2x10240x128xf32, #tpu.memory_space<hbm>> -> memref<1x128x128xf32, #tpu.memory_space<hbm>>
      %dma_wait3A_73 = tpu.memref_squeeze %dma_wait3A_72 : memref<1x128x128xf32, #tpu.memory_space<hbm>> -> memref<128x128xf32, #tpu.memory_space<hbm>>
      tpu.wait_dma2 semaphore(%run_scoped3A_62 : memref<!tpu.dma_semaphore, #tpu.memory_space<semaphore_mem>>) src(%arg9 : memref<128x128xf32, #tpu.memory_space<vmem>>) dst(%dma_wait3A_73 : memref<128x128xf32, #tpu.memory_space<hbm>>)
      tpu.yield
    }) : () -> ()
    %mul3A_54 = arith.constant 640 : i32
    %mul3A_55 = arith.muli %arg1, %mul3A_54 : i32
    %add3A_56 = arith.constant 384 : i32
    %add3A_57 = arith.addi %mul3A_55, %add3A_56 : i32
    "tpu.region"() ({
      %run_scoped3A_62 = tpu.sem_alloc : memref<!tpu.dma_semaphore, #tpu.memory_space<semaphore_mem>>
      %dma_start3A_63 = arith.constant 0 : i32
      %dma_start3A_64 = tpu.memref_slice %arg11[%add3A_57, %dma_start3A_63] : memref<10240x128xf32, #tpu.memory_space<vmem_shared>> -> memref<128x128xf32, #tpu.memory_space<vmem_shared>>
      %dma_start3A_65 = arith.constant 0 : i32
      %dma_start3A_66 = tpu.memref_slice %arg11[%add3A_57, %dma_start3A_65] : memref<10240x128xf32, #tpu.memory_space<vmem_shared>> -> memref<128x128xf32, #tpu.memory_space<vmem_shared>>
      tpu.enqueue_dma source(%dma_start3A_66 : memref<128x128xf32, #tpu.memory_space<vmem_shared>>) target(%arg9 : memref<128x128xf32, #tpu.memory_space<vmem>>) target_semaphore(%run_scoped3A_62 : memref<!tpu.dma_semaphore, #tpu.memory_space<semaphore_mem>>)
      %dma_wait3A = arith.constant 0 : i32
      %dma_wait3A_67 = tpu.memref_slice %arg11[%add3A_57, %dma_wait3A] : memref<10240x128xf32, #tpu.memory_space<vmem_shared>> -> memref<128x128xf32, #tpu.memory_space<vmem_shared>>
      %dma_wait3A_68 = arith.constant 0 : i32
      %dma_wait3A_69 = tpu.memref_slice %arg11[%add3A_57, %dma_wait3A_68] : memref<10240x128xf32, #tpu.memory_space<vmem_shared>> -> memref<128x128xf32, #tpu.memory_space<vmem_shared>>
      tpu.wait_dma2 semaphore(%run_scoped3A_62 : memref<!tpu.dma_semaphore, #tpu.memory_space<semaphore_mem>>) src(%dma_wait3A_69 : memref<128x128xf32, #tpu.memory_space<vmem_shared>>) dst(%arg9 : memref<128x128xf32, #tpu.memory_space<vmem>>)
      tpu.yield
    }) : () -> ()
    "tpu.region"() ({
      %run_scoped3A_62 = tpu.sem_alloc : memref<!tpu.dma_semaphore, #tpu.memory_space<semaphore_mem>>
      %dma_start3A_63 = arith.constant 0 : i32
      %dma_start3A_64 = tpu.memref_slice %arg6[%arg0, %add3A_57, %dma_start3A_63] : memref<2x10240x128xf32, #tpu.memory_space<hbm>> -> memref<1x128x128xf32, #tpu.memory_space<hbm>>
      %dma_start3A_65 = tpu.memref_squeeze %dma_start3A_64 : memref<1x128x128xf32, #tpu.memory_space<hbm>> -> memref<128x128xf32, #tpu.memory_space<hbm>>
      %dma_start3A_66 = arith.constant 0 : i32
      %dma_start3A_67 = tpu.memref_slice %arg6[%arg0, %add3A_57, %dma_start3A_66] : memref<2x10240x128xf32, #tpu.memory_space<hbm>> -> memref<1x128x128xf32, #tpu.memory_space<hbm>>
      %dma_start3A_68 = tpu.memref_squeeze %dma_start3A_67 : memref<1x128x128xf32, #tpu.memory_space<hbm>> -> memref<128x128xf32, #tpu.memory_space<hbm>>
      tpu.enqueue_dma source(%arg9 : memref<128x128xf32, #tpu.memory_space<vmem>>) target(%dma_start3A_68 : memref<128x128xf32, #tpu.memory_space<hbm>>) target_semaphore(%run_scoped3A_62 : memref<!tpu.dma_semaphore, #tpu.memory_space<semaphore_mem>>)
      %dma_wait3A = arith.constant 0 : i32
      %dma_wait3A_69 = tpu.memref_slice %arg6[%arg0, %add3A_57, %dma_wait3A] : memref<2x10240x128xf32, #tpu.memory_space<hbm>> -> memref<1x128x128xf32, #tpu.memory_space<hbm>>
      %dma_wait3A_70 = tpu.memref_squeeze %dma_wait3A_69 : memref<1x128x128xf32, #tpu.memory_space<hbm>> -> memref<128x128xf32, #tpu.memory_space<hbm>>
      %dma_wait3A_71 = arith.constant 0 : i32
      %dma_wait3A_72 = tpu.memref_slice %arg6[%arg0, %add3A_57, %dma_wait3A_71] : memref<2x10240x128xf32, #tpu.memory_space<hbm>> -> memref<1x128x128xf32, #tpu.memory_space<hbm>>
      %dma_wait3A_73 = tpu.memref_squeeze %dma_wait3A_72 : memref<1x128x128xf32, #tpu.memory_space<hbm>> -> memref<128x128xf32, #tpu.memory_space<hbm>>
      tpu.wait_dma2 semaphore(%run_scoped3A_62 : memref<!tpu.dma_semaphore, #tpu.memory_space<semaphore_mem>>) src(%arg9 : memref<128x128xf32, #tpu.memory_space<vmem>>) dst(%dma_wait3A_73 : memref<128x128xf32, #tpu.memory_space<hbm>>)
      tpu.yield
    }) : () -> ()
    %mul3A_58 = arith.constant 640 : i32
    %mul3A_59 = arith.muli %arg1, %mul3A_58 : i32
    %add3A_60 = arith.constant 512 : i32
    %add3A_61 = arith.addi %mul3A_59, %add3A_60 : i32
    "tpu.region"() ({
      %run_scoped3A_62 = tpu.sem_alloc : memref<!tpu.dma_semaphore, #tpu.memory_space<semaphore_mem>>
      %dma_start3A_63 = arith.constant 0 : i32
      %dma_start3A_64 = tpu.memref_slice %arg11[%add3A_61, %dma_start3A_63] : memref<10240x128xf32, #tpu.memory_space<vmem_shared>> -> memref<128x128xf32, #tpu.memory_space<vmem_shared>>
      %dma_start3A_65 = arith.constant 0 : i32
      %dma_start3A_66 = tpu.memref_slice %arg11[%add3A_61, %dma_start3A_65] : memref<10240x128xf32, #tpu.memory_space<vmem_shared>> -> memref<128x128xf32, #tpu.memory_space<vmem_shared>>
      tpu.enqueue_dma source(%dma_start3A_66 : memref<128x128xf32, #tpu.memory_space<vmem_shared>>) target(%arg9 : memref<128x128xf32, #tpu.memory_space<vmem>>) target_semaphore(%run_scoped3A_62 : memref<!tpu.dma_semaphore, #tpu.memory_space<semaphore_mem>>)
      %dma_wait3A = arith.constant 0 : i32
      %dma_wait3A_67 = tpu.memref_slice %arg11[%add3A_61, %dma_wait3A] : memref<10240x128xf32, #tpu.memory_space<vmem_shared>> -> memref<128x128xf32, #tpu.memory_space<vmem_shared>>
      %dma_wait3A_68 = arith.constant 0 : i32
      %dma_wait3A_69 = tpu.memref_slice %arg11[%add3A_61, %dma_wait3A_68] : memref<10240x128xf32, #tpu.memory_space<vmem_shared>> -> memref<128x128xf32, #tpu.memory_space<vmem_shared>>
      tpu.wait_dma2 semaphore(%run_scoped3A_62 : memref<!tpu.dma_semaphore, #tpu.memory_space<semaphore_mem>>) src(%dma_wait3A_69 : memref<128x128xf32, #tpu.memory_space<vmem_shared>>) dst(%arg9 : memref<128x128xf32, #tpu.memory_space<vmem>>)
      tpu.yield
    }) : () -> ()
    "tpu.region"() ({
      %run_scoped3A_62 = tpu.sem_alloc : memref<!tpu.dma_semaphore, #tpu.memory_space<semaphore_mem>>
      %dma_start3A_63 = arith.constant 0 : i32
      %dma_start3A_64 = tpu.memref_slice %arg6[%arg0, %add3A_61, %dma_start3A_63] : memref<2x10240x128xf32, #tpu.memory_space<hbm>> -> memref<1x128x128xf32, #tpu.memory_space<hbm>>
      %dma_start3A_65 = tpu.memref_squeeze %dma_start3A_64 : memref<1x128x128xf32, #tpu.memory_space<hbm>> -> memref<128x128xf32, #tpu.memory_space<hbm>>
      %dma_start3A_66 = arith.constant 0 : i32
      %dma_start3A_67 = tpu.memref_slice %arg6[%arg0, %add3A_61, %dma_start3A_66] : memref<2x10240x128xf32, #tpu.memory_space<hbm>> -> memref<1x128x128xf32, #tpu.memory_space<hbm>>
      %dma_start3A_68 = tpu.memref_squeeze %dma_start3A_67 : memref<1x128x128xf32, #tpu.memory_space<hbm>> -> memref<128x128xf32, #tpu.memory_space<hbm>>
      tpu.enqueue_dma source(%arg9 : memref<128x128xf32, #tpu.memory_space<vmem>>) target(%dma_start3A_68 : memref<128x128xf32, #tpu.memory_space<hbm>>) target_semaphore(%run_scoped3A_62 : memref<!tpu.dma_semaphore, #tpu.memory_space<semaphore_mem>>)
      %dma_wait3A = arith.constant 0 : i32
      %dma_wait3A_69 = tpu.memref_slice %arg6[%arg0, %add3A_61, %dma_wait3A] : memref<2x10240x128xf32, #tpu.memory_space<hbm>> -> memref<1x128x128xf32, #tpu.memory_space<hbm>>
      %dma_wait3A_70 = tpu.memref_squeeze %dma_wait3A_69 : memref<1x128x128xf32, #tpu.memory_space<hbm>> -> memref<128x128xf32, #tpu.memory_space<hbm>>
      %dma_wait3A_71 = arith.constant 0 : i32
      %dma_wait3A_72 = tpu.memref_slice %arg6[%arg0, %add3A_61, %dma_wait3A_71] : memref<2x10240x128xf32, #tpu.memory_space<hbm>> -> memref<1x128x128xf32, #tpu.memory_space<hbm>>
      %dma_wait3A_73 = tpu.memref_squeeze %dma_wait3A_72 : memref<1x128x128xf32, #tpu.memory_space<hbm>> -> memref<128x128xf32, #tpu.memory_space<hbm>>
      tpu.wait_dma2 semaphore(%run_scoped3A_62 : memref<!tpu.dma_semaphore, #tpu.memory_space<semaphore_mem>>) src(%arg9 : memref<128x128xf32, #tpu.memory_space<vmem>>) dst(%dma_wait3A_73 : memref<128x128xf32, #tpu.memory_space<hbm>>)
      tpu.yield
    }) : () -> ()
    return
  }
}

#map = affine_map<(d0, d1) -> (0, 0)>
module attributes {stable_mosaic.version = 14 : i64} {
  func.func @_score(%arg0: i32, %arg1: i32, %arg2: memref<10240x128xf32, #tpu.memory_space<hbm>>, %arg3: memref<10000x128xf32, #tpu.memory_space<hbm>>, %arg4: memref<32x128xi32, #tpu.memory_space<hbm>>, %arg5: memref<32x128xi32, #tpu.memory_space<hbm>>, %arg6: memref<32x128xi32, #tpu.memory_space<hbm>>, %arg7: memref<4096x128xf32, #tpu.memory_space<hbm>>, %arg8: memref<128xi32, #tpu.memory_space<vmem>>, %arg9: memref<128xi32, #tpu.memory_space<vmem>>, %arg10: memref<128xi32, #tpu.memory_space<vmem>>, %arg11: memref<128x128xf32, #tpu.memory_space<vmem>>, %arg12: memref<128x128xf32, #tpu.memory_space<vmem>>, %arg13: memref<128x128xf32, #tpu.memory_space<vmem>>, %arg14: memref<!tpu.dma_semaphore, #tpu.memory_space<semaphore_mem>>) attributes {dimension_semantics = [#tpu.dimension_semantics<core_parallel>, #tpu.dimension_semantics<subcore_parallel>], iteration_bounds = array<i64: 2, 16>, scalar_prefetch = 0 : i64, scratch_operands = 7 : i64, tpu.core_type = #tpu.core_type<sc_vector_subcore>, window_params = [{transform_indices = #map}, {transform_indices = #map}, {transform_indices = #map}, {transform_indices = #map}, {transform_indices = #map}, {transform_indices = #map}]} {
    %mul3A = arith.constant 16 : i32
    %mul3A_0 = arith.muli %arg0, %mul3A : i32
    %add3A = arith.addi %mul3A_0, %arg1 : i32
    "tpu.region"() ({
      %run_scoped3A = tpu.sem_alloc : memref<!tpu.dma_semaphore, #tpu.memory_space<semaphore_mem>>
      %dma_start3A_24 = arith.constant 0 : i32
      %dma_start3A_25 = tpu.memref_slice %arg4[%add3A, %dma_start3A_24] : memref<32x128xi32, #tpu.memory_space<hbm>> -> memref<1x128xi32, #tpu.memory_space<hbm>>
      %dma_start3A_26 = tpu.memref_squeeze %dma_start3A_25 : memref<1x128xi32, #tpu.memory_space<hbm>> -> memref<128xi32, #tpu.memory_space<hbm>>
      %dma_start3A_27 = arith.constant 0 : i32
      %dma_start3A_28 = tpu.memref_slice %arg4[%add3A, %dma_start3A_27] : memref<32x128xi32, #tpu.memory_space<hbm>> -> memref<1x128xi32, #tpu.memory_space<hbm>>
      %dma_start3A_29 = tpu.memref_squeeze %dma_start3A_28 : memref<1x128xi32, #tpu.memory_space<hbm>> -> memref<128xi32, #tpu.memory_space<hbm>>
      tpu.enqueue_dma source(%dma_start3A_29 : memref<128xi32, #tpu.memory_space<hbm>>) target(%arg8 : memref<128xi32, #tpu.memory_space<vmem>>) target_semaphore(%run_scoped3A : memref<!tpu.dma_semaphore, #tpu.memory_space<semaphore_mem>>)
      %dma_wait3A_30 = arith.constant 0 : i32
      %dma_wait3A_31 = tpu.memref_slice %arg4[%add3A, %dma_wait3A_30] : memref<32x128xi32, #tpu.memory_space<hbm>> -> memref<1x128xi32, #tpu.memory_space<hbm>>
      %dma_wait3A_32 = tpu.memref_squeeze %dma_wait3A_31 : memref<1x128xi32, #tpu.memory_space<hbm>> -> memref<128xi32, #tpu.memory_space<hbm>>
      %dma_wait3A_33 = arith.constant 0 : i32
      %dma_wait3A_34 = tpu.memref_slice %arg4[%add3A, %dma_wait3A_33] : memref<32x128xi32, #tpu.memory_space<hbm>> -> memref<1x128xi32, #tpu.memory_space<hbm>>
      %dma_wait3A_35 = tpu.memref_squeeze %dma_wait3A_34 : memref<1x128xi32, #tpu.memory_space<hbm>> -> memref<128xi32, #tpu.memory_space<hbm>>
      tpu.wait_dma2 semaphore(%run_scoped3A : memref<!tpu.dma_semaphore, #tpu.memory_space<semaphore_mem>>) src(%dma_wait3A_35 : memref<128xi32, #tpu.memory_space<hbm>>) dst(%arg8 : memref<128xi32, #tpu.memory_space<vmem>>)
      tpu.yield
    }) : () -> ()
    "tpu.region"() ({
      %run_scoped3A = tpu.sem_alloc : memref<!tpu.dma_semaphore, #tpu.memory_space<semaphore_mem>>
      %dma_start3A_24 = arith.constant 0 : i32
      %dma_start3A_25 = tpu.memref_slice %arg5[%add3A, %dma_start3A_24] : memref<32x128xi32, #tpu.memory_space<hbm>> -> memref<1x128xi32, #tpu.memory_space<hbm>>
      %dma_start3A_26 = tpu.memref_squeeze %dma_start3A_25 : memref<1x128xi32, #tpu.memory_space<hbm>> -> memref<128xi32, #tpu.memory_space<hbm>>
      %dma_start3A_27 = arith.constant 0 : i32
      %dma_start3A_28 = tpu.memref_slice %arg5[%add3A, %dma_start3A_27] : memref<32x128xi32, #tpu.memory_space<hbm>> -> memref<1x128xi32, #tpu.memory_space<hbm>>
      %dma_start3A_29 = tpu.memref_squeeze %dma_start3A_28 : memref<1x128xi32, #tpu.memory_space<hbm>> -> memref<128xi32, #tpu.memory_space<hbm>>
      tpu.enqueue_dma source(%dma_start3A_29 : memref<128xi32, #tpu.memory_space<hbm>>) target(%arg9 : memref<128xi32, #tpu.memory_space<vmem>>) target_semaphore(%run_scoped3A : memref<!tpu.dma_semaphore, #tpu.memory_space<semaphore_mem>>)
      %dma_wait3A_30 = arith.constant 0 : i32
      %dma_wait3A_31 = tpu.memref_slice %arg5[%add3A, %dma_wait3A_30] : memref<32x128xi32, #tpu.memory_space<hbm>> -> memref<1x128xi32, #tpu.memory_space<hbm>>
      %dma_wait3A_32 = tpu.memref_squeeze %dma_wait3A_31 : memref<1x128xi32, #tpu.memory_space<hbm>> -> memref<128xi32, #tpu.memory_space<hbm>>
      %dma_wait3A_33 = arith.constant 0 : i32
      %dma_wait3A_34 = tpu.memref_slice %arg5[%add3A, %dma_wait3A_33] : memref<32x128xi32, #tpu.memory_space<hbm>> -> memref<1x128xi32, #tpu.memory_space<hbm>>
      %dma_wait3A_35 = tpu.memref_squeeze %dma_wait3A_34 : memref<1x128xi32, #tpu.memory_space<hbm>> -> memref<128xi32, #tpu.memory_space<hbm>>
      tpu.wait_dma2 semaphore(%run_scoped3A : memref<!tpu.dma_semaphore, #tpu.memory_space<semaphore_mem>>) src(%dma_wait3A_35 : memref<128xi32, #tpu.memory_space<hbm>>) dst(%arg9 : memref<128xi32, #tpu.memory_space<vmem>>)
      tpu.yield
    }) : () -> ()
    "tpu.region"() ({
      %run_scoped3A = tpu.sem_alloc : memref<!tpu.dma_semaphore, #tpu.memory_space<semaphore_mem>>
      %dma_start3A_24 = arith.constant 0 : i32
      %dma_start3A_25 = tpu.memref_slice %arg6[%add3A, %dma_start3A_24] : memref<32x128xi32, #tpu.memory_space<hbm>> -> memref<1x128xi32, #tpu.memory_space<hbm>>
      %dma_start3A_26 = tpu.memref_squeeze %dma_start3A_25 : memref<1x128xi32, #tpu.memory_space<hbm>> -> memref<128xi32, #tpu.memory_space<hbm>>
      %dma_start3A_27 = arith.constant 0 : i32
      %dma_start3A_28 = tpu.memref_slice %arg6[%add3A, %dma_start3A_27] : memref<32x128xi32, #tpu.memory_space<hbm>> -> memref<1x128xi32, #tpu.memory_space<hbm>>
      %dma_start3A_29 = tpu.memref_squeeze %dma_start3A_28 : memref<1x128xi32, #tpu.memory_space<hbm>> -> memref<128xi32, #tpu.memory_space<hbm>>
      tpu.enqueue_dma source(%dma_start3A_29 : memref<128xi32, #tpu.memory_space<hbm>>) target(%arg10 : memref<128xi32, #tpu.memory_space<vmem>>) target_semaphore(%run_scoped3A : memref<!tpu.dma_semaphore, #tpu.memory_space<semaphore_mem>>)
      %dma_wait3A_30 = arith.constant 0 : i32
      %dma_wait3A_31 = tpu.memref_slice %arg6[%add3A, %dma_wait3A_30] : memref<32x128xi32, #tpu.memory_space<hbm>> -> memref<1x128xi32, #tpu.memory_space<hbm>>
      %dma_wait3A_32 = tpu.memref_squeeze %dma_wait3A_31 : memref<1x128xi32, #tpu.memory_space<hbm>> -> memref<128xi32, #tpu.memory_space<hbm>>
      %dma_wait3A_33 = arith.constant 0 : i32
      %dma_wait3A_34 = tpu.memref_slice %arg6[%add3A, %dma_wait3A_33] : memref<32x128xi32, #tpu.memory_space<hbm>> -> memref<1x128xi32, #tpu.memory_space<hbm>>
      %dma_wait3A_35 = tpu.memref_squeeze %dma_wait3A_34 : memref<1x128xi32, #tpu.memory_space<hbm>> -> memref<128xi32, #tpu.memory_space<hbm>>
      tpu.wait_dma2 semaphore(%run_scoped3A : memref<!tpu.dma_semaphore, #tpu.memory_space<semaphore_mem>>) src(%dma_wait3A_35 : memref<128xi32, #tpu.memory_space<hbm>>) dst(%arg10 : memref<128xi32, #tpu.memory_space<vmem>>)
      tpu.yield
    }) : () -> ()
    %dma_start3A = arith.constant 0 : i32
    %dma_start3A_1 = arith.constant 0 : i32
    %dma_start3A_2 = tpu.memref_slice %arg2[%dma_start3A, %dma_start3A_1] : memref<10240x128xf32, #tpu.memory_space<hbm>> -> memref<10240x128xf32, #tpu.memory_space<hbm>>
    tpu.enqueue_indirect_dma source(%dma_start3A_2 : memref<10240x128xf32, #tpu.memory_space<hbm>>) target(%arg11 : memref<128x128xf32, #tpu.memory_space<vmem>>) offsets(%arg8 : memref<128xi32, #tpu.memory_space<vmem>>) semaphore(%arg14 : memref<!tpu.dma_semaphore, #tpu.memory_space<semaphore_mem>>)
    %dma_start3A_3 = arith.constant 0 : i32
    %dma_start3A_4 = arith.constant 0 : i32
    %dma_start3A_5 = tpu.memref_slice %arg3[%dma_start3A_3, %dma_start3A_4] : memref<10000x128xf32, #tpu.memory_space<hbm>> -> memref<10000x128xf32, #tpu.memory_space<hbm>>
    tpu.enqueue_indirect_dma source(%dma_start3A_5 : memref<10000x128xf32, #tpu.memory_space<hbm>>) target(%arg12 : memref<128x128xf32, #tpu.memory_space<vmem>>) offsets(%arg9 : memref<128xi32, #tpu.memory_space<vmem>>) semaphore(%arg14 : memref<!tpu.dma_semaphore, #tpu.memory_space<semaphore_mem>>)
    %dma_start3A_6 = arith.constant 0 : i32
    %dma_start3A_7 = arith.constant 0 : i32
    %dma_start3A_8 = tpu.memref_slice %arg2[%dma_start3A_6, %dma_start3A_7] : memref<10240x128xf32, #tpu.memory_space<hbm>> -> memref<10240x128xf32, #tpu.memory_space<hbm>>
    tpu.enqueue_indirect_dma source(%dma_start3A_8 : memref<10240x128xf32, #tpu.memory_space<hbm>>) target(%arg13 : memref<128x128xf32, #tpu.memory_space<vmem>>) offsets(%arg10 : memref<128xi32, #tpu.memory_space<vmem>>) semaphore(%arg14 : memref<!tpu.dma_semaphore, #tpu.memory_space<semaphore_mem>>)
    %dma_wait3A = arith.constant 0 : i32
    %dma_wait3A_9 = arith.constant 0 : i32
    %dma_wait3A_10 = tpu.memref_slice %arg2[%dma_wait3A, %dma_wait3A_9] : memref<10240x128xf32, #tpu.memory_space<hbm>> -> memref<10240x128xf32, #tpu.memory_space<hbm>>
    tpu.wait_indirect_dma semaphore(%arg14 : memref<!tpu.dma_semaphore, #tpu.memory_space<semaphore_mem>>) src(%dma_wait3A_10 : memref<10240x128xf32, #tpu.memory_space<hbm>>) dst(%arg11 : memref<128x128xf32, #tpu.memory_space<vmem>>)
    %dma_wait3A_11 = arith.constant 0 : i32
    %dma_wait3A_12 = arith.constant 0 : i32
    %dma_wait3A_13 = tpu.memref_slice %arg3[%dma_wait3A_11, %dma_wait3A_12] : memref<10000x128xf32, #tpu.memory_space<hbm>> -> memref<10000x128xf32, #tpu.memory_space<hbm>>
    tpu.wait_indirect_dma semaphore(%arg14 : memref<!tpu.dma_semaphore, #tpu.memory_space<semaphore_mem>>) src(%dma_wait3A_13 : memref<10000x128xf32, #tpu.memory_space<hbm>>) dst(%arg12 : memref<128x128xf32, #tpu.memory_space<vmem>>)
    %dma_wait3A_14 = arith.constant 0 : i32
    %dma_wait3A_15 = arith.constant 0 : i32
    %dma_wait3A_16 = tpu.memref_slice %arg2[%dma_wait3A_14, %dma_wait3A_15] : memref<10240x128xf32, #tpu.memory_space<hbm>> -> memref<10240x128xf32, #tpu.memory_space<hbm>>
    tpu.wait_indirect_dma semaphore(%arg14 : memref<!tpu.dma_semaphore, #tpu.memory_space<semaphore_mem>>) src(%dma_wait3A_16 : memref<10240x128xf32, #tpu.memory_space<hbm>>) dst(%arg13 : memref<128x128xf32, #tpu.memory_space<vmem>>)
    %scan3A = arith.constant 0 : i32
    %scan3A_17 = arith.constant 0 : i32
    %scan3A_18 = arith.constant 128 : i32
    %scan3A_19 = arith.addi %scan3A_17, %scan3A_18 : i32
    %scan3A_20 = arith.constant 1 : i32
    scf.for %scan3A_24 = %scan3A_17 to %scan3A_19 step %scan3A_20  : i32 {
      %get3A = arith.index_cast %scan3A_24 : i32 to index
      %get3A_25 = arith.constant 0 : index
      %get3A_26 = tpu.vector_load %arg11[%get3A, %get3A_25] {strides = array<i32>} : memref<128x128xf32, #tpu.memory_space<vmem>>, vector<1x16xf32>,
      %get3A_27 = vector.shape_cast %get3A_26 : vector<1x16xf32> to vector<16xf32>
      %get3A_28 = arith.index_cast %scan3A_24 : i32 to index
      %get3A_29 = arith.constant 0 : index
      %get3A_30 = tpu.vector_load %arg12[%get3A_28, %get3A_29] {strides = array<i32>} : memref<128x128xf32, #tpu.memory_space<vmem>>, vector<1x16xf32>,
      %get3A_31 = vector.shape_cast %get3A_30 : vector<1x16xf32> to vector<16xf32>
      %get3A_32 = arith.index_cast %scan3A_24 : i32 to index
      %get3A_33 = arith.constant 0 : index
      %get3A_34 = tpu.vector_load %arg13[%get3A_32, %get3A_33] {strides = array<i32>} : memref<128x128xf32, #tpu.memory_space<vmem>>, vector<1x16xf32>,
      %get3A_35 = vector.shape_cast %get3A_34 : vector<1x16xf32> to vector<16xf32>
      %mul3A_36 = arith.mulf %get3A_31, %get3A_35 : vector<16xf32>
      %mul3A_37 = arith.mulf %get3A_27, %mul3A_36 : vector<16xf32>
      %swap3A = arith.index_cast %scan3A_24 : i32 to index
      %swap3A_38 = arith.constant 0 : index
      %swap3A_39 = tpu.vector_load %arg11[%swap3A, %swap3A_38] {strides = array<i32>} : memref<128x128xf32, #tpu.memory_space<vmem>>, vector<1x16xf32>,
      %swap3A_40 = vector.shape_cast %swap3A_39 : vector<1x16xf32> to vector<16xf32>
      %swap3A_41 = vector.shape_cast %mul3A_37 : vector<16xf32> to vector<1x16xf32>
      tpu.vector_store %arg11[%swap3A, %swap3A_38], %swap3A_41 {strides = array<i32>} : memref<128x128xf32, #tpu.memory_space<vmem>>, vector<1x16xf32>,
      %get3A_42 = arith.index_cast %scan3A_24 : i32 to index
      %get3A_43 = arith.constant 16 : index
      %get3A_44 = tpu.vector_load %arg11[%get3A_42, %get3A_43] {strides = array<i32>} : memref<128x128xf32, #tpu.memory_space<vmem>>, vector<1x16xf32>,
      %get3A_45 = vector.shape_cast %get3A_44 : vector<1x16xf32> to vector<16xf32>
      %get3A_46 = arith.index_cast %scan3A_24 : i32 to index
      %get3A_47 = arith.constant 16 : index
      %get3A_48 = tpu.vector_load %arg12[%get3A_46, %get3A_47] {strides = array<i32>} : memref<128x128xf32, #tpu.memory_space<vmem>>, vector<1x16xf32>,
      %get3A_49 = vector.shape_cast %get3A_48 : vector<1x16xf32> to vector<16xf32>
      %get3A_50 = arith.index_cast %scan3A_24 : i32 to index
      %get3A_51 = arith.constant 16 : index
      %get3A_52 = tpu.vector_load %arg13[%get3A_50, %get3A_51] {strides = array<i32>} : memref<128x128xf32, #tpu.memory_space<vmem>>, vector<1x16xf32>,
      %get3A_53 = vector.shape_cast %get3A_52 : vector<1x16xf32> to vector<16xf32>
      %mul3A_54 = arith.mulf %get3A_49, %get3A_53 : vector<16xf32>
      %mul3A_55 = arith.mulf %get3A_45, %mul3A_54 : vector<16xf32>
      %swap3A_56 = arith.index_cast %scan3A_24 : i32 to index
      %swap3A_57 = arith.constant 16 : index
      %swap3A_58 = tpu.vector_load %arg11[%swap3A_56, %swap3A_57] {strides = array<i32>} : memref<128x128xf32, #tpu.memory_space<vmem>>, vector<1x16xf32>,
      %swap3A_59 = vector.shape_cast %swap3A_58 : vector<1x16xf32> to vector<16xf32>
      %swap3A_60 = vector.shape_cast %mul3A_55 : vector<16xf32> to vector<1x16xf32>
      tpu.vector_store %arg11[%swap3A_56, %swap3A_57], %swap3A_60 {strides = array<i32>} : memref<128x128xf32, #tpu.memory_space<vmem>>, vector<1x16xf32>,
      %get3A_61 = arith.index_cast %scan3A_24 : i32 to index
      %get3A_62 = arith.constant 32 : index
      %get3A_63 = tpu.vector_load %arg11[%get3A_61, %get3A_62] {strides = array<i32>} : memref<128x128xf32, #tpu.memory_space<vmem>>, vector<1x16xf32>,
      %get3A_64 = vector.shape_cast %get3A_63 : vector<1x16xf32> to vector<16xf32>
      %get3A_65 = arith.index_cast %scan3A_24 : i32 to index
      %get3A_66 = arith.constant 32 : index
      %get3A_67 = tpu.vector_load %arg12[%get3A_65, %get3A_66] {strides = array<i32>} : memref<128x128xf32, #tpu.memory_space<vmem>>, vector<1x16xf32>,
      %get3A_68 = vector.shape_cast %get3A_67 : vector<1x16xf32> to vector<16xf32>
      %get3A_69 = arith.index_cast %scan3A_24 : i32 to index
      %get3A_70 = arith.constant 32 : index
      %get3A_71 = tpu.vector_load %arg13[%get3A_69, %get3A_70] {strides = array<i32>} : memref<128x128xf32, #tpu.memory_space<vmem>>, vector<1x16xf32>,
      %get3A_72 = vector.shape_cast %get3A_71 : vector<1x16xf32> to vector<16xf32>
      %mul3A_73 = arith.mulf %get3A_68, %get3A_72 : vector<16xf32>
      %mul3A_74 = arith.mulf %get3A_64, %mul3A_73 : vector<16xf32>
      %swap3A_75 = arith.index_cast %scan3A_24 : i32 to index
      %swap3A_76 = arith.constant 32 : index
      %swap3A_77 = tpu.vector_load %arg11[%swap3A_75, %swap3A_76] {strides = array<i32>} : memref<128x128xf32, #tpu.memory_space<vmem>>, vector<1x16xf32>,
      %swap3A_78 = vector.shape_cast %swap3A_77 : vector<1x16xf32> to vector<16xf32>
      %swap3A_79 = vector.shape_cast %mul3A_74 : vector<16xf32> to vector<1x16xf32>
      tpu.vector_store %arg11[%swap3A_75, %swap3A_76], %swap3A_79 {strides = array<i32>} : memref<128x128xf32, #tpu.memory_space<vmem>>, vector<1x16xf32>,
      %get3A_80 = arith.index_cast %scan3A_24 : i32 to index
      %get3A_81 = arith.constant 48 : index
      %get3A_82 = tpu.vector_load %arg11[%get3A_80, %get3A_81] {strides = array<i32>} : memref<128x128xf32, #tpu.memory_space<vmem>>, vector<1x16xf32>,
      %get3A_83 = vector.shape_cast %get3A_82 : vector<1x16xf32> to vector<16xf32>
      %get3A_84 = arith.index_cast %scan3A_24 : i32 to index
      %get3A_85 = arith.constant 48 : index
      %get3A_86 = tpu.vector_load %arg12[%get3A_84, %get3A_85] {strides = array<i32>} : memref<128x128xf32, #tpu.memory_space<vmem>>, vector<1x16xf32>,
      %get3A_87 = vector.shape_cast %get3A_86 : vector<1x16xf32> to vector<16xf32>
      %get3A_88 = arith.index_cast %scan3A_24 : i32 to index
      %get3A_89 = arith.constant 48 : index
      %get3A_90 = tpu.vector_load %arg13[%get3A_88, %get3A_89] {strides = array<i32>} : memref<128x128xf32, #tpu.memory_space<vmem>>, vector<1x16xf32>,
      %get3A_91 = vector.shape_cast %get3A_90 : vector<1x16xf32> to vector<16xf32>
      %mul3A_92 = arith.mulf %get3A_87, %get3A_91 : vector<16xf32>
      %mul3A_93 = arith.mulf %get3A_83, %mul3A_92 : vector<16xf32>
      %swap3A_94 = arith.index_cast %scan3A_24 : i32 to index
      %swap3A_95 = arith.constant 48 : index
      %swap3A_96 = tpu.vector_load %arg11[%swap3A_94, %swap3A_95] {strides = array<i32>} : memref<128x128xf32, #tpu.memory_space<vmem>>, vector<1x16xf32>,
      %swap3A_97 = vector.shape_cast %swap3A_96 : vector<1x16xf32> to vector<16xf32>
      %swap3A_98 = vector.shape_cast %mul3A_93 : vector<16xf32> to vector<1x16xf32>
      tpu.vector_store %arg11[%swap3A_94, %swap3A_95], %swap3A_98 {strides = array<i32>} : memref<128x128xf32, #tpu.memory_space<vmem>>, vector<1x16xf32>,
      %get3A_99 = arith.index_cast %scan3A_24 : i32 to index
      %get3A_100 = arith.constant 64 : index
      %get3A_101 = tpu.vector_load %arg11[%get3A_99, %get3A_100] {strides = array<i32>} : memref<128x128xf32, #tpu.memory_space<vmem>>, vector<1x16xf32>,
      %get3A_102 = vector.shape_cast %get3A_101 : vector<1x16xf32> to vector<16xf32>
      %get3A_103 = arith.index_cast %scan3A_24 : i32 to index
      %get3A_104 = arith.constant 64 : index
      %get3A_105 = tpu.vector_load %arg12[%get3A_103, %get3A_104] {strides = array<i32>} : memref<128x128xf32, #tpu.memory_space<vmem>>, vector<1x16xf32>,
      %get3A_106 = vector.shape_cast %get3A_105 : vector<1x16xf32> to vector<16xf32>
      %get3A_107 = arith.index_cast %scan3A_24 : i32 to index
      %get3A_108 = arith.constant 64 : index
      %get3A_109 = tpu.vector_load %arg13[%get3A_107, %get3A_108] {strides = array<i32>} : memref<128x128xf32, #tpu.memory_space<vmem>>, vector<1x16xf32>,
      %get3A_110 = vector.shape_cast %get3A_109 : vector<1x16xf32> to vector<16xf32>
      %mul3A_111 = arith.mulf %get3A_106, %get3A_110 : vector<16xf32>
      %mul3A_112 = arith.mulf %get3A_102, %mul3A_111 : vector<16xf32>
      %swap3A_113 = arith.index_cast %scan3A_24 : i32 to index
      %swap3A_114 = arith.constant 64 : index
      %swap3A_115 = tpu.vector_load %arg11[%swap3A_113, %swap3A_114] {strides = array<i32>} : memref<128x128xf32, #tpu.memory_space<vmem>>, vector<1x16xf32>,
      %swap3A_116 = vector.shape_cast %swap3A_115 : vector<1x16xf32> to vector<16xf32>
      %swap3A_117 = vector.shape_cast %mul3A_112 : vector<16xf32> to vector<1x16xf32>
      tpu.vector_store %arg11[%swap3A_113, %swap3A_114], %swap3A_117 {strides = array<i32>} : memref<128x128xf32, #tpu.memory_space<vmem>>, vector<1x16xf32>,
      %get3A_118 = arith.index_cast %scan3A_24 : i32 to index
      %get3A_119 = arith.constant 80 : index
      %get3A_120 = tpu.vector_load %arg11[%get3A_118, %get3A_119] {strides = array<i32>} : memref<128x128xf32, #tpu.memory_space<vmem>>, vector<1x16xf32>,
      %get3A_121 = vector.shape_cast %get3A_120 : vector<1x16xf32> to vector<16xf32>
      %get3A_122 = arith.index_cast %scan3A_24 : i32 to index
      %get3A_123 = arith.constant 80 : index
      %get3A_124 = tpu.vector_load %arg12[%get3A_122, %get3A_123] {strides = array<i32>} : memref<128x128xf32, #tpu.memory_space<vmem>>, vector<1x16xf32>,
      %get3A_125 = vector.shape_cast %get3A_124 : vector<1x16xf32> to vector<16xf32>
      %get3A_126 = arith.index_cast %scan3A_24 : i32 to index
      %get3A_127 = arith.constant 80 : index
      %get3A_128 = tpu.vector_load %arg13[%get3A_126, %get3A_127] {strides = array<i32>} : memref<128x128xf32, #tpu.memory_space<vmem>>, vector<1x16xf32>,
      %get3A_129 = vector.shape_cast %get3A_128 : vector<1x16xf32> to vector<16xf32>
      %mul3A_130 = arith.mulf %get3A_125, %get3A_129 : vector<16xf32>
      %mul3A_131 = arith.mulf %get3A_121, %mul3A_130 : vector<16xf32>
      %swap3A_132 = arith.index_cast %scan3A_24 : i32 to index
      %swap3A_133 = arith.constant 80 : index
      %swap3A_134 = tpu.vector_load %arg11[%swap3A_132, %swap3A_133] {strides = array<i32>} : memref<128x128xf32, #tpu.memory_space<vmem>>, vector<1x16xf32>,
      %swap3A_135 = vector.shape_cast %swap3A_134 : vector<1x16xf32> to vector<16xf32>
      %swap3A_136 = vector.shape_cast %mul3A_131 : vector<16xf32> to vector<1x16xf32>
      tpu.vector_store %arg11[%swap3A_132, %swap3A_133], %swap3A_136 {strides = array<i32>} : memref<128x128xf32, #tpu.memory_space<vmem>>, vector<1x16xf32>,
      %get3A_137 = arith.index_cast %scan3A_24 : i32 to index
      %get3A_138 = arith.constant 96 : index
      %get3A_139 = tpu.vector_load %arg11[%get3A_137, %get3A_138] {strides = array<i32>} : memref<128x128xf32, #tpu.memory_space<vmem>>, vector<1x16xf32>,
      %get3A_140 = vector.shape_cast %get3A_139 : vector<1x16xf32> to vector<16xf32>
      %get3A_141 = arith.index_cast %scan3A_24 : i32 to index
      %get3A_142 = arith.constant 96 : index
      %get3A_143 = tpu.vector_load %arg12[%get3A_141, %get3A_142] {strides = array<i32>} : memref<128x128xf32, #tpu.memory_space<vmem>>, vector<1x16xf32>,
      %get3A_144 = vector.shape_cast %get3A_143 : vector<1x16xf32> to vector<16xf32>
      %get3A_145 = arith.index_cast %scan3A_24 : i32 to index
      %get3A_146 = arith.constant 96 : index
      %get3A_147 = tpu.vector_load %arg13[%get3A_145, %get3A_146] {strides = array<i32>} : memref<128x128xf32, #tpu.memory_space<vmem>>, vector<1x16xf32>,
      %get3A_148 = vector.shape_cast %get3A_147 : vector<1x16xf32> to vector<16xf32>
      %mul3A_149 = arith.mulf %get3A_144, %get3A_148 : vector<16xf32>
      %mul3A_150 = arith.mulf %get3A_140, %mul3A_149 : vector<16xf32>
      %swap3A_151 = arith.index_cast %scan3A_24 : i32 to index
      %swap3A_152 = arith.constant 96 : index
      %swap3A_153 = tpu.vector_load %arg11[%swap3A_151, %swap3A_152] {strides = array<i32>} : memref<128x128xf32, #tpu.memory_space<vmem>>, vector<1x16xf32>,
      %swap3A_154 = vector.shape_cast %swap3A_153 : vector<1x16xf32> to vector<16xf32>
      %swap3A_155 = vector.shape_cast %mul3A_150 : vector<16xf32> to vector<1x16xf32>
      tpu.vector_store %arg11[%swap3A_151, %swap3A_152], %swap3A_155 {strides = array<i32>} : memref<128x128xf32, #tpu.memory_space<vmem>>, vector<1x16xf32>,
      %get3A_156 = arith.index_cast %scan3A_24 : i32 to index
      %get3A_157 = arith.constant 112 : index
      %get3A_158 = tpu.vector_load %arg11[%get3A_156, %get3A_157] {strides = array<i32>} : memref<128x128xf32, #tpu.memory_space<vmem>>, vector<1x16xf32>,
      %get3A_159 = vector.shape_cast %get3A_158 : vector<1x16xf32> to vector<16xf32>
      %get3A_160 = arith.index_cast %scan3A_24 : i32 to index
      %get3A_161 = arith.constant 112 : index
      %get3A_162 = tpu.vector_load %arg12[%get3A_160, %get3A_161] {strides = array<i32>} : memref<128x128xf32, #tpu.memory_space<vmem>>, vector<1x16xf32>,
      %get3A_163 = vector.shape_cast %get3A_162 : vector<1x16xf32> to vector<16xf32>
      %get3A_164 = arith.index_cast %scan3A_24 : i32 to index
      %get3A_165 = arith.constant 112 : index
      %get3A_166 = tpu.vector_load %arg13[%get3A_164, %get3A_165] {strides = array<i32>} : memref<128x128xf32, #tpu.memory_space<vmem>>, vector<1x16xf32>,
      %get3A_167 = vector.shape_cast %get3A_166 : vector<1x16xf32> to vector<16xf32>
      %mul3A_168 = arith.mulf %get3A_163, %get3A_167 : vector<16xf32>
      %mul3A_169 = arith.mulf %get3A_159, %mul3A_168 : vector<16xf32>
      %swap3A_170 = arith.index_cast %scan3A_24 : i32 to index
      %swap3A_171 = arith.constant 112 : index
      %swap3A_172 = tpu.vector_load %arg11[%swap3A_170, %swap3A_171] {strides = array<i32>} : memref<128x128xf32, #tpu.memory_space<vmem>>, vector<1x16xf32>,
      %swap3A_173 = vector.shape_cast %swap3A_172 : vector<1x16xf32> to vector<16xf32>
      %swap3A_174 = vector.shape_cast %mul3A_169 : vector<16xf32> to vector<1x16xf32>
      tpu.vector_store %arg11[%swap3A_170, %swap3A_171], %swap3A_174 {strides = array<i32>} : memref<128x128xf32, #tpu.memory_space<vmem>>, vector<1x16xf32>,
    }
    %scan3A_21 = arith.constant 128 : i32
    %mul3A_22 = arith.constant 128 : i32
    %mul3A_23 = arith.muli %add3A, %mul3A_22 : i32
    "tpu.region"() ({
      %run_scoped3A = tpu.sem_alloc : memref<!tpu.dma_semaphore, #tpu.memory_space<semaphore_mem>>
      %dma_start3A_24 = arith.constant 0 : i32
      %dma_start3A_25 = tpu.memref_slice %arg7[%mul3A_23, %dma_start3A_24] : memref<4096x128xf32, #tpu.memory_space<hbm>> -> memref<128x128xf32, #tpu.memory_space<hbm>>
      %dma_start3A_26 = arith.constant 0 : i32
      %dma_start3A_27 = tpu.memref_slice %arg7[%mul3A_23, %dma_start3A_26] : memref<4096x128xf32, #tpu.memory_space<hbm>> -> memref<128x128xf32, #tpu.memory_space<hbm>>
      tpu.enqueue_dma source(%arg11 : memref<128x128xf32, #tpu.memory_space<vmem>>) target(%dma_start3A_27 : memref<128x128xf32, #tpu.memory_space<hbm>>) target_semaphore(%run_scoped3A : memref<!tpu.dma_semaphore, #tpu.memory_space<semaphore_mem>>)
      %dma_wait3A_28 = arith.constant 0 : i32
      %dma_wait3A_29 = tpu.memref_slice %arg7[%mul3A_23, %dma_wait3A_28] : memref<4096x128xf32, #tpu.memory_space<hbm>> -> memref<128x128xf32, #tpu.memory_space<hbm>>
      %dma_wait3A_30 = arith.constant 0 : i32
      %dma_wait3A_31 = tpu.memref_slice %arg7[%mul3A_23, %dma_wait3A_30] : memref<4096x128xf32, #tpu.memory_space<hbm>> -> memref<128x128xf32, #tpu.memory_space<hbm>>
      tpu.wait_dma2 semaphore(%run_scoped3A : memref<!tpu.dma_semaphore, #tpu.memory_space<semaphore_mem>>) src(%arg11 : memref<128x128xf32, #tpu.memory_space<vmem>>) dst(%dma_wait3A_31 : memref<128x128xf32, #tpu.memory_space<hbm>>)
      tpu.yield
    }) : () -> ()
    return
  }
}

#map = affine_map<(d0, d1) -> (0, 0, 0)>
#map1 = affine_map<(d0, d1) -> (0, 0)>
module attributes {stable_mosaic.version = 14 : i64} {
  func.func @_degree(%arg0: i32, %arg1: i32, %arg2: memref<32x80x128xi32, #tpu.memory_space<hbm>>, %arg3: memref<128x128xf32, #tpu.memory_space<hbm>>, %arg4: memref<128x128xf32, #tpu.memory_space<hbm>>, %arg5: memref<2x10240x128xf32, #tpu.memory_space<hbm>>, %arg6: memref<4x128xi32, #tpu.memory_space<vmem>>, %arg7: memref<128x128xf32, #tpu.memory_space<vmem>>, %arg8: memref<128x128xf32, #tpu.memory_space<vmem>>, %arg9: memref<10240x128xf32, #tpu.memory_space<vmem_shared>>) attributes {dimension_semantics = [#tpu.dimension_semantics<core_parallel>, #tpu.dimension_semantics<subcore_parallel>], iteration_bounds = array<i64: 2, 16>, scalar_prefetch = 0 : i64, scratch_operands = 4 : i64, tpu.core_type = #tpu.core_type<sc_vector_subcore>, window_params = [{transform_indices = #map}, {transform_indices = #map1}, {transform_indices = #map1}, {transform_indices = #map}]} {
    %mul3A = arith.constant 16 : i32
    %mul3A_0 = arith.muli %arg0, %mul3A : i32
    %add3A = arith.addi %mul3A_0, %arg1 : i32
    "tpu.region"() ({
      %run_scoped3A = tpu.sem_alloc : memref<!tpu.dma_semaphore, #tpu.memory_space<semaphore_mem>>
      tpu.enqueue_dma source(%arg3 : memref<128x128xf32, #tpu.memory_space<hbm>>) target(%arg7 : memref<128x128xf32, #tpu.memory_space<vmem>>) target_semaphore(%run_scoped3A : memref<!tpu.dma_semaphore, #tpu.memory_space<semaphore_mem>>)
      tpu.wait_dma2 semaphore(%run_scoped3A : memref<!tpu.dma_semaphore, #tpu.memory_space<semaphore_mem>>) src(%arg3 : memref<128x128xf32, #tpu.memory_space<hbm>>) dst(%arg7 : memref<128x128xf32, #tpu.memory_space<vmem>>)
      tpu.yield
    }) : () -> ()
    "tpu.region"() ({
      %run_scoped3A = tpu.sem_alloc : memref<!tpu.dma_semaphore, #tpu.memory_space<semaphore_mem>>
      tpu.enqueue_dma source(%arg4 : memref<128x128xf32, #tpu.memory_space<hbm>>) target(%arg8 : memref<128x128xf32, #tpu.memory_space<vmem>>) target_semaphore(%run_scoped3A : memref<!tpu.dma_semaphore, #tpu.memory_space<semaphore_mem>>)
      tpu.wait_dma2 semaphore(%run_scoped3A : memref<!tpu.dma_semaphore, #tpu.memory_space<semaphore_mem>>) src(%arg4 : memref<128x128xf32, #tpu.memory_space<hbm>>) dst(%arg8 : memref<128x128xf32, #tpu.memory_space<vmem>>)
      tpu.yield
    }) : () -> ()
    %mul3A_1 = arith.constant 640 : i32
    %mul3A_2 = arith.muli %arg1, %mul3A_1 : i32
    %add3A_3 = arith.constant 0 : i32
    %add3A_4 = arith.addi %mul3A_2, %add3A_3 : i32
    "tpu.region"() ({
      %run_scoped3A = tpu.sem_alloc : memref<!tpu.dma_semaphore, #tpu.memory_space<semaphore_mem>>
      %dma_start3A = arith.constant 0 : i32
      %dma_start3A_47 = tpu.memref_slice %arg9[%add3A_4, %dma_start3A] : memref<10240x128xf32, #tpu.memory_space<vmem_shared>> -> memref<128x128xf32, #tpu.memory_space<vmem_shared>>
      %dma_start3A_48 = arith.constant 0 : i32
      %dma_start3A_49 = tpu.memref_slice %arg9[%add3A_4, %dma_start3A_48] : memref<10240x128xf32, #tpu.memory_space<vmem_shared>> -> memref<128x128xf32, #tpu.memory_space<vmem_shared>>
      tpu.enqueue_dma source(%arg8 : memref<128x128xf32, #tpu.memory_space<vmem>>) target(%dma_start3A_49 : memref<128x128xf32, #tpu.memory_space<vmem_shared>>) target_semaphore(%run_scoped3A : memref<!tpu.dma_semaphore, #tpu.memory_space<semaphore_mem>>)
      %dma_wait3A = arith.constant 0 : i32
      %dma_wait3A_50 = tpu.memref_slice %arg9[%add3A_4, %dma_wait3A] : memref<10240x128xf32, #tpu.memory_space<vmem_shared>> -> memref<128x128xf32, #tpu.memory_space<vmem_shared>>
      %dma_wait3A_51 = arith.constant 0 : i32
      %dma_wait3A_52 = tpu.memref_slice %arg9[%add3A_4, %dma_wait3A_51] : memref<10240x128xf32, #tpu.memory_space<vmem_shared>> -> memref<128x128xf32, #tpu.memory_space<vmem_shared>>
      tpu.wait_dma2 semaphore(%run_scoped3A : memref<!tpu.dma_semaphore, #tpu.memory_space<semaphore_mem>>) src(%arg8 : memref<128x128xf32, #tpu.memory_space<vmem>>) dst(%dma_wait3A_52 : memref<128x128xf32, #tpu.memory_space<vmem_shared>>)
      tpu.yield
    }) : () -> ()
    %mul3A_5 = arith.constant 640 : i32
    %mul3A_6 = arith.muli %arg1, %mul3A_5 : i32
    %add3A_7 = arith.constant 128 : i32
    %add3A_8 = arith.addi %mul3A_6, %add3A_7 : i32
    "tpu.region"() ({
      %run_scoped3A = tpu.sem_alloc : memref<!tpu.dma_semaphore, #tpu.memory_space<semaphore_mem>>
      %dma_start3A = arith.constant 0 : i32
      %dma_start3A_47 = tpu.memref_slice %arg9[%add3A_8, %dma_start3A] : memref<10240x128xf32, #tpu.memory_space<vmem_shared>> -> memref<128x128xf32, #tpu.memory_space<vmem_shared>>
      %dma_start3A_48 = arith.constant 0 : i32
      %dma_start3A_49 = tpu.memref_slice %arg9[%add3A_8, %dma_start3A_48] : memref<10240x128xf32, #tpu.memory_space<vmem_shared>> -> memref<128x128xf32, #tpu.memory_space<vmem_shared>>
      tpu.enqueue_dma source(%arg8 : memref<128x128xf32, #tpu.memory_space<vmem>>) target(%dma_start3A_49 : memref<128x128xf32, #tpu.memory_space<vmem_shared>>) target_semaphore(%run_scoped3A : memref<!tpu.dma_semaphore, #tpu.memory_space<semaphore_mem>>)
      %dma_wait3A = arith.constant 0 : i32
      %dma_wait3A_50 = tpu.memref_slice %arg9[%add3A_8, %dma_wait3A] : memref<10240x128xf32, #tpu.memory_space<vmem_shared>> -> memref<128x128xf32, #tpu.memory_space<vmem_shared>>
      %dma_wait3A_51 = arith.constant 0 : i32
      %dma_wait3A_52 = tpu.memref_slice %arg9[%add3A_8, %dma_wait3A_51] : memref<10240x128xf32, #tpu.memory_space<vmem_shared>> -> memref<128x128xf32, #tpu.memory_space<vmem_shared>>
      tpu.wait_dma2 semaphore(%run_scoped3A : memref<!tpu.dma_semaphore, #tpu.memory_space<semaphore_mem>>) src(%arg8 : memref<128x128xf32, #tpu.memory_space<vmem>>) dst(%dma_wait3A_52 : memref<128x128xf32, #tpu.memory_space<vmem_shared>>)
      tpu.yield
    }) : () -> ()
    %mul3A_9 = arith.constant 640 : i32
    %mul3A_10 = arith.muli %arg1, %mul3A_9 : i32
    %add3A_11 = arith.constant 256 : i32
    %add3A_12 = arith.addi %mul3A_10, %add3A_11 : i32
    "tpu.region"() ({
      %run_scoped3A = tpu.sem_alloc : memref<!tpu.dma_semaphore, #tpu.memory_space<semaphore_mem>>
      %dma_start3A = arith.constant 0 : i32
      %dma_start3A_47 = tpu.memref_slice %arg9[%add3A_12, %dma_start3A] : memref<10240x128xf32, #tpu.memory_space<vmem_shared>> -> memref<128x128xf32, #tpu.memory_space<vmem_shared>>
      %dma_start3A_48 = arith.constant 0 : i32
      %dma_start3A_49 = tpu.memref_slice %arg9[%add3A_12, %dma_start3A_48] : memref<10240x128xf32, #tpu.memory_space<vmem_shared>> -> memref<128x128xf32, #tpu.memory_space<vmem_shared>>
      tpu.enqueue_dma source(%arg8 : memref<128x128xf32, #tpu.memory_space<vmem>>) target(%dma_start3A_49 : memref<128x128xf32, #tpu.memory_space<vmem_shared>>) target_semaphore(%run_scoped3A : memref<!tpu.dma_semaphore, #tpu.memory_space<semaphore_mem>>)
      %dma_wait3A = arith.constant 0 : i32
      %dma_wait3A_50 = tpu.memref_slice %arg9[%add3A_12, %dma_wait3A] : memref<10240x128xf32, #tpu.memory_space<vmem_shared>> -> memref<128x128xf32, #tpu.memory_space<vmem_shared>>
      %dma_wait3A_51 = arith.constant 0 : i32
      %dma_wait3A_52 = tpu.memref_slice %arg9[%add3A_12, %dma_wait3A_51] : memref<10240x128xf32, #tpu.memory_space<vmem_shared>> -> memref<128x128xf32, #tpu.memory_space<vmem_shared>>
      tpu.wait_dma2 semaphore(%run_scoped3A : memref<!tpu.dma_semaphore, #tpu.memory_space<semaphore_mem>>) src(%arg8 : memref<128x128xf32, #tpu.memory_space<vmem>>) dst(%dma_wait3A_52 : memref<128x128xf32, #tpu.memory_space<vmem_shared>>)
      tpu.yield
    }) : () -> ()
    %mul3A_13 = arith.constant 640 : i32
    %mul3A_14 = arith.muli %arg1, %mul3A_13 : i32
    %add3A_15 = arith.constant 384 : i32
    %add3A_16 = arith.addi %mul3A_14, %add3A_15 : i32
    "tpu.region"() ({
      %run_scoped3A = tpu.sem_alloc : memref<!tpu.dma_semaphore, #tpu.memory_space<semaphore_mem>>
      %dma_start3A = arith.constant 0 : i32
      %dma_start3A_47 = tpu.memref_slice %arg9[%add3A_16, %dma_start3A] : memref<10240x128xf32, #tpu.memory_space<vmem_shared>> -> memref<128x128xf32, #tpu.memory_space<vmem_shared>>
      %dma_start3A_48 = arith.constant 0 : i32
      %dma_start3A_49 = tpu.memref_slice %arg9[%add3A_16, %dma_start3A_48] : memref<10240x128xf32, #tpu.memory_space<vmem_shared>> -> memref<128x128xf32, #tpu.memory_space<vmem_shared>>
      tpu.enqueue_dma source(%arg8 : memref<128x128xf32, #tpu.memory_space<vmem>>) target(%dma_start3A_49 : memref<128x128xf32, #tpu.memory_space<vmem_shared>>) target_semaphore(%run_scoped3A : memref<!tpu.dma_semaphore, #tpu.memory_space<semaphore_mem>>)
      %dma_wait3A = arith.constant 0 : i32
      %dma_wait3A_50 = tpu.memref_slice %arg9[%add3A_16, %dma_wait3A] : memref<10240x128xf32, #tpu.memory_space<vmem_shared>> -> memref<128x128xf32, #tpu.memory_space<vmem_shared>>
      %dma_wait3A_51 = arith.constant 0 : i32
      %dma_wait3A_52 = tpu.memref_slice %arg9[%add3A_16, %dma_wait3A_51] : memref<10240x128xf32, #tpu.memory_space<vmem_shared>> -> memref<128x128xf32, #tpu.memory_space<vmem_shared>>
      tpu.wait_dma2 semaphore(%run_scoped3A : memref<!tpu.dma_semaphore, #tpu.memory_space<semaphore_mem>>) src(%arg8 : memref<128x128xf32, #tpu.memory_space<vmem>>) dst(%dma_wait3A_52 : memref<128x128xf32, #tpu.memory_space<vmem_shared>>)
      tpu.yield
    }) : () -> ()
    %mul3A_17 = arith.constant 640 : i32
    %mul3A_18 = arith.muli %arg1, %mul3A_17 : i32
    %add3A_19 = arith.constant 512 : i32
    %add3A_20 = arith.addi %mul3A_18, %add3A_19 : i32
    "tpu.region"() ({
      %run_scoped3A = tpu.sem_alloc : memref<!tpu.dma_semaphore, #tpu.memory_space<semaphore_mem>>
      %dma_start3A = arith.constant 0 : i32
      %dma_start3A_47 = tpu.memref_slice %arg9[%add3A_20, %dma_start3A] : memref<10240x128xf32, #tpu.memory_space<vmem_shared>> -> memref<128x128xf32, #tpu.memory_space<vmem_shared>>
      %dma_start3A_48 = arith.constant 0 : i32
      %dma_start3A_49 = tpu.memref_slice %arg9[%add3A_20, %dma_start3A_48] : memref<10240x128xf32, #tpu.memory_space<vmem_shared>> -> memref<128x128xf32, #tpu.memory_space<vmem_shared>>
      tpu.enqueue_dma source(%arg8 : memref<128x128xf32, #tpu.memory_space<vmem>>) target(%dma_start3A_49 : memref<128x128xf32, #tpu.memory_space<vmem_shared>>) target_semaphore(%run_scoped3A : memref<!tpu.dma_semaphore, #tpu.memory_space<semaphore_mem>>)
      %dma_wait3A = arith.constant 0 : i32
      %dma_wait3A_50 = tpu.memref_slice %arg9[%add3A_20, %dma_wait3A] : memref<10240x128xf32, #tpu.memory_space<vmem_shared>> -> memref<128x128xf32, #tpu.memory_space<vmem_shared>>
      %dma_wait3A_51 = arith.constant 0 : i32
      %dma_wait3A_52 = tpu.memref_slice %arg9[%add3A_20, %dma_wait3A_51] : memref<10240x128xf32, #tpu.memory_space<vmem_shared>> -> memref<128x128xf32, #tpu.memory_space<vmem_shared>>
      tpu.wait_dma2 semaphore(%run_scoped3A : memref<!tpu.dma_semaphore, #tpu.memory_space<semaphore_mem>>) src(%arg8 : memref<128x128xf32, #tpu.memory_space<vmem>>) dst(%dma_wait3A_52 : memref<128x128xf32, #tpu.memory_space<vmem_shared>>)
      tpu.yield
    }) : () -> ()
    %barrier3A = arith.constant 0 : index
    tpu.barrier barrier_id(%barrier3A)
    %scan3A = arith.constant 0 : i32
    %scan3A_21 = arith.constant 0 : i32
    %scan3A_22 = arith.constant 20 : i32
    %scan3A_23 = arith.addi %scan3A_21, %scan3A_22 : i32
    %scan3A_24 = arith.constant 1 : i32
    scf.for %scan3A_47 = %scan3A_21 to %scan3A_23 step %scan3A_24  : i32 {
      %mul3A_48 = arith.constant 4 : i32
      %mul3A_49 = arith.muli %scan3A_47, %mul3A_48 : i32
      "tpu.region"() ({
        %run_scoped3A_53 = tpu.sem_alloc : memref<!tpu.dma_semaphore, #tpu.memory_space<semaphore_mem>>
        %dma_start3A = arith.constant 0 : i32
        %dma_start3A_54 = tpu.memref_slice %arg2[%add3A, %mul3A_49, %dma_start3A] : memref<32x80x128xi32, #tpu.memory_space<hbm>> -> memref<1x4x128xi32, #tpu.memory_space<hbm>>
        %dma_start3A_55 = tpu.memref_squeeze %dma_start3A_54 : memref<1x4x128xi32, #tpu.memory_space<hbm>> -> memref<4x128xi32, #tpu.memory_space<hbm>>
        %dma_start3A_56 = arith.constant 0 : i32
        %dma_start3A_57 = tpu.memref_slice %arg2[%add3A, %mul3A_49, %dma_start3A_56] : memref<32x80x128xi32, #tpu.memory_space<hbm>> -> memref<1x4x128xi32, #tpu.memory_space<hbm>>
        %dma_start3A_58 = tpu.memref_squeeze %dma_start3A_57 : memref<1x4x128xi32, #tpu.memory_space<hbm>> -> memref<4x128xi32, #tpu.memory_space<hbm>>
        tpu.enqueue_dma source(%dma_start3A_58 : memref<4x128xi32, #tpu.memory_space<hbm>>) target(%arg6 : memref<4x128xi32, #tpu.memory_space<vmem>>) target_semaphore(%run_scoped3A_53 : memref<!tpu.dma_semaphore, #tpu.memory_space<semaphore_mem>>)
        %dma_wait3A = arith.constant 0 : i32
        %dma_wait3A_59 = tpu.memref_slice %arg2[%add3A, %mul3A_49, %dma_wait3A] : memref<32x80x128xi32, #tpu.memory_space<hbm>> -> memref<1x4x128xi32, #tpu.memory_space<hbm>>
        %dma_wait3A_60 = tpu.memref_squeeze %dma_wait3A_59 : memref<1x4x128xi32, #tpu.memory_space<hbm>> -> memref<4x128xi32, #tpu.memory_space<hbm>>
        %dma_wait3A_61 = arith.constant 0 : i32
        %dma_wait3A_62 = tpu.memref_slice %arg2[%add3A, %mul3A_49, %dma_wait3A_61] : memref<32x80x128xi32, #tpu.memory_space<hbm>> -> memref<1x4x128xi32, #tpu.memory_space<hbm>>
        %dma_wait3A_63 = tpu.memref_squeeze %dma_wait3A_62 : memref<1x4x128xi32, #tpu.memory_space<hbm>> -> memref<4x128xi32, #tpu.memory_space<hbm>>
        tpu.wait_dma2 semaphore(%run_scoped3A_53 : memref<!tpu.dma_semaphore, #tpu.memory_space<semaphore_mem>>) src(%dma_wait3A_63 : memref<4x128xi32, #tpu.memory_space<hbm>>) dst(%arg6 : memref<4x128xi32, #tpu.memory_space<vmem>>)
        tpu.yield
      }) : () -> ()
      %run_scoped3A = arith.constant 0 : i32
      "tpu.region"() ({
        %run_scoped3A_53 = tpu.sem_alloc : memref<!tpu.dma_semaphore, #tpu.memory_space<semaphore_mem>>
        %dma_start3A = arith.constant 0 : i32
        %dma_start3A_54 = tpu.memref_slice %arg6[%run_scoped3A, %dma_start3A] : memref<4x128xi32, #tpu.memory_space<vmem>> -> memref<1x128xi32, #tpu.memory_space<vmem>>
        %dma_start3A_55 = tpu.memref_squeeze %dma_start3A_54 : memref<1x128xi32, #tpu.memory_space<vmem>> -> memref<128xi32, #tpu.memory_space<vmem>>
        %dma_start3A_56 = arith.constant 0 : i32
        %dma_start3A_57 = arith.constant 0 : i32
        %dma_start3A_58 = tpu.memref_slice %arg9[%dma_start3A_56, %dma_start3A_57] : memref<10240x128xf32, #tpu.memory_space<vmem_shared>> -> memref<10240x128xf32, #tpu.memory_space<vmem_shared>>
        tpu.enqueue_indirect_dma source(%arg7 : memref<128x128xf32, #tpu.memory_space<vmem>>) target(%dma_start3A_58 : memref<10240x128xf32, #tpu.memory_space<vmem_shared>>) offsets(%dma_start3A_55 : memref<128xi32, #tpu.memory_space<vmem>>) semaphore(%run_scoped3A_53 : memref<!tpu.dma_semaphore, #tpu.memory_space<semaphore_mem>>) {add = true}
        %dma_wait3A = arith.constant 0 : i32
        %dma_wait3A_59 = tpu.memref_slice %arg6[%run_scoped3A, %dma_wait3A] : memref<4x128xi32, #tpu.memory_space<vmem>> -> memref<1x128xi32, #tpu.memory_space<vmem>>
        %dma_wait3A_60 = tpu.memref_squeeze %dma_wait3A_59 : memref<1x128xi32, #tpu.memory_space<vmem>> -> memref<128xi32, #tpu.memory_space<vmem>>
        %dma_wait3A_61 = arith.constant 0 : i32
        %dma_wait3A_62 = arith.constant 0 : i32
        %dma_wait3A_63 = tpu.memref_slice %arg9[%dma_wait3A_61, %dma_wait3A_62] : memref<10240x128xf32, #tpu.memory_space<vmem_shared>> -> memref<10240x128xf32, #tpu.memory_space<vmem_shared>>
        tpu.wait_indirect_dma semaphore(%run_scoped3A_53 : memref<!tpu.dma_semaphore, #tpu.memory_space<semaphore_mem>>) src(%arg7 : memref<128x128xf32, #tpu.memory_space<vmem>>) dst(%dma_wait3A_63 : memref<10240x128xf32, #tpu.memory_space<vmem_shared>>)
        tpu.yield
      }) : () -> ()
      %run_scoped3A_50 = arith.constant 1 : i32
      "tpu.region"() ({
        %run_scoped3A_53 = tpu.sem_alloc : memref<!tpu.dma_semaphore, #tpu.memory_space<semaphore_mem>>
        %dma_start3A = arith.constant 0 : i32
        %dma_start3A_54 = tpu.memref_slice %arg6[%run_scoped3A_50, %dma_start3A] : memref<4x128xi32, #tpu.memory_space<vmem>> -> memref<1x128xi32, #tpu.memory_space<vmem>>
        %dma_start3A_55 = tpu.memref_squeeze %dma_start3A_54 : memref<1x128xi32, #tpu.memory_space<vmem>> -> memref<128xi32, #tpu.memory_space<vmem>>
        %dma_start3A_56 = arith.constant 0 : i32
        %dma_start3A_57 = arith.constant 0 : i32
        %dma_start3A_58 = tpu.memref_slice %arg9[%dma_start3A_56, %dma_start3A_57] : memref<10240x128xf32, #tpu.memory_space<vmem_shared>> -> memref<10240x128xf32, #tpu.memory_space<vmem_shared>>
        tpu.enqueue_indirect_dma source(%arg7 : memref<128x128xf32, #tpu.memory_space<vmem>>) target(%dma_start3A_58 : memref<10240x128xf32, #tpu.memory_space<vmem_shared>>) offsets(%dma_start3A_55 : memref<128xi32, #tpu.memory_space<vmem>>) semaphore(%run_scoped3A_53 : memref<!tpu.dma_semaphore, #tpu.memory_space<semaphore_mem>>) {add = true}
        %dma_wait3A = arith.constant 0 : i32
        %dma_wait3A_59 = tpu.memref_slice %arg6[%run_scoped3A_50, %dma_wait3A] : memref<4x128xi32, #tpu.memory_space<vmem>> -> memref<1x128xi32, #tpu.memory_space<vmem>>
        %dma_wait3A_60 = tpu.memref_squeeze %dma_wait3A_59 : memref<1x128xi32, #tpu.memory_space<vmem>> -> memref<128xi32, #tpu.memory_space<vmem>>
        %dma_wait3A_61 = arith.constant 0 : i32
        %dma_wait3A_62 = arith.constant 0 : i32
        %dma_wait3A_63 = tpu.memref_slice %arg9[%dma_wait3A_61, %dma_wait3A_62] : memref<10240x128xf32, #tpu.memory_space<vmem_shared>> -> memref<10240x128xf32, #tpu.memory_space<vmem_shared>>
        tpu.wait_indirect_dma semaphore(%run_scoped3A_53 : memref<!tpu.dma_semaphore, #tpu.memory_space<semaphore_mem>>) src(%arg7 : memref<128x128xf32, #tpu.memory_space<vmem>>) dst(%dma_wait3A_63 : memref<10240x128xf32, #tpu.memory_space<vmem_shared>>)
        tpu.yield
      }) : () -> ()
      %run_scoped3A_51 = arith.constant 2 : i32
      "tpu.region"() ({
        %run_scoped3A_53 = tpu.sem_alloc : memref<!tpu.dma_semaphore, #tpu.memory_space<semaphore_mem>>
        %dma_start3A = arith.constant 0 : i32
        %dma_start3A_54 = tpu.memref_slice %arg6[%run_scoped3A_51, %dma_start3A] : memref<4x128xi32, #tpu.memory_space<vmem>> -> memref<1x128xi32, #tpu.memory_space<vmem>>
        %dma_start3A_55 = tpu.memref_squeeze %dma_start3A_54 : memref<1x128xi32, #tpu.memory_space<vmem>> -> memref<128xi32, #tpu.memory_space<vmem>>
        %dma_start3A_56 = arith.constant 0 : i32
        %dma_start3A_57 = arith.constant 0 : i32
        %dma_start3A_58 = tpu.memref_slice %arg9[%dma_start3A_56, %dma_start3A_57] : memref<10240x128xf32, #tpu.memory_space<vmem_shared>> -> memref<10240x128xf32, #tpu.memory_space<vmem_shared>>
        tpu.enqueue_indirect_dma source(%arg7 : memref<128x128xf32, #tpu.memory_space<vmem>>) target(%dma_start3A_58 : memref<10240x128xf32, #tpu.memory_space<vmem_shared>>) offsets(%dma_start3A_55 : memref<128xi32, #tpu.memory_space<vmem>>) semaphore(%run_scoped3A_53 : memref<!tpu.dma_semaphore, #tpu.memory_space<semaphore_mem>>) {add = true}
        %dma_wait3A = arith.constant 0 : i32
        %dma_wait3A_59 = tpu.memref_slice %arg6[%run_scoped3A_51, %dma_wait3A] : memref<4x128xi32, #tpu.memory_space<vmem>> -> memref<1x128xi32, #tpu.memory_space<vmem>>
        %dma_wait3A_60 = tpu.memref_squeeze %dma_wait3A_59 : memref<1x128xi32, #tpu.memory_space<vmem>> -> memref<128xi32, #tpu.memory_space<vmem>>
        %dma_wait3A_61 = arith.constant 0 : i32
        %dma_wait3A_62 = arith.constant 0 : i32
        %dma_wait3A_63 = tpu.memref_slice %arg9[%dma_wait3A_61, %dma_wait3A_62] : memref<10240x128xf32, #tpu.memory_space<vmem_shared>> -> memref<10240x128xf32, #tpu.memory_space<vmem_shared>>
        tpu.wait_indirect_dma semaphore(%run_scoped3A_53 : memref<!tpu.dma_semaphore, #tpu.memory_space<semaphore_mem>>) src(%arg7 : memref<128x128xf32, #tpu.memory_space<vmem>>) dst(%dma_wait3A_63 : memref<10240x128xf32, #tpu.memory_space<vmem_shared>>)
        tpu.yield
      }) : () -> ()
      %run_scoped3A_52 = arith.constant 3 : i32
      "tpu.region"() ({
        %run_scoped3A_53 = tpu.sem_alloc : memref<!tpu.dma_semaphore, #tpu.memory_space<semaphore_mem>>
        %dma_start3A = arith.constant 0 : i32
        %dma_start3A_54 = tpu.memref_slice %arg6[%run_scoped3A_52, %dma_start3A] : memref<4x128xi32, #tpu.memory_space<vmem>> -> memref<1x128xi32, #tpu.memory_space<vmem>>
        %dma_start3A_55 = tpu.memref_squeeze %dma_start3A_54 : memref<1x128xi32, #tpu.memory_space<vmem>> -> memref<128xi32, #tpu.memory_space<vmem>>
        %dma_start3A_56 = arith.constant 0 : i32
        %dma_start3A_57 = arith.constant 0 : i32
        %dma_start3A_58 = tpu.memref_slice %arg9[%dma_start3A_56, %dma_start3A_57] : memref<10240x128xf32, #tpu.memory_space<vmem_shared>> -> memref<10240x128xf32, #tpu.memory_space<vmem_shared>>
        tpu.enqueue_indirect_dma source(%arg7 : memref<128x128xf32, #tpu.memory_space<vmem>>) target(%dma_start3A_58 : memref<10240x128xf32, #tpu.memory_space<vmem_shared>>) offsets(%dma_start3A_55 : memref<128xi32, #tpu.memory_space<vmem>>) semaphore(%run_scoped3A_53 : memref<!tpu.dma_semaphore, #tpu.memory_space<semaphore_mem>>) {add = true}
        %dma_wait3A = arith.constant 0 : i32
        %dma_wait3A_59 = tpu.memref_slice %arg6[%run_scoped3A_52, %dma_wait3A] : memref<4x128xi32, #tpu.memory_space<vmem>> -> memref<1x128xi32, #tpu.memory_space<vmem>>
        %dma_wait3A_60 = tpu.memref_squeeze %dma_wait3A_59 : memref<1x128xi32, #tpu.memory_space<vmem>> -> memref<128xi32, #tpu.memory_space<vmem>>
        %dma_wait3A_61 = arith.constant 0 : i32
        %dma_wait3A_62 = arith.constant 0 : i32
        %dma_wait3A_63 = tpu.memref_slice %arg9[%dma_wait3A_61, %dma_wait3A_62] : memref<10240x128xf32, #tpu.memory_space<vmem_shared>> -> memref<10240x128xf32, #tpu.memory_space<vmem_shared>>
        tpu.wait_indirect_dma semaphore(%run_scoped3A_53 : memref<!tpu.dma_semaphore, #tpu.memory_space<semaphore_mem>>) src(%arg7 : memref<128x128xf32, #tpu.memory_space<vmem>>) dst(%dma_wait3A_63 : memref<10240x128xf32, #tpu.memory_space<vmem_shared>>)
        tpu.yield
      }) : () -> ()
    }
    %scan3A_25 = arith.constant 20 : i32
    %barrier3A_26 = arith.constant 0 : index
    tpu.barrier barrier_id(%barrier3A_26)
    %mul3A_27 = arith.constant 640 : i32
    %mul3A_28 = arith.muli %arg1, %mul3A_27 : i32
    %add3A_29 = arith.constant 0 : i32
    %add3A_30 = arith.addi %mul3A_28, %add3A_29 : i32
    "tpu.region"() ({
      %run_scoped3A = tpu.sem_alloc : memref<!tpu.dma_semaphore, #tpu.memory_space<semaphore_mem>>
      %dma_start3A = arith.constant 0 : i32
      %dma_start3A_47 = tpu.memref_slice %arg9[%add3A_30, %dma_start3A] : memref<10240x128xf32, #tpu.memory_space<vmem_shared>> -> memref<128x128xf32, #tpu.memory_space<vmem_shared>>
      %dma_start3A_48 = arith.constant 0 : i32
      %dma_start3A_49 = tpu.memref_slice %arg9[%add3A_30, %dma_start3A_48] : memref<10240x128xf32, #tpu.memory_space<vmem_shared>> -> memref<128x128xf32, #tpu.memory_space<vmem_shared>>
      tpu.enqueue_dma source(%dma_start3A_49 : memref<128x128xf32, #tpu.memory_space<vmem_shared>>) target(%arg8 : memref<128x128xf32, #tpu.memory_space<vmem>>) target_semaphore(%run_scoped3A : memref<!tpu.dma_semaphore, #tpu.memory_space<semaphore_mem>>)
      %dma_wait3A = arith.constant 0 : i32
      %dma_wait3A_50 = tpu.memref_slice %arg9[%add3A_30, %dma_wait3A] : memref<10240x128xf32, #tpu.memory_space<vmem_shared>> -> memref<128x128xf32, #tpu.memory_space<vmem_shared>>
      %dma_wait3A_51 = arith.constant 0 : i32
      %dma_wait3A_52 = tpu.memref_slice %arg9[%add3A_30, %dma_wait3A_51] : memref<10240x128xf32, #tpu.memory_space<vmem_shared>> -> memref<128x128xf32, #tpu.memory_space<vmem_shared>>
      tpu.wait_dma2 semaphore(%run_scoped3A : memref<!tpu.dma_semaphore, #tpu.memory_space<semaphore_mem>>) src(%dma_wait3A_52 : memref<128x128xf32, #tpu.memory_space<vmem_shared>>) dst(%arg8 : memref<128x128xf32, #tpu.memory_space<vmem>>)
      tpu.yield
    }) : () -> ()
    "tpu.region"() ({
      %run_scoped3A = tpu.sem_alloc : memref<!tpu.dma_semaphore, #tpu.memory_space<semaphore_mem>>
      %dma_start3A = arith.constant 0 : i32
      %dma_start3A_47 = tpu.memref_slice %arg5[%arg0, %add3A_30, %dma_start3A] : memref<2x10240x128xf32, #tpu.memory_space<hbm>> -> memref<1x128x128xf32, #tpu.memory_space<hbm>>
      %dma_start3A_48 = tpu.memref_squeeze %dma_start3A_47 : memref<1x128x128xf32, #tpu.memory_space<hbm>> -> memref<128x128xf32, #tpu.memory_space<hbm>>
      %dma_start3A_49 = arith.constant 0 : i32
      %dma_start3A_50 = tpu.memref_slice %arg5[%arg0, %add3A_30, %dma_start3A_49] : memref<2x10240x128xf32, #tpu.memory_space<hbm>> -> memref<1x128x128xf32, #tpu.memory_space<hbm>>
      %dma_start3A_51 = tpu.memref_squeeze %dma_start3A_50 : memref<1x128x128xf32, #tpu.memory_space<hbm>> -> memref<128x128xf32, #tpu.memory_space<hbm>>
      tpu.enqueue_dma source(%arg8 : memref<128x128xf32, #tpu.memory_space<vmem>>) target(%dma_start3A_51 : memref<128x128xf32, #tpu.memory_space<hbm>>) target_semaphore(%run_scoped3A : memref<!tpu.dma_semaphore, #tpu.memory_space<semaphore_mem>>)
      %dma_wait3A = arith.constant 0 : i32
      %dma_wait3A_52 = tpu.memref_slice %arg5[%arg0, %add3A_30, %dma_wait3A] : memref<2x10240x128xf32, #tpu.memory_space<hbm>> -> memref<1x128x128xf32, #tpu.memory_space<hbm>>
      %dma_wait3A_53 = tpu.memref_squeeze %dma_wait3A_52 : memref<1x128x128xf32, #tpu.memory_space<hbm>> -> memref<128x128xf32, #tpu.memory_space<hbm>>
      %dma_wait3A_54 = arith.constant 0 : i32
      %dma_wait3A_55 = tpu.memref_slice %arg5[%arg0, %add3A_30, %dma_wait3A_54] : memref<2x10240x128xf32, #tpu.memory_space<hbm>> -> memref<1x128x128xf32, #tpu.memory_space<hbm>>
      %dma_wait3A_56 = tpu.memref_squeeze %dma_wait3A_55 : memref<1x128x128xf32, #tpu.memory_space<hbm>> -> memref<128x128xf32, #tpu.memory_space<hbm>>
      tpu.wait_dma2 semaphore(%run_scoped3A : memref<!tpu.dma_semaphore, #tpu.memory_space<semaphore_mem>>) src(%arg8 : memref<128x128xf32, #tpu.memory_space<vmem>>) dst(%dma_wait3A_56 : memref<128x128xf32, #tpu.memory_space<hbm>>)
      tpu.yield
    }) : () -> ()
    %mul3A_31 = arith.constant 640 : i32
    %mul3A_32 = arith.muli %arg1, %mul3A_31 : i32
    %add3A_33 = arith.constant 128 : i32
    %add3A_34 = arith.addi %mul3A_32, %add3A_33 : i32
    "tpu.region"() ({
      %run_scoped3A = tpu.sem_alloc : memref<!tpu.dma_semaphore, #tpu.memory_space<semaphore_mem>>
      %dma_start3A = arith.constant 0 : i32
      %dma_start3A_47 = tpu.memref_slice %arg9[%add3A_34, %dma_start3A] : memref<10240x128xf32, #tpu.memory_space<vmem_shared>> -> memref<128x128xf32, #tpu.memory_space<vmem_shared>>
      %dma_start3A_48 = arith.constant 0 : i32
      %dma_start3A_49 = tpu.memref_slice %arg9[%add3A_34, %dma_start3A_48] : memref<10240x128xf32, #tpu.memory_space<vmem_shared>> -> memref<128x128xf32, #tpu.memory_space<vmem_shared>>
      tpu.enqueue_dma source(%dma_start3A_49 : memref<128x128xf32, #tpu.memory_space<vmem_shared>>) target(%arg8 : memref<128x128xf32, #tpu.memory_space<vmem>>) target_semaphore(%run_scoped3A : memref<!tpu.dma_semaphore, #tpu.memory_space<semaphore_mem>>)
      %dma_wait3A = arith.constant 0 : i32
      %dma_wait3A_50 = tpu.memref_slice %arg9[%add3A_34, %dma_wait3A] : memref<10240x128xf32, #tpu.memory_space<vmem_shared>> -> memref<128x128xf32, #tpu.memory_space<vmem_shared>>
      %dma_wait3A_51 = arith.constant 0 : i32
      %dma_wait3A_52 = tpu.memref_slice %arg9[%add3A_34, %dma_wait3A_51] : memref<10240x128xf32, #tpu.memory_space<vmem_shared>> -> memref<128x128xf32, #tpu.memory_space<vmem_shared>>
      tpu.wait_dma2 semaphore(%run_scoped3A : memref<!tpu.dma_semaphore, #tpu.memory_space<semaphore_mem>>) src(%dma_wait3A_52 : memref<128x128xf32, #tpu.memory_space<vmem_shared>>) dst(%arg8 : memref<128x128xf32, #tpu.memory_space<vmem>>)
      tpu.yield
    }) : () -> ()
    "tpu.region"() ({
      %run_scoped3A = tpu.sem_alloc : memref<!tpu.dma_semaphore, #tpu.memory_space<semaphore_mem>>
      %dma_start3A = arith.constant 0 : i32
      %dma_start3A_47 = tpu.memref_slice %arg5[%arg0, %add3A_34, %dma_start3A] : memref<2x10240x128xf32, #tpu.memory_space<hbm>> -> memref<1x128x128xf32, #tpu.memory_space<hbm>>
      %dma_start3A_48 = tpu.memref_squeeze %dma_start3A_47 : memref<1x128x128xf32, #tpu.memory_space<hbm>> -> memref<128x128xf32, #tpu.memory_space<hbm>>
      %dma_start3A_49 = arith.constant 0 : i32
      %dma_start3A_50 = tpu.memref_slice %arg5[%arg0, %add3A_34, %dma_start3A_49] : memref<2x10240x128xf32, #tpu.memory_space<hbm>> -> memref<1x128x128xf32, #tpu.memory_space<hbm>>
      %dma_start3A_51 = tpu.memref_squeeze %dma_start3A_50 : memref<1x128x128xf32, #tpu.memory_space<hbm>> -> memref<128x128xf32, #tpu.memory_space<hbm>>
      tpu.enqueue_dma source(%arg8 : memref<128x128xf32, #tpu.memory_space<vmem>>) target(%dma_start3A_51 : memref<128x128xf32, #tpu.memory_space<hbm>>) target_semaphore(%run_scoped3A : memref<!tpu.dma_semaphore, #tpu.memory_space<semaphore_mem>>)
      %dma_wait3A = arith.constant 0 : i32
      %dma_wait3A_52 = tpu.memref_slice %arg5[%arg0, %add3A_34, %dma_wait3A] : memref<2x10240x128xf32, #tpu.memory_space<hbm>> -> memref<1x128x128xf32, #tpu.memory_space<hbm>>
      %dma_wait3A_53 = tpu.memref_squeeze %dma_wait3A_52 : memref<1x128x128xf32, #tpu.memory_space<hbm>> -> memref<128x128xf32, #tpu.memory_space<hbm>>
      %dma_wait3A_54 = arith.constant 0 : i32
      %dma_wait3A_55 = tpu.memref_slice %arg5[%arg0, %add3A_34, %dma_wait3A_54] : memref<2x10240x128xf32, #tpu.memory_space<hbm>> -> memref<1x128x128xf32, #tpu.memory_space<hbm>>
      %dma_wait3A_56 = tpu.memref_squeeze %dma_wait3A_55 : memref<1x128x128xf32, #tpu.memory_space<hbm>> -> memref<128x128xf32, #tpu.memory_space<hbm>>
      tpu.wait_dma2 semaphore(%run_scoped3A : memref<!tpu.dma_semaphore, #tpu.memory_space<semaphore_mem>>) src(%arg8 : memref<128x128xf32, #tpu.memory_space<vmem>>) dst(%dma_wait3A_56 : memref<128x128xf32, #tpu.memory_space<hbm>>)
      tpu.yield
    }) : () -> ()
    %mul3A_35 = arith.constant 640 : i32
    %mul3A_36 = arith.muli %arg1, %mul3A_35 : i32
    %add3A_37 = arith.constant 256 : i32
    %add3A_38 = arith.addi %mul3A_36, %add3A_37 : i32
    "tpu.region"() ({
      %run_scoped3A = tpu.sem_alloc : memref<!tpu.dma_semaphore, #tpu.memory_space<semaphore_mem>>
      %dma_start3A = arith.constant 0 : i32
      %dma_start3A_47 = tpu.memref_slice %arg9[%add3A_38, %dma_start3A] : memref<10240x128xf32, #tpu.memory_space<vmem_shared>> -> memref<128x128xf32, #tpu.memory_space<vmem_shared>>
      %dma_start3A_48 = arith.constant 0 : i32
      %dma_start3A_49 = tpu.memref_slice %arg9[%add3A_38, %dma_start3A_48] : memref<10240x128xf32, #tpu.memory_space<vmem_shared>> -> memref<128x128xf32, #tpu.memory_space<vmem_shared>>
      tpu.enqueue_dma source(%dma_start3A_49 : memref<128x128xf32, #tpu.memory_space<vmem_shared>>) target(%arg8 : memref<128x128xf32, #tpu.memory_space<vmem>>) target_semaphore(%run_scoped3A : memref<!tpu.dma_semaphore, #tpu.memory_space<semaphore_mem>>)
      %dma_wait3A = arith.constant 0 : i32
      %dma_wait3A_50 = tpu.memref_slice %arg9[%add3A_38, %dma_wait3A] : memref<10240x128xf32, #tpu.memory_space<vmem_shared>> -> memref<128x128xf32, #tpu.memory_space<vmem_shared>>
      %dma_wait3A_51 = arith.constant 0 : i32
      %dma_wait3A_52 = tpu.memref_slice %arg9[%add3A_38, %dma_wait3A_51] : memref<10240x128xf32, #tpu.memory_space<vmem_shared>> -> memref<128x128xf32, #tpu.memory_space<vmem_shared>>
      tpu.wait_dma2 semaphore(%run_scoped3A : memref<!tpu.dma_semaphore, #tpu.memory_space<semaphore_mem>>) src(%dma_wait3A_52 : memref<128x128xf32, #tpu.memory_space<vmem_shared>>) dst(%arg8 : memref<128x128xf32, #tpu.memory_space<vmem>>)
      tpu.yield
    }) : () -> ()
    "tpu.region"() ({
      %run_scoped3A = tpu.sem_alloc : memref<!tpu.dma_semaphore, #tpu.memory_space<semaphore_mem>>
      %dma_start3A = arith.constant 0 : i32
      %dma_start3A_47 = tpu.memref_slice %arg5[%arg0, %add3A_38, %dma_start3A] : memref<2x10240x128xf32, #tpu.memory_space<hbm>> -> memref<1x128x128xf32, #tpu.memory_space<hbm>>
      %dma_start3A_48 = tpu.memref_squeeze %dma_start3A_47 : memref<1x128x128xf32, #tpu.memory_space<hbm>> -> memref<128x128xf32, #tpu.memory_space<hbm>>
      %dma_start3A_49 = arith.constant 0 : i32
      %dma_start3A_50 = tpu.memref_slice %arg5[%arg0, %add3A_38, %dma_start3A_49] : memref<2x10240x128xf32, #tpu.memory_space<hbm>> -> memref<1x128x128xf32, #tpu.memory_space<hbm>>
      %dma_start3A_51 = tpu.memref_squeeze %dma_start3A_50 : memref<1x128x128xf32, #tpu.memory_space<hbm>> -> memref<128x128xf32, #tpu.memory_space<hbm>>
      tpu.enqueue_dma source(%arg8 : memref<128x128xf32, #tpu.memory_space<vmem>>) target(%dma_start3A_51 : memref<128x128xf32, #tpu.memory_space<hbm>>) target_semaphore(%run_scoped3A : memref<!tpu.dma_semaphore, #tpu.memory_space<semaphore_mem>>)
      %dma_wait3A = arith.constant 0 : i32
      %dma_wait3A_52 = tpu.memref_slice %arg5[%arg0, %add3A_38, %dma_wait3A] : memref<2x10240x128xf32, #tpu.memory_space<hbm>> -> memref<1x128x128xf32, #tpu.memory_space<hbm>>
      %dma_wait3A_53 = tpu.memref_squeeze %dma_wait3A_52 : memref<1x128x128xf32, #tpu.memory_space<hbm>> -> memref<128x128xf32, #tpu.memory_space<hbm>>
      %dma_wait3A_54 = arith.constant 0 : i32
      %dma_wait3A_55 = tpu.memref_slice %arg5[%arg0, %add3A_38, %dma_wait3A_54] : memref<2x10240x128xf32, #tpu.memory_space<hbm>> -> memref<1x128x128xf32, #tpu.memory_space<hbm>>
      %dma_wait3A_56 = tpu.memref_squeeze %dma_wait3A_55 : memref<1x128x128xf32, #tpu.memory_space<hbm>> -> memref<128x128xf32, #tpu.memory_space<hbm>>
      tpu.wait_dma2 semaphore(%run_scoped3A : memref<!tpu.dma_semaphore, #tpu.memory_space<semaphore_mem>>) src(%arg8 : memref<128x128xf32, #tpu.memory_space<vmem>>) dst(%dma_wait3A_56 : memref<128x128xf32, #tpu.memory_space<hbm>>)
      tpu.yield
    }) : () -> ()
    %mul3A_39 = arith.constant 640 : i32
    %mul3A_40 = arith.muli %arg1, %mul3A_39 : i32
    %add3A_41 = arith.constant 384 : i32
    %add3A_42 = arith.addi %mul3A_40, %add3A_41 : i32
    "tpu.region"() ({
      %run_scoped3A = tpu.sem_alloc : memref<!tpu.dma_semaphore, #tpu.memory_space<semaphore_mem>>
      %dma_start3A = arith.constant 0 : i32
      %dma_start3A_47 = tpu.memref_slice %arg9[%add3A_42, %dma_start3A] : memref<10240x128xf32, #tpu.memory_space<vmem_shared>> -> memref<128x128xf32, #tpu.memory_space<vmem_shared>>
      %dma_start3A_48 = arith.constant 0 : i32
      %dma_start3A_49 = tpu.memref_slice %arg9[%add3A_42, %dma_start3A_48] : memref<10240x128xf32, #tpu.memory_space<vmem_shared>> -> memref<128x128xf32, #tpu.memory_space<vmem_shared>>
      tpu.enqueue_dma source(%dma_start3A_49 : memref<128x128xf32, #tpu.memory_space<vmem_shared>>) target(%arg8 : memref<128x128xf32, #tpu.memory_space<vmem>>) target_semaphore(%run_scoped3A : memref<!tpu.dma_semaphore, #tpu.memory_space<semaphore_mem>>)
      %dma_wait3A = arith.constant 0 : i32
      %dma_wait3A_50 = tpu.memref_slice %arg9[%add3A_42, %dma_wait3A] : memref<10240x128xf32, #tpu.memory_space<vmem_shared>> -> memref<128x128xf32, #tpu.memory_space<vmem_shared>>
      %dma_wait3A_51 = arith.constant 0 : i32
      %dma_wait3A_52 = tpu.memref_slice %arg9[%add3A_42, %dma_wait3A_51] : memref<10240x128xf32, #tpu.memory_space<vmem_shared>> -> memref<128x128xf32, #tpu.memory_space<vmem_shared>>
      tpu.wait_dma2 semaphore(%run_scoped3A : memref<!tpu.dma_semaphore, #tpu.memory_space<semaphore_mem>>) src(%dma_wait3A_52 : memref<128x128xf32, #tpu.memory_space<vmem_shared>>) dst(%arg8 : memref<128x128xf32, #tpu.memory_space<vmem>>)
      tpu.yield
    }) : () -> ()
    "tpu.region"() ({
      %run_scoped3A = tpu.sem_alloc : memref<!tpu.dma_semaphore, #tpu.memory_space<semaphore_mem>>
      %dma_start3A = arith.constant 0 : i32
      %dma_start3A_47 = tpu.memref_slice %arg5[%arg0, %add3A_42, %dma_start3A] : memref<2x10240x128xf32, #tpu.memory_space<hbm>> -> memref<1x128x128xf32, #tpu.memory_space<hbm>>
      %dma_start3A_48 = tpu.memref_squeeze %dma_start3A_47 : memref<1x128x128xf32, #tpu.memory_space<hbm>> -> memref<128x128xf32, #tpu.memory_space<hbm>>
      %dma_start3A_49 = arith.constant 0 : i32
      %dma_start3A_50 = tpu.memref_slice %arg5[%arg0, %add3A_42, %dma_start3A_49] : memref<2x10240x128xf32, #tpu.memory_space<hbm>> -> memref<1x128x128xf32, #tpu.memory_space<hbm>>
      %dma_start3A_51 = tpu.memref_squeeze %dma_start3A_50 : memref<1x128x128xf32, #tpu.memory_space<hbm>> -> memref<128x128xf32, #tpu.memory_space<hbm>>
      tpu.enqueue_dma source(%arg8 : memref<128x128xf32, #tpu.memory_space<vmem>>) target(%dma_start3A_51 : memref<128x128xf32, #tpu.memory_space<hbm>>) target_semaphore(%run_scoped3A : memref<!tpu.dma_semaphore, #tpu.memory_space<semaphore_mem>>)
      %dma_wait3A = arith.constant 0 : i32
      %dma_wait3A_52 = tpu.memref_slice %arg5[%arg0, %add3A_42, %dma_wait3A] : memref<2x10240x128xf32, #tpu.memory_space<hbm>> -> memref<1x128x128xf32, #tpu.memory_space<hbm>>
      %dma_wait3A_53 = tpu.memref_squeeze %dma_wait3A_52 : memref<1x128x128xf32, #tpu.memory_space<hbm>> -> memref<128x128xf32, #tpu.memory_space<hbm>>
      %dma_wait3A_54 = arith.constant 0 : i32
      %dma_wait3A_55 = tpu.memref_slice %arg5[%arg0, %add3A_42, %dma_wait3A_54] : memref<2x10240x128xf32, #tpu.memory_space<hbm>> -> memref<1x128x128xf32, #tpu.memory_space<hbm>>
      %dma_wait3A_56 = tpu.memref_squeeze %dma_wait3A_55 : memref<1x128x128xf32, #tpu.memory_space<hbm>> -> memref<128x128xf32, #tpu.memory_space<hbm>>
      tpu.wait_dma2 semaphore(%run_scoped3A : memref<!tpu.dma_semaphore, #tpu.memory_space<semaphore_mem>>) src(%arg8 : memref<128x128xf32, #tpu.memory_space<vmem>>) dst(%dma_wait3A_56 : memref<128x128xf32, #tpu.memory_space<hbm>>)
      tpu.yield
    }) : () -> ()
    %mul3A_43 = arith.constant 640 : i32
    %mul3A_44 = arith.muli %arg1, %mul3A_43 : i32
    %add3A_45 = arith.constant 512 : i32
    %add3A_46 = arith.addi %mul3A_44, %add3A_45 : i32
    "tpu.region"() ({
      %run_scoped3A = tpu.sem_alloc : memref<!tpu.dma_semaphore, #tpu.memory_space<semaphore_mem>>
      %dma_start3A = arith.constant 0 : i32
      %dma_start3A_47 = tpu.memref_slice %arg9[%add3A_46, %dma_start3A] : memref<10240x128xf32, #tpu.memory_space<vmem_shared>> -> memref<128x128xf32, #tpu.memory_space<vmem_shared>>
      %dma_start3A_48 = arith.constant 0 : i32
      %dma_start3A_49 = tpu.memref_slice %arg9[%add3A_46, %dma_start3A_48] : memref<10240x128xf32, #tpu.memory_space<vmem_shared>> -> memref<128x128xf32, #tpu.memory_space<vmem_shared>>
      tpu.enqueue_dma source(%dma_start3A_49 : memref<128x128xf32, #tpu.memory_space<vmem_shared>>) target(%arg8 : memref<128x128xf32, #tpu.memory_space<vmem>>) target_semaphore(%run_scoped3A : memref<!tpu.dma_semaphore, #tpu.memory_space<semaphore_mem>>)
      %dma_wait3A = arith.constant 0 : i32
      %dma_wait3A_50 = tpu.memref_slice %arg9[%add3A_46, %dma_wait3A] : memref<10240x128xf32, #tpu.memory_space<vmem_shared>> -> memref<128x128xf32, #tpu.memory_space<vmem_shared>>
      %dma_wait3A_51 = arith.constant 0 : i32
      %dma_wait3A_52 = tpu.memref_slice %arg9[%add3A_46, %dma_wait3A_51] : memref<10240x128xf32, #tpu.memory_space<vmem_shared>> -> memref<128x128xf32, #tpu.memory_space<vmem_shared>>
      tpu.wait_dma2 semaphore(%run_scoped3A : memref<!tpu.dma_semaphore, #tpu.memory_space<semaphore_mem>>) src(%dma_wait3A_52 : memref<128x128xf32, #tpu.memory_space<vmem_shared>>) dst(%arg8 : memref<128x128xf32, #tpu.memory_space<vmem>>)
      tpu.yield
    }) : () -> ()
    "tpu.region"() ({
      %run_scoped3A = tpu.sem_alloc : memref<!tpu.dma_semaphore, #tpu.memory_space<semaphore_mem>>
      %dma_start3A = arith.constant 0 : i32
      %dma_start3A_47 = tpu.memref_slice %arg5[%arg0, %add3A_46, %dma_start3A] : memref<2x10240x128xf32, #tpu.memory_space<hbm>> -> memref<1x128x128xf32, #tpu.memory_space<hbm>>
      %dma_start3A_48 = tpu.memref_squeeze %dma_start3A_47 : memref<1x128x128xf32, #tpu.memory_space<hbm>> -> memref<128x128xf32, #tpu.memory_space<hbm>>
      %dma_start3A_49 = arith.constant 0 : i32
      %dma_start3A_50 = tpu.memref_slice %arg5[%arg0, %add3A_46, %dma_start3A_49] : memref<2x10240x128xf32, #tpu.memory_space<hbm>> -> memref<1x128x128xf32, #tpu.memory_space<hbm>>
      %dma_start3A_51 = tpu.memref_squeeze %dma_start3A_50 : memref<1x128x128xf32, #tpu.memory_space<hbm>> -> memref<128x128xf32, #tpu.memory_space<hbm>>
      tpu.enqueue_dma source(%arg8 : memref<128x128xf32, #tpu.memory_space<vmem>>) target(%dma_start3A_51 : memref<128x128xf32, #tpu.memory_space<hbm>>) target_semaphore(%run_scoped3A : memref<!tpu.dma_semaphore, #tpu.memory_space<semaphore_mem>>)
      %dma_wait3A = arith.constant 0 : i32
      %dma_wait3A_52 = tpu.memref_slice %arg5[%arg0, %add3A_46, %dma_wait3A] : memref<2x10240x128xf32, #tpu.memory_space<hbm>> -> memref<1x128x128xf32, #tpu.memory_space<hbm>>
      %dma_wait3A_53 = tpu.memref_squeeze %dma_wait3A_52 : memref<1x128x128xf32, #tpu.memory_space<hbm>> -> memref<128x128xf32, #tpu.memory_space<hbm>>
      %dma_wait3A_54 = arith.constant 0 : i32
      %dma_wait3A_55 = tpu.memref_slice %arg5[%arg0, %add3A_46, %dma_wait3A_54] : memref<2x10240x128xf32, #tpu.memory_space<hbm>> -> memref<1x128x128xf32, #tpu.memory_space<hbm>>
      %dma_wait3A_56 = tpu.memref_squeeze %dma_wait3A_55 : memref<1x128x128xf32, #tpu.memory_space<hbm>> -> memref<128x128xf32, #tpu.memory_space<hbm>>
      tpu.wait_dma2 semaphore(%run_scoped3A : memref<!tpu.dma_semaphore, #tpu.memory_space<semaphore_mem>>) src(%arg8 : memref<128x128xf32, #tpu.memory_space<vmem>>) dst(%dma_wait3A_56 : memref<128x128xf32, #tpu.memory_space<hbm>>)
      tpu.yield
    }) : () -> ()
    return
  }
}

module attributes {stable_mosaic.version = 14 : i64} {
  func.func @_x_body(%arg0: i32, %arg1: memref<2x1024x128xf32, #tpu.memory_space<vmem>>, %arg2: memref<2x1024x128xf32, #tpu.memory_space<vmem>>, %arg3: memref<128x128xf32, #tpu.memory_space<vmem>>, %arg4: memref<1024x128xf32, #tpu.memory_space<vmem>>) attributes {dimension_semantics = [#tpu.dimension_semantics<arbitrary>], iteration_bounds = array<i64: 10>, scalar_prefetch = 0 : i64, scratch_operands = 0 : i64, tpu.core_type = #tpu.core_type<tc>, window_params = [{transform_indices = @transform_0, window_bounds = array<i64: 2, 1024, 128>}, {transform_indices = @transform_1, window_bounds = array<i64: 2, 1024, 128>}, {pipeline_mode = #tpu.pipeline_mode<synchronous>, transform_indices = @transform_2, window_bounds = array<i64: 128, 128>}, {transform_indices = @transform_3, window_bounds = array<i64: 1024, 128>}]} {
    %get3A = arith.constant 0 : index
    %get3A_0 = arith.constant 0 : index
    %get3A_1 = arith.constant 0 : index
    %get3A_2 = vector.load %arg1[%get3A, %get3A_0, %get3A_1] : memref<2x1024x128xf32, #tpu.memory_space<vmem>>, vector<1x1024x128xf32>
    %get3A_3 = vector.shape_cast %get3A_2 : vector<1x1024x128xf32> to vector<1024x128xf32>
    %get3A_4 = arith.constant 1 : index
    %get3A_5 = arith.constant 0 : index
    %get3A_6 = arith.constant 0 : index
    %get3A_7 = vector.load %arg1[%get3A_4, %get3A_5, %get3A_6] : memref<2x1024x128xf32, #tpu.memory_space<vmem>>, vector<1x1024x128xf32>
    %get3A_8 = vector.shape_cast %get3A_7 : vector<1x1024x128xf32> to vector<1024x128xf32>
    %add3A = arith.addf %get3A_3, %get3A_8 : vector<1024x128xf32>
    %get3A_9 = arith.constant 0 : index
    %get3A_10 = arith.constant 0 : index
    %get3A_11 = arith.constant 0 : index
    %get3A_12 = vector.load %arg2[%get3A_9, %get3A_10, %get3A_11] : memref<2x1024x128xf32, #tpu.memory_space<vmem>>, vector<1x1024x1xf32>
    %get3A_13 = vector.shape_cast %get3A_12 : vector<1x1024x1xf32> to vector<1024x1xf32>
    %get3A_14 = arith.constant 1 : index
    %get3A_15 = arith.constant 0 : index
    %get3A_16 = arith.constant 0 : index
    %get3A_17 = vector.load %arg2[%get3A_14, %get3A_15, %get3A_16] : memref<2x1024x128xf32, #tpu.memory_space<vmem>>, vector<1x1024x1xf32>
    %get3A_18 = vector.shape_cast %get3A_17 : vector<1x1024x1xf32> to vector<1024x1xf32>
    %add3A_19 = arith.addf %get3A_13, %get3A_18 : vector<1024x1xf32>
    %max3A = arith.constant 1.000000e+00 : f32
    %max3A_20 = vector.broadcast %max3A : f32 to vector<1024x1xf32>
    %max3A_21 = arith.maximumf %add3A_19, %max3A_20 : vector<1024x1xf32>
    %div3A = arith.constant 1.000000e+00 : f32
    %div3A_22 = vector.broadcast %div3A : f32 to vector<1024x1xf32>
    %div3A_23 = arith.divf %div3A_22, %max3A_21 : vector<1024x1xf32>
    %mul3A = vector.broadcast %div3A_23 : vector<1024x1xf32> to vector<1024x128xf32>
    %mul3A_24 = arith.mulf %add3A, %mul3A : vector<1024x128xf32>
    %get3A_25 = arith.constant 0 : index
    %get3A_26 = arith.constant 0 : index
    %get3A_27 = vector.load %arg3[%get3A_25, %get3A_26] : memref<128x128xf32, #tpu.memory_space<vmem>>, vector<128x128xf32>
    %dot_general3A = arith.constant dense<0.000000e+00> : vector<1024x128xf32>
    %dot_general3A_28 = tpu.matmul %mul3A_24, %get3A_27, %dot_general3A {dimension_numbers = #tpu.dot_dimension_numbers<[1], [0], [0], [1], [0, 0, 1, 1], [], []>, transpose_lhs_hint = false} : vector<1024x128xf32>, vector<128x128xf32>, vector<1024x128xf32> -> vector<1024x128xf32>
    %tanh3A = math.tanh %dot_general3A_28 : vector<1024x128xf32>
    %swap3A = arith.constant 0 : index
    %swap3A_29 = arith.constant 0 : index
    %swap3A_30 = vector.load %arg4[%swap3A, %swap3A_29] : memref<1024x128xf32, #tpu.memory_space<vmem>>, vector<1024x128xf32>
    tpu.vector_store %arg4[%swap3A, %swap3A_29], %tanh3A {strides = array<i32>} : memref<1024x128xf32, #tpu.memory_space<vmem>>, vector<1024x128xf32>,
    return
  }
  func.func @transform_0(%arg0: i32) -> (i32, i32, i32) {
    %c0_i32 = arith.constant 0 : i32
    %c0_i32_0 = arith.constant 0 : i32
    %c0_i32_1 = arith.constant 0 : i32
    return %c0_i32, %arg0, %c0_i32_0 : i32, i32, i32
  }
  func.func @transform_1(%arg0: i32) -> (i32, i32, i32) {
    %c0_i32 = arith.constant 0 : i32
    %c0_i32_0 = arith.constant 0 : i32
    %c0_i32_1 = arith.constant 0 : i32
    return %c0_i32, %arg0, %c0_i32_0 : i32, i32, i32
  }
  func.func @transform_2(%arg0: i32) -> (i32, i32) {
    %c0_i32 = arith.constant 0 : i32
    %c0_i32_0 = arith.constant 0 : i32
    %c0_i32_1 = arith.constant 0 : i32
    return %c0_i32, %c0_i32_0 : i32, i32
  }
  func.func @transform_3(%arg0: i32) -> (i32, i32) {
    %c0_i32 = arith.constant 0 : i32
    %c0_i32_0 = arith.constant 0 : i32
    return %arg0, %c0_i32 : i32, i32
  }
}

</mosaic_0001>

<sc_bundles>
// kernel: kernel.12.cloned.1.call-start
scs
__scs_entry_jumppad:
0x0: {  	(pc) =	sbr.rel $0x88, $3  }
0x1: {  	(tag) =	ssettag $0x0;
	lr =	simm.s32 $0x1  }
0x2: {  	[smem:$0x3F9C] =	sst lr;
	_ =	strace $0xD0000000  }
0x3: {  	_ = 	snop  }
0x4: {  	_ = 	snop  }
0x5: {  	_ = 	snop  }
0x6: {  	_ = 	snop  }
0x7: {  	_ = 	snop  }
__scs_overlays_trampoline_lowered:
0x8: {  	[smem:$0x3FAB] =	sst s0  }
0x9: {  	[smem:$0x3FAC] =	sst s1  }
0xa: {  	[smem:$0x3FAD] =	sst s2  }
0xb: {  	[smem:$0x3FAE] =	sst s3  }
0xc: {  	[smem:$0x3FAF] =	sst s4  }
0xd: {  	[smem:$0x3FB0] =	sst s5  }
0xe: {  	[smem:$0x3FB1] =	sst s6  }
0xf: {  	[smem:$0x3FB2] =	sst s7  }
0x10: {  	[smem:$0x3FB3] =	sst s8  }
0x11: {  	[smem:$0x3FB4] =	sst s9;
	s0 =	simm.s32 @!p0 $0x0  }
0x12: {  	s1 =	sld [smem:$0x3F9A];
	s0 =	simm.s32 @p0 $0x1  }
0x13: {  	[smem:$0x3FB5] =	sst s0;
	s0 =	simm.s32 @!p1 $0x0  }
0x14: {  	s2 =	sld [smem:$0x3F99];
	s0 =	simm.s32 @p1 $0x1  }
0x15: {  	[smem:$0x3FB6] =	sst s0;
	s0 =	simm.s32 @!p2 $0x0  }
0x16: {  	s3 =	sld [smem:$0x3FDB];
	s0 =	simm.s32 @p2 $0x1  }
0x17: {  	s4 =	simm.s32 $0x1BF5;
	[smem:$0x3FB8] =	sst s0  }
0x18: {  	s0 =	sld [smem:$0x3F9B];
	_ =	swait.ge [sflag:s4], $0x0  }
0x19: {  	s7 =	sld [smem:$0x3F9C]  }
0x1a: {  	s8 =	sadd.s32 $0xFFFFE003, lr  }
0x1b: {  	s9 =	sadd.s32 $0xFFFFFEF7, lr;
	s5 =	simm.s32 $0xFFFFFFFF;
	p2 =	slt.u32 s8, $0xFFFFF086  }
0x1c: {  	p1 =	slt.u32 s9, $0xF7A;
	s5 =	simm.s32 @!p2 $0x0  }
0x1d: {  	s5 =	simm.s32 @p1 $0x1;
	p0 =	seq.s32 s7, s2  }
0x1e: {  	s7 =	smul.u32 @!p0 $0xF7A, s2;
	p2 =	seq.s32 @!p0 s5, $0x0  }
0x1f: {  	s9 =	smul.u32 $0xF7A, s1;
	s8 =	simm.s32 @!p0 $0x1BF5;
	p2 =	por !p2, p0  }
0x20: {  	[sflag:s8] =	ssyncset.s32 @!p0 $0xFFFFF086;
	s6 =	sadd.s32 @!p0 s3, s7;
	s7 =	simm.s32 @!p0 $0x108  }
0x21: {  	s3 =	sadd.s32 s3, s9;
	s6 =	sadd.s32 @!p0 $0x88, s6;
	s7 =	simm.s32 @p2 $0x1082  }
0x22: {  	[simem:s7], [sflag:s8] =	dma.local @!p0 [hbm:s6], $0xF7A  }
0x23: {  	s9 =	sor.u32 $0xD0000000, s2;
	s6 =	simm.s32 $0x108;
	_ =	swait.ge @!p0 [sflag:s8], $0x0  }
0x24: {  	s3 =	sadd.s32 $0x88, s3;
	s6 =	simm.s32 @!p1 $0x1082;
	[sflag:s4] =	ssyncset.s32 $0xFFFFF086  }
0x25: {  	[simem:s6], [sflag:s4] =	dma.local [hbm:s3], $0xF7A  }
0x26: {  	[smem:$0x3F9C] =	sst s1;
	(tag) =	ssettag s2;
	_ =	strace s9  }
0x27: {  	s1 =	sld [smem:$0x3FAC]  }
0x28: {  	s2 =	sld [smem:$0x3FAD]  }
0x29: {  	s4 =	sld [smem:$0x3FAF]  }
0x2a: {  	p0 =	seq.s32 s5, $0x0;
	s5 =	sld [smem:$0x3FB0]  }
0x2b: {  	s6 =	sld [smem:$0x3FB1]  }
0x2c: {  	s7 =	sld [smem:$0x3FB2]  }
0x2d: {  	s3 =	simm.s32 $0x108;
	s8 =	sld [smem:$0x3FB3]  }
0x2e: {  	s3 =	simm.s32 @!p0 $0x1082;
	s9 =	sld [smem:$0x3FB4]  }
0x2f: {  	lr =	sadd.s32 s0, s3;
	s0 =	sld [smem:$0x3FAB]  }
0x30: {  	s3 =	sld [smem:$0x3FAE]  }
0x31: {  	[smem:$0x3FB7] =	sst s10  }
0x32: {  	s10 =	sld [smem:$0x3FB5];
	_ =	sdelay $0x3  }
0x33: {  	p0 =	seq.s32 s10, $0x1;
	s10 =	sld [smem:$0x3FB7];
	_ =	sdelay $0x3  }
0x34: {  	[smem:$0x3FB7] =	sst s10  }
0x35: {  	s10 =	sld [smem:$0x3FB6];
	_ =	sdelay $0x3  }
0x36: {  	p1 =	seq.s32 s10, $0x1;
	s10 =	sld [smem:$0x3FB7];
	_ =	sdelay $0x3  }
0x37: {  	[smem:$0x3FB7] =	sst s10  }
0x38: {  	s10 =	sld [smem:$0x3FB8]  }
0x39: {  	_ = 	snop;
	(pc) =	sbr.ind lr, $3  }
0x3a: {  	_ = 	snop  }
0x3b: {  	_ = 	snop  }
0x3c: {  	p2 =	seq.s32 s10, $0x1;
	s10 =	sld [smem:$0x3FB7]  }
0x3d: {  	_ =	shalt  }
0x3e: {  	_ =	shalt  }
0x3f: {  	_ =	shalt  }
0x40: {  	_ =	shalt  }
0x41: {  	_ =	shalt  }
0x42: {  	_ =	shalt  }
0x43: {  	_ =	shalt  }
0x44: {  	_ =	shalt  }
0x45: {  	_ =	shalt  }
0x46: {  	_ =	shalt  }
0x47: {  	_ =	shalt  }
0x48: {  	_ =	shalt  }
0x49: {  	_ =	shalt  }
0x4a: {  	_ =	shalt  }
0x4b: {  	_ =	shalt  }
0x4c: {  	_ =	shalt  }
0x4d: {  	_ =	shalt  }
0x4e: {  	_ =	shalt  }
0x4f: {  	_ =	shalt  }
0x50: {  	_ =	shalt  }
0x51: {  	_ =	shalt  }
0x52: {  	_ =	shalt  }
0x53: {  	_ =	shalt  }
0x54: {  	_ =	shalt  }
0x55: {  	_ =	shalt  }
0x56: {  	_ =	shalt  }
0x57: {  	_ =	shalt  }
0x58: {  	_ =	shalt  }
0x59: {  	_ =	shalt  }
0x5a: {  	_ =	shalt  }
0x5b: {  	_ =	shalt  }
0x5c: {  	_ =	shalt  }
0x5d: {  	_ =	shalt  }
0x5e: {  	_ =	shalt  }
0x5f: {  	_ =	shalt  }
0x60: {  	_ =	shalt  }
0x61: {  	_ =	shalt  }
0x62: {  	_ =	shalt  }
0x63: {  	_ =	shalt  }
0x64: {  	_ =	shalt  }
0x65: {  	_ =	shalt  }
0x66: {  	_ =	shalt  }
0x67: {  	_ =	shalt  }
0x68: {  	_ =	shalt  }
0x69: {  	_ =	shalt  }
0x6a: {  	_ =	shalt  }
0x6b: {  	_ =	shalt  }
0x6c: {  	_ =	shalt  }
0x6d: {  	_ =	shalt  }
0x6e: {  	_ =	shalt  }
0x6f: {  	_ =	shalt  }
0x70: {  	_ =	shalt  }
0x71: {  	_ =	shalt  }
0x72: {  	_ =	shalt  }
0x73: {  	_ =	shalt  }
0x74: {  	_ =	shalt  }
0x75: {  	_ =	shalt  }
0x76: {  	_ =	shalt  }
0x77: {  	_ =	shalt  }
0x78: {  	_ =	shalt  }
0x79: {  	_ =	shalt  }
0x7a: {  	_ =	shalt  }
0x7b: {  	_ =	shalt  }
0x7c: {  	_ =	shalt  }
0x7d: {  	_ =	shalt  }
0x7e: {  	_ =	shalt  }
0x7f: {  	_ =	shalt  }
0x80: {  	_ =	shalt  }
0x81: {  	_ =	shalt  }
0x82: {  	_ =	shalt  }
0x83: {  	_ =	shalt  }
0x84: {  	_ =	shalt  }
0x85: {  	_ =	shalt  }
0x86: {  	_ =	shalt  }
0x87: {  	_ =	shalt  }
.Lfunc_end0:
.L_simem_size_0:
called_computation.2_lowered:
.L_overlay_start_0:
0x88: {  	s2 =	sld [smem:$0x3FD9]  }
0x89: {  	s3 =	sld [smem:$0x3FFE];
	_ =	sdelay $0x1  }
0x8a: {  	s1 =	srdreg.scid  }
0x8b: {  	s0 =	sand.u32 $0x1, s1  }
0x8c: {  	s17 =	sshll.u32 s0, $0xA;
	s2 =	sadd.s32 s3, s2  }
0x8d: {  	s2 =	sadd.s32 s2, s17  }
0x8e: {  	[smem:$0x3FC3] =	sst s2  }
0x8f: {  	_ = 	snop  }
0x90: {  	s2 =	sld [smem:$0x3FC6]  }
0x91: {  	s18 =	sld [smem:$0x3FD0];
	(tm) =	ssettm $0x1  }
0x92: {  	s4 =	sld [smem:$0x3FFB];
	_ =	sdelay $0x3  }
0x93: {  	_ =	strace s4  }
0x94: {  	s4 =	sld [smem:$0x3FFC];
	_ =	sdelay $0x3  }
0x95: {  	_ =	strace s4  }
0x96: {  	s4 =	sld [smem:$0x3FFD];
	_ =	sdelay $0x3  }
0x97: {  	_ =	strace s4  }
0x98: {  	_ =	strace $0x8FFFFFFF  }
0x99: {  	s19 =	sld [smem:$0x3FDB];
	_ =	sdelay $0x1  }
0x9a: {  	s5 =	simm.s32 $_scs_section_size  }
0x9b: {  	s6 =	simm.s32 $_size__tile_overlayer_lowered;
	s7 =	simm.s32 $_tile_overlayer_lowered  }
0x9c: {  	s22 =	simm.s32 $0x1BFF;
	s21 =	sshll.u32 s7, $0x1;
	s4 =	sadd.s32 s5, s19  }
0x9d: {  	s8 =	simm.s32 $0x0;
	s20 =	sshll.u32 s6, $0x1;
	s6 =	sadd.s32 s21, s4  }
0x9e: {  	[timem:s8], [sflag:s22] =	dma.local [hbm:s6], s20  }
0x9f: {  	_ =	swait.ge [sflag:s22], s20  }
0xa0: {  	s5 =	ssub.s32 $0x0, s20;
	[sflag:s22] =	ssyncset.done $0x0  }
0xa1: {  	[sflag:s22] =	ssyncadd.s32 s5;
	_ =	sdelay $0x1  }
0xa2: {  	s23 =	simm.s32 $0x1B8B  }
0xa3: {  	_ =	swait.ge [sflag:s23], $0x1  }
0xa4: {  	[sflag:s23] =	ssyncset.done $0x0  }
0xa5: {  	s25 =	simm.s32 $0x1B8E;
	s24 =	sld [smem:$0x3FFE];
	[sflag:s23] =	ssyncadd.s32 $0xFFFFFFFF  }
0xa6: {  	s26 =	simm.s32 $execute0_lowered;
	[smem:$0x3FD2] =	sst s25  }
0xa7: {  	s6 =	sshll.u32 s26, $0x1;
	_ =	strace $0x8000004C;
	[dreg:$0x1] =	wrdreg $0xFFFFFFFF  }
0xa8: {  	s28 =	simm.s32 $_size_execute0_lowered;
	s4 =	sadd.s32 s4, s6;
	[dreg:$0x0] =	wrdreg $0x0  }
0xa9: {  	s6 =	sshll.u32 s28, $0x1;
	[dreg:$0x2] =	wrdreg s4  }
0xaa: {  	[dreg:$0x3] =	wrdreg s6  }
0xab: {  	[dreg:$0x4] =	wrdreg $0xC0  }
0xac: {  	_ =	task [dreg:s8], $0x5FFFF  }
0xad: {  	[dreg:$0x1] =	wrdreg $0xFFFFFFFF  }
0xae: {  	[dreg:$0x0] =	wrdreg $0x60  }
0xaf: {  	[dreg:$0x2] =	wrdreg s24  }
0xb0: {  	[dreg:$0x3] =	wrdreg s2  }
0xb1: {  	[dreg:$0x4] =	wrdreg s18  }
0xb2: {  	[dreg:$0x5] =	wrdreg $0x9  }
0xb3: {  	_ =	task.clear_ibuf [dreg:s8], $0x6FFFF;
	_ =	strace $0x9000004C  }
0xb4: {  	s29 =	simm.s32 $0x9;
	_ =	strace $0x8000004E  }
0xb5: {  	_ =	swait.ge [sflag:s29], $0x1  }
0xb6: {  	[sflag:s29] =	ssyncadd.s32 $0xFFFFFFFF  }
0xb7: {  	_ =	strace $0x9000004E  }
0xb8: {  	_ =	sfence  }
0xb9: {  	s30 =	sld [smem:$0x0];
	_ =	sdelay $0x2  }
0xba: {  	s31 =	sshll.u32 s1, $0xD;
	s1 =	sshrl.u32 s1, $0x2  }
0xbb: {  	s3 =	sand.u32 $0x4000, s31;
	s1 =	sadd.s32 s1, s30  }
0xbc: {  	s0 =	sor.u32 s3, s0;
	s1 =	sshll.u32 s1, $0x11  }
0xbd: {  	s0 =	sor.u32 s1, s0  }
0xbe: {  	s0 =	sadd.s32 $0x8F2B, s0  }
0xbf: {  	[sflag:s0] =	ssyncadd.remote.s32 $0x1  }
0xc0: {  	_ =	sfence.sel $0xFFFF  }
0xc1: {  	[dreg:$0x0] =	wrdreg $0xFFFFFFFF;
	(pc) =	sbr.abs _section_cstart, $3  }
0xc2: {  	[dreg:$0x1] =	wrdreg $0xFFFFFFFF  }
0xc3: {  	_ =	task.clear_ibuf [dreg:s8], $0x2FFFF;
	_ =	strace $0x9FFFFFFF  }
0xc4: {  	(tm) =	ssettm $0x7FFFFFFF  }
0xc5: {  	_ =	shalt  }
tec
execute0_lowered:
.L_overlay_start_1:
0x0: {  	(tag) =	ssettag $0x1  }
0x1: {  	s5 =	rddreg [dreg:$0x0]  }
0x2: {  	s0 =	srdreg.scid;
	s2 =	rddreg [dreg:$0x1]  }
0x3: {  	s8 =	rddreg [dreg:$0x2];
	s1 =	stileid.u32;
	s11 =	simm.s32 $0x80  }
0x4: {  	s12 =	simm.s32 $0x100;
	s13 =	simm.s32 $0x180;
	s14 =	simm.s32 $0x4180  }
0x5: {  	s15 =	simm.s32 $0x8180;
	s16 =	simm.s32 $0x1;
	s17 =	simm.s32 $0x0  }
0x6: {  	s4 =	sand.u32 $0x1, s0;
	s0 =	rddreg [dreg:$0x3];
	s9 =	sshll.u32 s1, $0x4  }
0x7: {  	s3 =	sshll.u32 s4, $0x4;
	s9 =	sand.u32 $0x70, s9;
	s30 =	ssub.s32 $0x2, s4  }
0x8: {  	s4 =	sadd.s32 $0x1800, s5;
	s6 =	sor.u32 s1, s3;
	s3 =	simm.s32 $0x0  }
0x9: {  	s31 =	sshrl.u32 s30, $0x1;
	s7 =	sshll.u32 s6, $0x4;
	[smem:$0x7FF] =	sst s3  }
0xa: {  	s10 =	sshll.u32 s6, $0xB;
	s7 =	sand.u32 $0x180, s7;
	_ =	strace $0x8000004D  }
0xb: {  	s8 =	sadd.s32 s8, s10;
	s7 =	sor.u32 s9, s7;
	s9 =	ssub.s32 s30, s31  }
0xc: {  	s10 =	simm.s32 $0x2;
	s7 =	sadd.s32 s7, s5;
	s9 =	smax.u32 s9, $0x1  }
0xd: {  	s5 =	sadd.s32 $0xAC400, s7;
	s6 =	sadd.s32 $0xAC200, s7;
	s7 =	sadd.s32 $0xAC000, s7  }
.LBB2_1:
0xe: {  	[tilespmem:s3], [sflag:$0x2] =	stream.linear.gather [hbm4b:s5+s3], $0x80, $0x38;
	[tilespmem:$0xC180] =	vst v63  }
0xf: {  	_ =	swait.ge [sflag:s10], $0x80  }
0x10: {  	[sflag:s10] =	ssyncset.done $0x0  }
0x11: {  	[sflag:s10] =	ssyncadd.s32 $0xFFFFFF80  }
0x12: {  	[tilespmem:s11], [sflag:$0x2] =	stream.linear.gather [hbm4b:s6+s3], $0x80, $0x38;
	[tilespmem:$0xC180] =	vst v63  }
0x13: {  	_ =	swait.ge [sflag:s10], $0x80  }
0x14: {  	[sflag:s10] =	ssyncset.done $0x0  }
0x15: {  	[sflag:s10] =	ssyncadd.s32 $0xFFFFFF80  }
0x16: {  	[tilespmem:s12], [sflag:$0x2] =	stream.linear.gather [hbm4b:s7+s3], $0x80, $0x38;
	[tilespmem:$0xC180] =	vst v63  }
0x17: {  	_ =	swait.ge [sflag:s10], $0x80  }
0x18: {  	[sflag:s10] =	ssyncset.done $0x0  }
0x19: {  	[sflag:s10] =	ssyncadd.s32 $0xFFFFFF80  }
0x1a: {  	[tilespmem:s13], [sflag:$0x1] =	stream.indirect.gather [hbm4b:s4+s11], $0x80, s3, s11, $0xb8;
	[tilespmem:$0xC180] =	vst v63  }
0x1b: {  	_ = 	snop  }
0x1c: {  	[tilespmem:s14], [sflag:$0x1] =	stream.indirect.gather [hbm4b:s2+s11], $0x80, s11, s11, $0xb8;
	[tilespmem:$0xC180] =	vst v63  }
0x1d: {  	_ = 	snop  }
0x1e: {  	[tilespmem:s15], [sflag:$0x1] =	stream.indirect.gather [hbm4b:s4+s11], $0x80, s12, s11, $0xb8;
	[tilespmem:$0xC180] =	vst v63  }
0x1f: {  	_ =	swait.ge [sflag:s16], $0x4000  }
0x20: {  	[sflag:s16] =	ssyncset.done $0x0  }
0x21: {  	[sflag:s16] =	ssyncadd.s32 $0xFFFFC000  }
0x22: {  	_ =	swait.ge [sflag:s16], $0x4000  }
0x23: {  	[sflag:s16] =	ssyncset.done $0x0  }
0x24: {  	[sflag:s16] =	ssyncadd.s32 $0xFFFFC000  }
0x25: {  	_ =	swait.ge [sflag:s16], $0x4000  }
0x26: {  	[sflag:s16] =	ssyncset.done $0x0  }
0x27: {  	s18 =	simm.s32 $0x0;
	[sflag:s16] =	ssyncadd.s32 $0xFFFFC000  }
0x28: {  	v12 =	vld [tilespmem:s18+$0x4180]  }
0x29: {  	v17 =	vld [tilespmem:s18+$0x8180]  }
0x2a: {  	v19 =	vld [tilespmem:s18+$0x4190]  }
0x2b: {  	v20 =	vld [tilespmem:s18+$0x8190]  }
0x2c: {  	v5 =	vld [tilespmem:s18+$0x41A0]  }
0x2d: {  	v10 =	vld [tilespmem:s18+$0x81A0]  }
0x2e: {  	v8 =	vld [tilespmem:s18+$0x41B0]  }
0x2f: {  	v11 =	vld [tilespmem:s18+$0x81B0]  }
0x30: {  	v7 =	vld [tilespmem:s18+$0x41C0]  }
0x31: {  	v9 =	vld [tilespmem:s18+$0x81C0]  }
0x32: {  	v3 =	vld [tilespmem:s18+$0x41D0]  }
0x33: {  	v6 =	vld [tilespmem:s18+$0x81D0]  }
0x34: {  	v1 =	vld [tilespmem:s18+$0x41E0]  }
0x35: {  	v4 =	vld [tilespmem:s18+$0x81E0]  }
0x36: {  	v0 =	vld [tilespmem:s18+$0x41F0]  }
0x37: {  	v2 =	vld [tilespmem:s18+$0x81F0]  }
0x38: {  	v16 =	vld [tilespmem:s18+$0x180]  }
0x39: {  	v15 =	vld [tilespmem:s18+$0x190]  }
0x3a: {  	v14 =	vld [tilespmem:s18+$0x1A0]  }
0x3b: {  	v13 =	vld [tilespmem:s18+$0x1B0];
	v18 =	vmul.f32 v17, v12  }
0x3c: {  	s19 =	simm.s32 $0x200;
	v17 =	vmul.f32 v20, v19;
	v12 =	vld [tilespmem:s18+$0x1C0]  }
.LBB2_2:
0x3d: {  	p0 =	sne.s32 s19, $0xFE00;
	v16 =	vmul.f32 v18, v16;
	v5 =	vmul.f32 v10, v5;
	v10 =	vld [tilespmem:s18+$0x1D0]  }
0x3e: {  	v8 =	vmul.f32 v11, v8;
	v15 =	vmul.f32 v17, v15;
	v11 =	vld [tilespmem:s18+$0x1E0]  }
0x3f: {  	s20 =	sshra.s32 s19, $0x2;
	v7 =	vmul.f32 v9, v7;
	[tilespmem:s18+$0x180] =	vst v16;
	v5 =	vmul.f32 v5, v14;
	v9 =	vld [tilespmem:s18+$0x1F0]  }
0x40: {  	v3 =	vmul.f32 v6, v3;
	v17 =	vld [tilespmem:s20+$0x4180];
	[tilespmem:s18+$0x190] =	vst v15;
	v8 =	vmul.f32 v8, v13  }
0x41: {  	v1 =	vmul.f32 v4, v1;
	v13 =	vld [tilespmem:s20+$0x8180];
	[tilespmem:s18+$0x1A0] =	vst v5;
	v5 =	vmul.f32 v7, v12  }
0x42: {  	v0 =	vmul.f32 v2, v0;
	v12 =	vld [tilespmem:s20+$0x4190];
	[tilespmem:s18+$0x1B0] =	vst v8;
	v3 =	vmul.f32 v3, v10  }
0x43: {  	v19 =	vld [tilespmem:s20+$0x8190];
	[tilespmem:s18+$0x1C0] =	vst v5;
	v1 =	vmul.f32 v1, v11  }
0x44: {  	v5 =	vld [tilespmem:s20+$0x41A0];
	[tilespmem:s18+$0x1D0] =	vst v3;
	v0 =	vmul.f32 v0, v9  }
0x45: {  	v10 =	vld [tilespmem:s20+$0x81A0];
	[tilespmem:s18+$0x1E0] =	vst v1  }
0x46: {  	v8 =	vld [tilespmem:s20+$0x41B0];
	[tilespmem:s18+$0x1F0] =	vst v0;
	s18 =	smov.u32 s20  }
0x47: {  	v11 =	vld [tilespmem:s18+$0x81B0]  }
0x48: {  	v7 =	vld [tilespmem:s18+$0x41C0]  }
0x49: {  	v9 =	vld [tilespmem:s18+$0x81C0]  }
0x4a: {  	v3 =	vld [tilespmem:s18+$0x41D0]  }
0x4b: {  	v6 =	vld [tilespmem:s18+$0x81D0]  }
0x4c: {  	v1 =	vld [tilespmem:s18+$0x41E0]  }
0x4d: {  	v4 =	vld [tilespmem:s18+$0x81E0]  }
0x4e: {  	v0 =	vld [tilespmem:s18+$0x41F0]  }
0x4f: {  	v2 =	vld [tilespmem:s18+$0x81F0]  }
.Ltmp0:
0x50: {  	v16 =	vld [tilespmem:s18+$0x180];
	(pc) =	sbr.rel @p0 .LBB2_2-.Ltmp0, $4  }
0x51: {  	v15 =	vld [tilespmem:s18+$0x190]  }
0x52: {  	v14 =	vld [tilespmem:s18+$0x1A0]  }
0x53: {  	v18 =	vmul.f32 v13, v17;
	v13 =	vld [tilespmem:s18+$0x1B0]  }
0x54: {  	s19 =	sadd.s32 $0x200, s19;
	v17 =	vmul.f32 v19, v12;
	v12 =	vld [tilespmem:s18+$0x1C0]  }
0x55: {  	v16 =	vmul.f32 v18, v16;
	v60 =	vld [tilespmem:s18+$0x1D0];
	v5 =	vmul.f32 v10, v5  }
0x56: {  	v61 =	vld [tilespmem:s18+$0x1E0];
	v8 =	vmul.f32 v11, v8;
	v15 =	vmul.f32 v17, v15  }
0x57: {  	v7 =	vmul.f32 v9, v7;
	v62 =	vld [tilespmem:s18+$0x1F0];
	[tilespmem:s18+$0x180] =	vst v16;
	v5 =	vmul.f32 v5, v14  }
0x58: {  	v3 =	vmul.f32 v6, v3;
	[tilespmem:s18+$0x190] =	vst v15;
	v8 =	vmul.f32 v8, v13  }
0x59: {  	v1 =	vmul.f32 v4, v1;
	[tilespmem:s18+$0x1A0] =	vst v5;
	v63 =	vmul.f32 v7, v12  }
0x5a: {  	v0 =	vmul.f32 v2, v0;
	[tilespmem:s18+$0x1B0] =	vst v8;
	v3 =	vmul.f32 v3, v60  }
0x5b: {  	v1 =	vmul.f32 v1, v61;
	[tilespmem:s18+$0x1C0] =	vst v63  }
0x5c: {  	s17 =	sadd.s32 $0x1, s17;
	v0 =	vmul.f32 v0, v62;
	[tilespmem:s18+$0x1D0] =	vst v3  }
0x5d: {  	p0 =	sne.s32 s17, s9;
	[tilespmem:s18+$0x1E0] =	vst v1  }
.Ltmp1:
0x5e: {  	[tilespmem:s18+$0x1F0] =	vst v0;
	(pc) =	sbr.rel @p0 .LBB2_1-.Ltmp1, $4  }
0x5f: {  	[hbm4b:s8+s3] =	stream.linear.scatter [tilespmem:s13], [sflag:$0x2], $0x4000, $0x38;
	[tilespmem:$0xC180] =	vst v63  }
0x60: {  	_ =	swait.ge [sflag:s10], $0x4000  }
0x61: {  	[sflag:s10] =	ssyncset.done $0x0  }
0x62: {  	[sflag:s10] =	ssyncadd.s32 $0xFFFFC000  }
0x63: {  	_ =	sfence.sel $0x180000  }
0x64: {  	[bflag:$0x0] =	sbarrier.arrive $0xFFFF  }
0x65: {  	p0 =	sne.s32 s1, $0x0;
	_ =	strace $0x9000004D  }
0x66: {  	s0 =	sadd.s32 @!p0 $0x100000, s0;
	[bflag:$0x2] =	sbarrier.arrive $0xFFFF  }
0x67: {  	[sflag:s0] =	ssyncadd.tile.s32 @!p0 $0x1;
	_ =	shalt  }
.Lfunc_end2:
_tile_overlayer_lowered:
.L_overlay_start_2:
0x68: {  	(tag) =	ssettag $0x2  }
0x69: {  	s0 =	rddreg [dreg:$0x0];
	s2 =	stileid.u32  }
0x6a: {  	s1 =	rddreg [dreg:$0x1];
	p0 =	sne.s32 s2, $0x0  }
0x6b: {  	s3 =	rddreg [dreg:$0x2];
	[bflag:$0x3] =	sbarrier.arrive $0xFFFF;
	s2 =	simm.s32 @!p0 $0x1C02  }
0x6c: {  	[timem:s3], [sflag:s2] =	dma.local @!p0 [hbm:s0], s1  }
0x6d: {  	s0 =	simm.s32 @!p0 $0x2  }
0x6e: {  	_ =	swait.ge @!p0 [sflag:s0], s1  }
0x6f: {  	s1 =	ssub.s32 @!p0 $0x0, s1;
	[sflag:s0] =	ssyncset.done @!p0 $0x0  }
0x70: {  	[sflag:s0] =	ssyncadd.s32 @!p0 s1  }
0x71: {  	[bflag:$0x3] =	sbarrier.arrive $0xFFFF  }
0x72: {  	_ =	shalt  }

// kernel: kernel.6.cloned.1.call-start
scs
__scs_entry_jumppad:
0x0: {  	(pc) =	sbr.rel $0x88, $3  }
0x1: {  	(tag) =	ssettag $0x0;
	lr =	simm.s32 $0x1  }
0x2: {  	[smem:$0x3F9C] =	sst lr;
	_ =	strace $0xD0000000  }
0x3: {  	_ = 	snop  }
0x4: {  	_ = 	snop  }
0x5: {  	_ = 	snop  }
0x6: {  	_ = 	snop  }
0x7: {  	_ = 	snop  }
__scs_overlays_trampoline_lowered:
0x8: {  	[smem:$0x3FAB] =	sst s0  }
0x9: {  	[smem:$0x3FAC] =	sst s1  }
0xa: {  	[smem:$0x3FAD] =	sst s2  }
0xb: {  	[smem:$0x3FAE] =	sst s3  }
0xc: {  	[smem:$0x3FAF] =	sst s4  }
0xd: {  	[smem:$0x3FB0] =	sst s5  }
0xe: {  	[smem:$0x3FB1] =	sst s6  }
0xf: {  	[smem:$0x3FB2] =	sst s7  }
0x10: {  	[smem:$0x3FB3] =	sst s8  }
0x11: {  	[smem:$0x3FB4] =	sst s9;
	s0 =	simm.s32 @!p0 $0x0  }
0x12: {  	s1 =	sld [smem:$0x3F9A];
	s0 =	simm.s32 @p0 $0x1  }
0x13: {  	[smem:$0x3FB5] =	sst s0;
	s0 =	simm.s32 @!p1 $0x0  }
0x14: {  	s2 =	sld [smem:$0x3F99];
	s0 =	simm.s32 @p1 $0x1  }
0x15: {  	[smem:$0x3FB6] =	sst s0;
	s0 =	simm.s32 @!p2 $0x0  }
0x16: {  	s3 =	sld [smem:$0x3FDB];
	s0 =	simm.s32 @p2 $0x1  }
0x17: {  	s4 =	simm.s32 $0x1BF5;
	[smem:$0x3FB8] =	sst s0  }
0x18: {  	s0 =	sld [smem:$0x3F9B];
	_ =	swait.ge [sflag:s4], $0x0  }
0x19: {  	s7 =	sld [smem:$0x3F9C]  }
0x1a: {  	s8 =	sadd.s32 $0xFFFFE003, lr  }
0x1b: {  	s9 =	sadd.s32 $0xFFFFFEF7, lr;
	s5 =	simm.s32 $0xFFFFFFFF;
	p2 =	slt.u32 s8, $0xFFFFF086  }
0x1c: {  	p1 =	slt.u32 s9, $0xF7A;
	s5 =	simm.s32 @!p2 $0x0  }
0x1d: {  	s5 =	simm.s32 @p1 $0x1;
	p0 =	seq.s32 s7, s2  }
0x1e: {  	s7 =	smul.u32 @!p0 $0xF7A, s2;
	p2 =	seq.s32 @!p0 s5, $0x0  }
0x1f: {  	s9 =	smul.u32 $0xF7A, s1;
	s8 =	simm.s32 @!p0 $0x1BF5;
	p2 =	por !p2, p0  }
0x20: {  	[sflag:s8] =	ssyncset.s32 @!p0 $0xFFFFF086;
	s6 =	sadd.s32 @!p0 s3, s7;
	s7 =	simm.s32 @!p0 $0x108  }
0x21: {  	s3 =	sadd.s32 s3, s9;
	s6 =	sadd.s32 @!p0 $0x88, s6;
	s7 =	simm.s32 @p2 $0x1082  }
0x22: {  	[simem:s7], [sflag:s8] =	dma.local @!p0 [hbm:s6], $0xF7A  }
0x23: {  	s9 =	sor.u32 $0xD0000000, s2;
	s6 =	simm.s32 $0x108;
	_ =	swait.ge @!p0 [sflag:s8], $0x0  }
0x24: {  	s3 =	sadd.s32 $0x88, s3;
	s6 =	simm.s32 @!p1 $0x1082;
	[sflag:s4] =	ssyncset.s32 $0xFFFFF086  }
0x25: {  	[simem:s6], [sflag:s4] =	dma.local [hbm:s3], $0xF7A  }
0x26: {  	[smem:$0x3F9C] =	sst s1;
	(tag) =	ssettag s2;
	_ =	strace s9  }
0x27: {  	s1 =	sld [smem:$0x3FAC]  }
0x28: {  	s2 =	sld [smem:$0x3FAD]  }
0x29: {  	s4 =	sld [smem:$0x3FAF]  }
0x2a: {  	p0 =	seq.s32 s5, $0x0;
	s5 =	sld [smem:$0x3FB0]  }
0x2b: {  	s6 =	sld [smem:$0x3FB1]  }
0x2c: {  	s7 =	sld [smem:$0x3FB2]  }
0x2d: {  	s3 =	simm.s32 $0x108;
	s8 =	sld [smem:$0x3FB3]  }
0x2e: {  	s3 =	simm.s32 @!p0 $0x1082;
	s9 =	sld [smem:$0x3FB4]  }
0x2f: {  	lr =	sadd.s32 s0, s3;
	s0 =	sld [smem:$0x3FAB]  }
0x30: {  	s3 =	sld [smem:$0x3FAE]  }
0x31: {  	[smem:$0x3FB7] =	sst s10  }
0x32: {  	s10 =	sld [smem:$0x3FB5];
	_ =	sdelay $0x3  }
0x33: {  	p0 =	seq.s32 s10, $0x1;
	s10 =	sld [smem:$0x3FB7];
	_ =	sdelay $0x3  }
0x34: {  	[smem:$0x3FB7] =	sst s10  }
0x35: {  	s10 =	sld [smem:$0x3FB6];
	_ =	sdelay $0x3  }
0x36: {  	p1 =	seq.s32 s10, $0x1;
	s10 =	sld [smem:$0x3FB7];
	_ =	sdelay $0x3  }
0x37: {  	[smem:$0x3FB7] =	sst s10  }
0x38: {  	s10 =	sld [smem:$0x3FB8]  }
0x39: {  	_ = 	snop;
	(pc) =	sbr.ind lr, $3  }
0x3a: {  	_ = 	snop  }
0x3b: {  	_ = 	snop  }
0x3c: {  	p2 =	seq.s32 s10, $0x1;
	s10 =	sld [smem:$0x3FB7]  }
0x3d: {  	_ =	shalt  }
0x3e: {  	_ =	shalt  }
0x3f: {  	_ =	shalt  }
0x40: {  	_ =	shalt  }
0x41: {  	_ =	shalt  }
0x42: {  	_ =	shalt  }
0x43: {  	_ =	shalt  }
0x44: {  	_ =	shalt  }
0x45: {  	_ =	shalt  }
0x46: {  	_ =	shalt  }
0x47: {  	_ =	shalt  }
0x48: {  	_ =	shalt  }
0x49: {  	_ =	shalt  }
0x4a: {  	_ =	shalt  }
0x4b: {  	_ =	shalt  }
0x4c: {  	_ =	shalt  }
0x4d: {  	_ =	shalt  }
0x4e: {  	_ =	shalt  }
0x4f: {  	_ =	shalt  }
0x50: {  	_ =	shalt  }
0x51: {  	_ =	shalt  }
0x52: {  	_ =	shalt  }
0x53: {  	_ =	shalt  }
0x54: {  	_ =	shalt  }
0x55: {  	_ =	shalt  }
0x56: {  	_ =	shalt  }
0x57: {  	_ =	shalt  }
0x58: {  	_ =	shalt  }
0x59: {  	_ =	shalt  }
0x5a: {  	_ =	shalt  }
0x5b: {  	_ =	shalt  }
0x5c: {  	_ =	shalt  }
0x5d: {  	_ =	shalt  }
0x5e: {  	_ =	shalt  }
0x5f: {  	_ =	shalt  }
0x60: {  	_ =	shalt  }
0x61: {  	_ =	shalt  }
0x62: {  	_ =	shalt  }
0x63: {  	_ =	shalt  }
0x64: {  	_ =	shalt  }
0x65: {  	_ =	shalt  }
0x66: {  	_ =	shalt  }
0x67: {  	_ =	shalt  }
0x68: {  	_ =	shalt  }
0x69: {  	_ =	shalt  }
0x6a: {  	_ =	shalt  }
0x6b: {  	_ =	shalt  }
0x6c: {  	_ =	shalt  }
0x6d: {  	_ =	shalt  }
0x6e: {  	_ =	shalt  }
0x6f: {  	_ =	shalt  }
0x70: {  	_ =	shalt  }
0x71: {  	_ =	shalt  }
0x72: {  	_ =	shalt  }
0x73: {  	_ =	shalt  }
0x74: {  	_ =	shalt  }
0x75: {  	_ =	shalt  }
0x76: {  	_ =	shalt  }
0x77: {  	_ =	shalt  }
0x78: {  	_ =	shalt  }
0x79: {  	_ =	shalt  }
0x7a: {  	_ =	shalt  }
0x7b: {  	_ =	shalt  }
0x7c: {  	_ =	shalt  }
0x7d: {  	_ =	shalt  }
0x7e: {  	_ =	shalt  }
0x7f: {  	_ =	shalt  }
0x80: {  	_ =	shalt  }
0x81: {  	_ =	shalt  }
0x82: {  	_ =	shalt  }
0x83: {  	_ =	shalt  }
0x84: {  	_ =	shalt  }
0x85: {  	_ =	shalt  }
0x86: {  	_ =	shalt  }
0x87: {  	_ =	shalt  }
.Lfunc_end0:
.L_simem_size_0:
called_computation_lowered:
.L_overlay_start_0:
0x88: {  	s2 =	sld [smem:$0x3FD9]  }
0x89: {  	s3 =	sld [smem:$0x3FFE];
	_ =	sdelay $0x1  }
0x8a: {  	s1 =	srdreg.scid  }
0x8b: {  	s0 =	sand.u32 $0x1, s1  }
0x8c: {  	s17 =	sshll.u32 s0, $0xA;
	s2 =	sadd.s32 s3, s2  }
0x8d: {  	s2 =	sadd.s32 s2, s17  }
0x8e: {  	[smem:$0x3FC3] =	sst s2  }
0x8f: {  	_ = 	snop  }
0x90: {  	s2 =	sld [smem:$0x3FC7]  }
0x91: {  	s18 =	sld [smem:$0x3FD0];
	(tm) =	ssettm $0x1  }
0x92: {  	s4 =	sld [smem:$0x3FFB];
	_ =	sdelay $0x3  }
0x93: {  	_ =	strace s4  }
0x94: {  	s4 =	sld [smem:$0x3FFC];
	_ =	sdelay $0x3  }
0x95: {  	_ =	strace s4  }
0x96: {  	s4 =	sld [smem:$0x3FFD];
	_ =	sdelay $0x3  }
0x97: {  	_ =	strace s4  }
0x98: {  	_ =	strace $0x8FFFFFFF  }
0x99: {  	s19 =	sld [smem:$0x3FDB];
	_ =	sdelay $0x1  }
0x9a: {  	s5 =	simm.s32 $_scs_section_size  }
0x9b: {  	s6 =	simm.s32 $_size__tile_overlayer_lowered;
	s7 =	simm.s32 $_tile_overlayer_lowered  }
0x9c: {  	s22 =	simm.s32 $0x1BFF;
	s21 =	sshll.u32 s7, $0x1;
	s4 =	sadd.s32 s5, s19  }
0x9d: {  	s8 =	simm.s32 $0x0;
	s20 =	sshll.u32 s6, $0x1;
	s6 =	sadd.s32 s21, s4  }
0x9e: {  	[timem:s8], [sflag:s22] =	dma.local [hbm:s6], s20  }
0x9f: {  	_ =	swait.ge [sflag:s22], s20  }
0xa0: {  	s5 =	ssub.s32 $0x0, s20;
	[sflag:s22] =	ssyncset.done $0x0  }
0xa1: {  	[sflag:s22] =	ssyncadd.s32 s5;
	_ =	sdelay $0x1  }
0xa2: {  	s23 =	simm.s32 $0x1B8B  }
0xa3: {  	_ =	swait.ge [sflag:s23], $0x1  }
0xa4: {  	[sflag:s23] =	ssyncset.done $0x0  }
0xa5: {  	s25 =	simm.s32 $0x1B8E;
	s24 =	sld [smem:$0x3FFE];
	[sflag:s23] =	ssyncadd.s32 $0xFFFFFFFF  }
0xa6: {  	s26 =	simm.s32 $execute0_lowered;
	[smem:$0x3FD2] =	sst s25  }
0xa7: {  	s6 =	sshll.u32 s26, $0x1;
	_ =	strace $0x80000046;
	[dreg:$0x1] =	wrdreg $0xFFFFFFFF  }
0xa8: {  	s28 =	simm.s32 $_size_execute0_lowered;
	s4 =	sadd.s32 s4, s6;
	[dreg:$0x0] =	wrdreg $0x0  }
0xa9: {  	s6 =	sshll.u32 s28, $0x1;
	[dreg:$0x2] =	wrdreg s4  }
0xaa: {  	[dreg:$0x3] =	wrdreg s6  }
0xab: {  	[dreg:$0x4] =	wrdreg $0xC0  }
0xac: {  	_ =	task [dreg:s8], $0x5FFFF  }
0xad: {  	[dreg:$0x1] =	wrdreg $0xFFFFFFFF  }
0xae: {  	[dreg:$0x0] =	wrdreg $0x60  }
0xaf: {  	[dreg:$0x2] =	wrdreg s18  }
0xb0: {  	[dreg:$0x3] =	wrdreg s24  }
0xb1: {  	[dreg:$0x4] =	wrdreg s2  }
0xb2: {  	[dreg:$0x5] =	wrdreg $0x88000  }
0xb3: {  	[dreg:$0x6] =	wrdreg $0x9  }
0xb4: {  	_ =	task.clear_ibuf [dreg:s8], $0x7FFFF;
	_ =	strace $0x90000046  }
0xb5: {  	s29 =	simm.s32 $0x9;
	_ =	strace $0x80000048  }
0xb6: {  	_ =	swait.ge [sflag:s29], $0x1  }
0xb7: {  	[sflag:s29] =	ssyncadd.s32 $0xFFFFFFFF  }
0xb8: {  	_ =	strace $0x90000048  }
0xb9: {  	_ =	sfence  }
0xba: {  	s30 =	sld [smem:$0x0];
	_ =	sdelay $0x2  }
0xbb: {  	s31 =	sshll.u32 s1, $0xD;
	s1 =	sshrl.u32 s1, $0x2  }
0xbc: {  	s3 =	sand.u32 $0x4000, s31;
	s1 =	sadd.s32 s1, s30  }
0xbd: {  	s0 =	sor.u32 s3, s0;
	s1 =	sshll.u32 s1, $0x11  }
0xbe: {  	s0 =	sor.u32 s1, s0  }
0xbf: {  	s0 =	sadd.s32 $0x8F2B, s0  }
0xc0: {  	[sflag:s0] =	ssyncadd.remote.s32 $0x1  }
0xc1: {  	_ =	sfence.sel $0xFFFF  }
0xc2: {  	[dreg:$0x0] =	wrdreg $0xFFFFFFFF;
	(pc) =	sbr.abs _section_cstart, $3  }
0xc3: {  	[dreg:$0x1] =	wrdreg $0xFFFFFFFF  }
0xc4: {  	_ =	task.clear_ibuf [dreg:s8], $0x2FFFF;
	_ =	strace $0x9FFFFFFF  }
0xc5: {  	(tm) =	ssettm $0x7FFFFFFF  }
tec
execute0_lowered:
.L_overlay_start_1:
0x0: {  	(tag) =	ssettag $0x1  }
0x1: {  	s1 =	rddreg [dreg:$0x0]  }
0x2: {  	s0 =	rddreg [dreg:$0x1]  }
0x3: {  	s2 =	rddreg [dreg:$0x2]  }
0x4: {  	s3 =	rddreg [dreg:$0x3];
	s4 =	simm.s32 $0x0;
	s5 =	srdreg.scid  }
0x5: {  	s7 =	stileid.u32;
	s28 =	simm.s32 $0x1;
	s29 =	simm.s32 $0x2  }
0x6: {  	s30 =	simm.s32 $0x0;
	[smem:$0x7FF] =	sst s4;
	s6 =	sadd.s32 $0x1800, s0  }
0x7: {  	s5 =	sand.u32 $0x1, s5;
	s8 =	sadd.s32 $0xB800, s0;
	s9 =	smul.u32 $0x50000, s7  }
0x8: {  	s0 =	sadd.s32 $0xC000, s0;
	s14 =	smul.u32 $0x14000, s7;
	_ =	strace $0x80000047  }
0x9: {  	[dreg:$0x5] =	wrdreg s8;
	s22 =	ssub.s32 $0x2, s5;
	s23 =	sshll.u32 s5, $0x4  }
0xa: {  	s5 =	smul.u32 $0x140000, s5;
	s10 =	sshrl.u32 s22, $0x1;
	s9 =	sshrl.u32 s9, $0x2  }
0xb: {  	s24 =	sor.u32 s7, s23;
	s15 =	sadd.s32 $0x4000, s14;
	s18 =	sadd.s32 $0x8000, s14  }
0xc: {  	s19 =	sadd.s32 $0xC000, s14;
	s20 =	sadd.s32 $0x10000, s14;
	s23 =	simm.s32 $0x3  }
0xd: {  	s21 =	ssub.s32 s22, s10;
	s8 =	sadd.s32 s9, s3;
	s9 =	sadd.s32 s15, s3  }
0xe: {  	s10 =	smul.u32 $0x2800, s24;
	s11 =	sadd.s32 s18, s3;
	s12 =	sadd.s32 s19, s3  }
0xf: {  	s13 =	sadd.s32 s20, s3;
	s17 =	sadd.s32 s14, s5;
	s15 =	sadd.s32 s5, s15  }
0x10: {  	s18 =	sadd.s32 s5, s18;
	s19 =	sadd.s32 s5, s19;
	s5 =	sadd.s32 s5, s20  }
0x11: {  	s17 =	sshrl.u32 s17, $0x3;
	s22 =	sshrl.u32 s15, $0x3;
	s18 =	sshrl.u32 s18, $0x3  }
0x12: {  	s19 =	sshrl.u32 s19, $0x3;
	s5 =	sshrl.u32 s5, $0x3;
	s21 =	smax.u32 s21, $0x1  }
.Ltmp0:
0x13: {  	s16 =	sshrl.u32 s10, $0x3;
	s31 =	sadd.s32 s0, s17;
	(pc) =	sbr.rel .LBB2_1-.Ltmp0, $4  }
0x14: {  	s17 =	sadd.s32 s0, s22;
	s18 =	sadd.s32 s0, s18;
	s19 =	sadd.s32 s0, s19  }
0x15: {  	s20 =	sadd.s32 s0, s5;
	s25 =	sadd.s32 s1, s16;
	[dreg:$0x8] =	wrdreg s31  }
0x16: {  	s22 =	simm.s32 $0x800;
	s26 =	sadd.s32 s6, s16;
	[dreg:$0x6] =	wrdreg s25  }
0x17: {  	[dreg:$0x7] =	wrdreg s26;
	s25 =	simm.s32 $0x80;
	s26 =	simm.s32 $0x4800  }
.LBB2_3:
0x18: {  	_ =	swait.ge [sflag:s29], $0x4000  }
0x19: {  	[sflag:s29] =	ssyncset.done $0x0  }
0x1a: {  	s0 =	sor.u32 $0x400, s24;
	[sflag:s29] =	ssyncadd.s32 $0xFFFFC000  }
0x1b: {  	[spmem:s3] =	stream.indirect.scatter.add.f32 [tilespmem:s26], [sflag:$0x3], $0x80, s0, s25, $0xb8;
	[tilespmem:$0x1C800] =	vst v63  }
0x1c: {  	_ =	swait.ge [sflag:s23], $0x4000  }
0x1d: {  	[sflag:s23] =	ssyncset.done $0x0  }
0x1e: {  	[sflag:s23] =	ssyncadd.s32 $0xFFFFC000  }
.LBB2_5:
0x1f: {  	[bflag:$0x0] =	sbarrier.arrive $0xFFFF  }
0x20: {  	[tilespmem:s22], [sflag:$0x3] =	stream.linear.gather [spmem:s8], $0x4000, $0x38;
	[tilespmem:$0x1C800] =	vst v63  }
0x21: {  	_ =	swait.ge [sflag:s23], $0x4000  }
0x22: {  	[sflag:s23] =	ssyncset.done $0x0  }
0x23: {  	s0 =	rddreg [dreg:$0x8];
	[sflag:s23] =	ssyncadd.s32 $0xFFFFC000  }
0x24: {  	[hbm4b:s0+s4] =	stream.linear.scatter [tilespmem:s22], [sflag:$0x3], $0x4000, $0x38;
	[tilespmem:$0x1C800] =	vst v63  }
0x25: {  	_ =	swait.ge [sflag:s23], $0x4000  }
0x26: {  	[sflag:s23] =	ssyncset.done $0x0  }
0x27: {  	[sflag:s23] =	ssyncadd.s32 $0xFFFFC000  }
0x28: {  	[tilespmem:s22], [sflag:$0x3] =	stream.linear.gather [spmem:s9], $0x4000, $0x38;
	[tilespmem:$0x1C800] =	vst v63  }
0x29: {  	_ =	swait.ge [sflag:s23], $0x4000  }
0x2a: {  	[sflag:s23] =	ssyncset.done $0x0  }
0x2b: {  	[sflag:s23] =	ssyncadd.s32 $0xFFFFC000  }
0x2c: {  	[hbm4b:s17+s4] =	stream.linear.scatter [tilespmem:s22], [sflag:$0x3], $0x4000, $0x38;
	[tilespmem:$0x1C800] =	vst v63  }
0x2d: {  	_ =	swait.ge [sflag:s23], $0x4000  }
0x2e: {  	[sflag:s23] =	ssyncset.done $0x0  }
0x2f: {  	[sflag:s23] =	ssyncadd.s32 $0xFFFFC000  }
0x30: {  	[tilespmem:s22], [sflag:$0x3] =	stream.linear.gather [spmem:s11], $0x4000, $0x38;
	[tilespmem:$0x1C800] =	vst v63  }
0x31: {  	_ =	swait.ge [sflag:s23], $0x4000  }
0x32: {  	[sflag:s23] =	ssyncset.done $0x0  }
0x33: {  	[sflag:s23] =	ssyncadd.s32 $0xFFFFC000  }
0x34: {  	[hbm4b:s18+s4] =	stream.linear.scatter [tilespmem:s22], [sflag:$0x3], $0x4000, $0x38;
	[tilespmem:$0x1C800] =	vst v63  }
0x35: {  	_ =	swait.ge [sflag:s23], $0x4000  }
0x36: {  	[sflag:s23] =	ssyncset.done $0x0  }
0x37: {  	[sflag:s23] =	ssyncadd.s32 $0xFFFFC000  }
0x38: {  	[tilespmem:s22], [sflag:$0x3] =	stream.linear.gather [spmem:s12], $0x4000, $0x38;
	[tilespmem:$0x1C800] =	vst v63  }
0x39: {  	_ =	swait.ge [sflag:s23], $0x4000  }
0x3a: {  	[sflag:s23] =	ssyncset.done $0x0  }
0x3b: {  	[sflag:s23] =	ssyncadd.s32 $0xFFFFC000  }
0x3c: {  	[hbm4b:s19+s4] =	stream.linear.scatter [tilespmem:s22], [sflag:$0x3], $0x4000, $0x38;
	[tilespmem:$0x1C800] =	vst v63  }
0x3d: {  	_ =	swait.ge [sflag:s23], $0x4000  }
0x3e: {  	[sflag:s23] =	ssyncset.done $0x0  }
0x3f: {  	[sflag:s23] =	ssyncadd.s32 $0xFFFFC000  }
0x40: {  	[tilespmem:s22], [sflag:$0x3] =	stream.linear.gather [spmem:s13], $0x4000, $0x38;
	[tilespmem:$0x1C800] =	vst v63  }
0x41: {  	s30 =	sadd.s32 $0x1, s30;
	_ =	swait.ge [sflag:s23], $0x4000  }
0x42: {  	p0 =	sne.s32 s30, s21;
	[sflag:s23] =	ssyncset.done $0x0  }
.Ltmp1:
0x43: {  	[sflag:s23] =	ssyncadd.s32 $0xFFFFC000;
	(pc) =	sbr.rel @!p0 .LBB2_6-.Ltmp1, $4  }
0x44: {  	[hbm4b:s20+s4] =	stream.linear.scatter [tilespmem:s22], [sflag:$0x3], $0x4000, $0x38;
	[tilespmem:$0x1C800] =	vst v63  }
0x45: {  	_ =	swait.ge [sflag:s23], $0x4000  }
0x46: {  	[sflag:s23] =	ssyncset.done $0x0  }
0x47: {  	[sflag:s23] =	ssyncadd.s32 $0xFFFFC000  }
.LBB2_1:
0x48: {  	s0 =	rddreg [dreg:$0x5]  }
0x49: {  	[tilespmem:s22], [sflag:$0x3] =	stream.linear.gather [hbm4b:s0+s4], $0x4000, $0x38;
	[tilespmem:$0x1C800] =	vst v63  }
0x4a: {  	_ =	swait.ge [sflag:s23], $0x4000  }
0x4b: {  	[sflag:s23] =	ssyncset.done $0x0  }
0x4c: {  	[sflag:s23] =	ssyncadd.s32 $0xFFFFC000  }
0x4d: {  	[spmem:s8] =	stream.linear.scatter [tilespmem:s22], [sflag:$0x3], $0x4000, $0x38;
	[tilespmem:$0x1C800] =	vst v63  }
0x4e: {  	_ =	swait.ge [sflag:s23], $0x4000  }
0x4f: {  	[sflag:s23] =	ssyncset.done $0x0  }
0x50: {  	[sflag:s23] =	ssyncadd.s32 $0xFFFFC000  }
0x51: {  	[spmem:s9] =	stream.linear.scatter [tilespmem:s22], [sflag:$0x3], $0x4000, $0x38;
	[tilespmem:$0x1C800] =	vst v63  }
0x52: {  	_ =	swait.ge [sflag:s23], $0x4000  }
0x53: {  	[sflag:s23] =	ssyncset.done $0x0  }
0x54: {  	[sflag:s23] =	ssyncadd.s32 $0xFFFFC000  }
0x55: {  	[spmem:s11] =	stream.linear.scatter [tilespmem:s22], [sflag:$0x3], $0x4000, $0x38;
	[tilespmem:$0x1C800] =	vst v63  }
0x56: {  	_ =	swait.ge [sflag:s23], $0x4000  }
0x57: {  	[sflag:s23] =	ssyncset.done $0x0  }
0x58: {  	[sflag:s23] =	ssyncadd.s32 $0xFFFFC000  }
0x59: {  	[spmem:s12] =	stream.linear.scatter [tilespmem:s22], [sflag:$0x3], $0x4000, $0x38;
	[tilespmem:$0x1C800] =	vst v63  }
0x5a: {  	_ =	swait.ge [sflag:s23], $0x4000  }
0x5b: {  	[sflag:s23] =	ssyncset.done $0x0  }
0x5c: {  	[sflag:s23] =	ssyncadd.s32 $0xFFFFC000  }
0x5d: {  	[spmem:s13] =	stream.linear.scatter [tilespmem:s22], [sflag:$0x3], $0x4000, $0x38;
	[tilespmem:$0x1C800] =	vst v63  }
0x5e: {  	_ =	swait.ge [sflag:s23], $0x4000  }
0x5f: {  	[sflag:s23] =	ssyncset.done $0x0  }
0x60: {  	[sflag:s23] =	ssyncadd.s32 $0xFFFFC000  }
0x61: {  	[bflag:$0x0] =	sbarrier.arrive $0xFFFF  }
0x62: {  	s16 =	rddreg [dreg:$0x6]  }
0x63: {  	[tilespmem:s4], [sflag:$0x3] =	stream.linear.gather [hbm4b:s16+s4], $0x200, $0x38;
	[tilespmem:$0x1C800] =	vst v63  }
0x64: {  	_ =	swait.ge [sflag:s23], $0x200  }
0x65: {  	[sflag:s23] =	ssyncset.done $0x0  }
0x66: {  	s5 =	simm.s32 $0x400;
	s24 =	rddreg [dreg:$0x7];
	[sflag:s23] =	ssyncadd.s32 $0xFFFFFE00  }
0x67: {  	[tilespmem:s5], [sflag:$0x3] =	stream.linear.gather [hbm4b:s24+s4], $0x200, $0x38;
	[tilespmem:$0x1C800] =	vst v63  }
0x68: {  	_ =	swait.ge [sflag:s23], $0x200  }
0x69: {  	[sflag:s23] =	ssyncset.done $0x0  }
0x6a: {  	[sflag:s23] =	ssyncadd.s32 $0xFFFFFE00  }
0x6b: {  	[tilespmem:s22], [sflag:$0x1] =	stream.indirect.gather [hbm4b:s2+s25], $0x80, s4, s25, $0xb8;
	[tilespmem:$0x1C800] =	vst v63  }
0x6c: {  	s31 =	simm.s32 $0x200;
	s0 =	simm.s32 $0x0  }
0x6d: {  	[tilespmem:s26], [sflag:$0x2] =	stream.indirect.gather [hbm4b:s2+s25], $0x80, s25, s25, $0xb8;
	[tilespmem:$0x1C800] =	vst v63  }
.LBB2_2:
0x6e: {  	p0 =	seq.s32 s0, $0x13  }
0x6f: {  	s5 =	sand.u32 @!p0 $0x7C00, s31  }
0x70: {  	s24 =	sand.u32 @!p0 $0x200, s31;
	s5 =	sadd.s32 @!p0 s10, s5  }
0x71: {  	s7 =	sand.u32 $0x1, s0;
	s24 =	sor.u32 @!p0 s24, s5  }
0x72: {  	s5 =	sxor.u32 $0x1, s7;
	s24 =	sshrl.u32 @!p0 s24, $0x3  }
0x73: {  	s16 =	simm.s32 @!p0 $0x0;
	s14 =	sshll.u32 @!p0 s5, $0x9;
	s15 =	sadd.s32 @!p0 s1, s24  }
0x74: {  	[tilespmem:s14], [sflag:$0x3] =	stream.linear.gather @!p0 [hbm4b:s15+s16], $0x200, $0x38;
	[tilespmem:$0x1C800] =	vst v63  }
0x75: {  	s15 =	simm.s32 @!p0 $0x3  }
0x76: {  	_ =	swait.ge @!p0 [sflag:s15], $0x200  }
0x77: {  	[sflag:s15] =	ssyncset.done @!p0 $0x0  }
0x78: {  	s24 =	sadd.s32 @!p0 s6, s24;
	s14 =	sor.u32 @!p0 $0x400, s14;
	[sflag:s15] =	ssyncadd.s32 @!p0 $0xFFFFFE00  }
0x79: {  	[tilespmem:s14], [sflag:$0x3] =	stream.linear.gather @!p0 [hbm4b:s24+s16], $0x200, $0x38;
	[tilespmem:$0x1C800] =	vst v63  }
0x7a: {  	_ =	swait.ge @!p0 [sflag:s15], $0x200  }
0x7b: {  	[sflag:s15] =	ssyncset.done @!p0 $0x0  }
0x7c: {  	[sflag:s15] =	ssyncadd.s32 @!p0 $0xFFFFFE00  }
0x7d: {  	_ =	swait.ge [sflag:s28], $0x4000  }
0x7e: {  	s7 =	sshll.u32 s7, $0x9;
	[sflag:s28] =	ssyncset.done $0x0  }
0x7f: {  	s15 =	sor.u32 $0x400, s7;
	[sflag:s28] =	ssyncadd.s32 $0xFFFFC000  }
0x80: {  	[spmem:s3] =	stream.indirect.scatter.add.f32 [tilespmem:s22], [sflag:$0x3], $0x80, s15, s25, $0xb8;
	[tilespmem:$0x1C800] =	vst v63  }
0x81: {  	_ =	swait.ge [sflag:s23], $0x4000  }
0x82: {  	[sflag:s23] =	ssyncset.done $0x0  }
0x83: {  	s16 =	sor.u32 $0x100, s7;
	[sflag:s23] =	ssyncadd.s32 $0xFFFFC000  }
0x84: {  	[tilespmem:s22], [sflag:$0x1] =	stream.indirect.gather [hbm4b:s2+s25], $0x80, s16, s25, $0xb8;
	[tilespmem:$0x1C800] =	vst v63  }
0x85: {  	_ =	swait.ge [sflag:s29], $0x4000  }
0x86: {  	[sflag:s29] =	ssyncset.done $0x0  }
0x87: {  	s24 =	sor.u32 $0x480, s7;
	[sflag:s29] =	ssyncadd.s32 $0xFFFFC000  }
0x88: {  	[spmem:s3] =	stream.indirect.scatter.add.f32 [tilespmem:s26], [sflag:$0x3], $0x80, s24, s25, $0xb8;
	[tilespmem:$0x1C800] =	vst v63  }
0x89: {  	_ =	swait.ge [sflag:s23], $0x4000  }
0x8a: {  	[sflag:s23] =	ssyncset.done $0x0  }
0x8b: {  	s24 =	sor.u32 $0x180, s7;
	[sflag:s23] =	ssyncadd.s32 $0xFFFFC000  }
0x8c: {  	[tilespmem:s26], [sflag:$0x2] =	stream.indirect.gather [hbm4b:s2+s25], $0x80, s24, s25, $0xb8;
	[tilespmem:$0x1C800] =	vst v63  }
0x8d: {  	_ =	swait.ge [sflag:s28], $0x4000  }
0x8e: {  	p0 =	sne.s32 s0, $0x13;
	[sflag:s28] =	ssyncset.done $0x0  }
.Ltmp2:
0x8f: {  	s7 =	sor.u32 $0x500, s7;
	[sflag:s28] =	ssyncadd.s32 $0xFFFFC000;
	(pc) =	sbr.rel @!p0 .LBB2_3-.Ltmp2, $4  }
0x90: {  	[spmem:s3] =	stream.indirect.scatter.add.f32 [tilespmem:s22], [sflag:$0x3], $0x80, s7, s25, $0xb8;
	[tilespmem:$0x1C800] =	vst v63  }
0x91: {  	_ =	swait.ge [sflag:s23], $0x4000  }
0x92: {  	[sflag:s23] =	ssyncset.done $0x0  }
0x93: {  	[sflag:s23] =	ssyncadd.s32 $0xFFFFC000  }
0x94: {  	s5 =	sshll.u32 s5, $0x9  }
0x95: {  	[tilespmem:s22], [sflag:$0x1] =	stream.indirect.gather [hbm4b:s2+s25], $0x80, s5, s25, $0xb8;
	[tilespmem:$0x1C800] =	vst v63  }
0x96: {  	_ =	swait.ge [sflag:s29], $0x4000  }
0x97: {  	s0 =	sadd.s32 $0x1, s0;
	[sflag:s29] =	ssyncset.done $0x0  }
0x98: {  	s7 =	sor.u32 $0x400, s24;
	p0 =	sne.s32 s0, $0x14;
	[sflag:s29] =	ssyncadd.s32 $0xFFFFC000  }
0x99: {  	[spmem:s3] =	stream.indirect.scatter.add.f32 [tilespmem:s26], [sflag:$0x3], $0x80, s7, s25, $0xb8;
	[tilespmem:$0x1C800] =	vst v63  }
.Ltmp3:
0x9a: {  	_ = 	snop;
	(pc) =	sbr.rel @p0 .LBB2_2-.Ltmp3, $4  }
.Ltmp4:
0x9b: {  	_ =	swait.ge [sflag:s23], $0x4000;
	(pc) =	sbr.rel @!p0 .LBB2_5-.Ltmp4, $4  }
0x9c: {  	[sflag:s23] =	ssyncset.done $0x0  }
0x9d: {  	s31 =	sadd.s32 $0x200, s31;
	s5 =	sor.u32 $0x80, s5;
	[sflag:s23] =	ssyncadd.s32 $0xFFFFC000  }
0x9e: {  	[tilespmem:s26], [sflag:$0x2] =	stream.indirect.gather [hbm4b:s2+s25], $0x80, s5, s25, $0xb8;
	[tilespmem:$0x1C800] =	vst v63  }
0x9f: {  	_ = 	snop  }
.LBB2_6:
0xa0: {  	_ =	sfence.sel $0x180000  }
0xa1: {  	[bflag:$0x0] =	sbarrier.arrive $0xFFFF  }
0xa2: {  	_ =	strace $0x90000047  }
0xa3: {  	s0 =	stileid.u32;
	[bflag:$0x2] =	sbarrier.arrive $0xFFFF  }
0xa4: {  	p0 =	sne.s32 s0, $0x0;
	s0 =	rddreg [dreg:$0x4]  }
0xa5: {  	s0 =	sadd.s32 @!p0 $0x100000, s0  }
0xa6: {  	[sflag:s0] =	ssyncadd.tile.s32 @!p0 $0x1;
	_ =	shalt  }
.Lfunc_end2:
_tile_overlayer_lowered:
.L_overlay_start_2:
0xa7: {  	(tag) =	ssettag $0x2  }
0xa8: {  	s0 =	rddreg [dreg:$0x0];
	s2 =	stileid.u32  }
0xa9: {  	s1 =	rddreg [dreg:$0x1];
	p0 =	sne.s32 s2, $0x0  }
0xaa: {  	s3 =	rddreg [dreg:$0x2];
	[bflag:$0x3] =	sbarrier.arrive $0xFFFF;
	s2 =	simm.s32 @!p0 $0x1C03  }
0xab: {  	[timem:s3], [sflag:s2] =	dma.local @!p0 [hbm:s0], s1  }
0xac: {  	s0 =	simm.s32 @!p0 $0x3  }
0xad: {  	_ =	swait.ge @!p0 [sflag:s0], s1  }
0xae: {  	s1 =	ssub.s32 @!p0 $0x0, s1;
	[sflag:s0] =	ssyncset.done @!p0 $0x0  }
0xaf: {  	[sflag:s0] =	ssyncadd.s32 @!p0 s1  }
0xb0: {  	[bflag:$0x3] =	sbarrier.arrive $0xFFFF  }
0xb1: {  	_ =	shalt  }

// kernel: kernel.9.cloned.1.call-start
scs
__scs_entry_jumppad:
0x0: {  	(pc) =	sbr.rel $0x88, $3  }
0x1: {  	(tag) =	ssettag $0x0;
	lr =	simm.s32 $0x1  }
0x2: {  	[smem:$0x3F9C] =	sst lr;
	_ =	strace $0xD0000000  }
0x3: {  	_ = 	snop  }
0x4: {  	_ = 	snop  }
0x5: {  	_ = 	snop  }
0x6: {  	_ = 	snop  }
0x7: {  	_ = 	snop  }
__scs_overlays_trampoline_lowered:
0x8: {  	[smem:$0x3FAB] =	sst s0  }
0x9: {  	[smem:$0x3FAC] =	sst s1  }
0xa: {  	[smem:$0x3FAD] =	sst s2  }
0xb: {  	[smem:$0x3FAE] =	sst s3  }
0xc: {  	[smem:$0x3FAF] =	sst s4  }
0xd: {  	[smem:$0x3FB0] =	sst s5  }
0xe: {  	[smem:$0x3FB1] =	sst s6  }
0xf: {  	[smem:$0x3FB2] =	sst s7  }
0x10: {  	[smem:$0x3FB3] =	sst s8  }
0x11: {  	[smem:$0x3FB4] =	sst s9;
	s0 =	simm.s32 @!p0 $0x0  }
0x12: {  	s1 =	sld [smem:$0x3F9A];
	s0 =	simm.s32 @p0 $0x1  }
0x13: {  	[smem:$0x3FB5] =	sst s0;
	s0 =	simm.s32 @!p1 $0x0  }
0x14: {  	s2 =	sld [smem:$0x3F99];
	s0 =	simm.s32 @p1 $0x1  }
0x15: {  	[smem:$0x3FB6] =	sst s0;
	s0 =	simm.s32 @!p2 $0x0  }
0x16: {  	s3 =	sld [smem:$0x3FDB];
	s0 =	simm.s32 @p2 $0x1  }
0x17: {  	s4 =	simm.s32 $0x1BF5;
	[smem:$0x3FB8] =	sst s0  }
0x18: {  	s0 =	sld [smem:$0x3F9B];
	_ =	swait.ge [sflag:s4], $0x0  }
0x19: {  	s7 =	sld [smem:$0x3F9C]  }
0x1a: {  	s8 =	sadd.s32 $0xFFFFE003, lr  }
0x1b: {  	s9 =	sadd.s32 $0xFFFFFEF7, lr;
	s5 =	simm.s32 $0xFFFFFFFF;
	p2 =	slt.u32 s8, $0xFFFFF086  }
0x1c: {  	p1 =	slt.u32 s9, $0xF7A;
	s5 =	simm.s32 @!p2 $0x0  }
0x1d: {  	s5 =	simm.s32 @p1 $0x1;
	p0 =	seq.s32 s7, s2  }
0x1e: {  	s7 =	smul.u32 @!p0 $0xF7A, s2;
	p2 =	seq.s32 @!p0 s5, $0x0  }
0x1f: {  	s9 =	smul.u32 $0xF7A, s1;
	s8 =	simm.s32 @!p0 $0x1BF5;
	p2 =	por !p2, p0  }
0x20: {  	[sflag:s8] =	ssyncset.s32 @!p0 $0xFFFFF086;
	s6 =	sadd.s32 @!p0 s3, s7;
	s7 =	simm.s32 @!p0 $0x108  }
0x21: {  	s3 =	sadd.s32 s3, s9;
	s6 =	sadd.s32 @!p0 $0x88, s6;
	s7 =	simm.s32 @p2 $0x1082  }
0x22: {  	[simem:s7], [sflag:s8] =	dma.local @!p0 [hbm:s6], $0xF7A  }
0x23: {  	s9 =	sor.u32 $0xD0000000, s2;
	s6 =	simm.s32 $0x108;
	_ =	swait.ge @!p0 [sflag:s8], $0x0  }
0x24: {  	s3 =	sadd.s32 $0x88, s3;
	s6 =	simm.s32 @!p1 $0x1082;
	[sflag:s4] =	ssyncset.s32 $0xFFFFF086  }
0x25: {  	[simem:s6], [sflag:s4] =	dma.local [hbm:s3], $0xF7A  }
0x26: {  	[smem:$0x3F9C] =	sst s1;
	(tag) =	ssettag s2;
	_ =	strace s9  }
0x27: {  	s1 =	sld [smem:$0x3FAC]  }
0x28: {  	s2 =	sld [smem:$0x3FAD]  }
0x29: {  	s4 =	sld [smem:$0x3FAF]  }
0x2a: {  	p0 =	seq.s32 s5, $0x0;
	s5 =	sld [smem:$0x3FB0]  }
0x2b: {  	s6 =	sld [smem:$0x3FB1]  }
0x2c: {  	s7 =	sld [smem:$0x3FB2]  }
0x2d: {  	s3 =	simm.s32 $0x108;
	s8 =	sld [smem:$0x3FB3]  }
0x2e: {  	s3 =	simm.s32 @!p0 $0x1082;
	s9 =	sld [smem:$0x3FB4]  }
0x2f: {  	lr =	sadd.s32 s0, s3;
	s0 =	sld [smem:$0x3FAB]  }
0x30: {  	s3 =	sld [smem:$0x3FAE]  }
0x31: {  	[smem:$0x3FB7] =	sst s10  }
0x32: {  	s10 =	sld [smem:$0x3FB5];
	_ =	sdelay $0x3  }
0x33: {  	p0 =	seq.s32 s10, $0x1;
	s10 =	sld [smem:$0x3FB7];
	_ =	sdelay $0x3  }
0x34: {  	[smem:$0x3FB7] =	sst s10  }
0x35: {  	s10 =	sld [smem:$0x3FB6];
	_ =	sdelay $0x3  }
0x36: {  	p1 =	seq.s32 s10, $0x1;
	s10 =	sld [smem:$0x3FB7];
	_ =	sdelay $0x3  }
0x37: {  	[smem:$0x3FB7] =	sst s10  }
0x38: {  	s10 =	sld [smem:$0x3FB8]  }
0x39: {  	_ = 	snop;
	(pc) =	sbr.ind lr, $3  }
0x3a: {  	_ = 	snop  }
0x3b: {  	_ = 	snop  }
0x3c: {  	p2 =	seq.s32 s10, $0x1;
	s10 =	sld [smem:$0x3FB7]  }
0x3d: {  	_ =	shalt  }
0x3e: {  	_ =	shalt  }
0x3f: {  	_ =	shalt  }
0x40: {  	_ =	shalt  }
0x41: {  	_ =	shalt  }
0x42: {  	_ =	shalt  }
0x43: {  	_ =	shalt  }
0x44: {  	_ =	shalt  }
0x45: {  	_ =	shalt  }
0x46: {  	_ =	shalt  }
0x47: {  	_ =	shalt  }
0x48: {  	_ =	shalt  }
0x49: {  	_ =	shalt  }
0x4a: {  	_ =	shalt  }
0x4b: {  	_ =	shalt  }
0x4c: {  	_ =	shalt  }
0x4d: {  	_ =	shalt  }
0x4e: {  	_ =	shalt  }
0x4f: {  	_ =	shalt  }
0x50: {  	_ =	shalt  }
0x51: {  	_ =	shalt  }
0x52: {  	_ =	shalt  }
0x53: {  	_ =	shalt  }
0x54: {  	_ =	shalt  }
0x55: {  	_ =	shalt  }
0x56: {  	_ =	shalt  }
0x57: {  	_ =	shalt  }
0x58: {  	_ =	shalt  }
0x59: {  	_ =	shalt  }
0x5a: {  	_ =	shalt  }
0x5b: {  	_ =	shalt  }
0x5c: {  	_ =	shalt  }
0x5d: {  	_ =	shalt  }
0x5e: {  	_ =	shalt  }
0x5f: {  	_ =	shalt  }
0x60: {  	_ =	shalt  }
0x61: {  	_ =	shalt  }
0x62: {  	_ =	shalt  }
0x63: {  	_ =	shalt  }
0x64: {  	_ =	shalt  }
0x65: {  	_ =	shalt  }
0x66: {  	_ =	shalt  }
0x67: {  	_ =	shalt  }
0x68: {  	_ =	shalt  }
0x69: {  	_ =	shalt  }
0x6a: {  	_ =	shalt  }
0x6b: {  	_ =	shalt  }
0x6c: {  	_ =	shalt  }
0x6d: {  	_ =	shalt  }
0x6e: {  	_ =	shalt  }
0x6f: {  	_ =	shalt  }
0x70: {  	_ =	shalt  }
0x71: {  	_ =	shalt  }
0x72: {  	_ =	shalt  }
0x73: {  	_ =	shalt  }
0x74: {  	_ =	shalt  }
0x75: {  	_ =	shalt  }
0x76: {  	_ =	shalt  }
0x77: {  	_ =	shalt  }
0x78: {  	_ =	shalt  }
0x79: {  	_ =	shalt  }
0x7a: {  	_ =	shalt  }
0x7b: {  	_ =	shalt  }
0x7c: {  	_ =	shalt  }
0x7d: {  	_ =	shalt  }
0x7e: {  	_ =	shalt  }
0x7f: {  	_ =	shalt  }
0x80: {  	_ =	shalt  }
0x81: {  	_ =	shalt  }
0x82: {  	_ =	shalt  }
0x83: {  	_ =	shalt  }
0x84: {  	_ =	shalt  }
0x85: {  	_ =	shalt  }
0x86: {  	_ =	shalt  }
0x87: {  	_ =	shalt  }
.Lfunc_end0:
.L_simem_size_0:
called_computation.1_lowered:
.L_overlay_start_0:
0x88: {  	s2 =	sld [smem:$0x3FD9]  }
0x89: {  	s3 =	sld [smem:$0x3FFE];
	_ =	sdelay $0x1  }
0x8a: {  	s1 =	srdreg.scid  }
0x8b: {  	s0 =	sand.u32 $0x1, s1  }
0x8c: {  	s17 =	sshll.u32 s0, $0xA;
	s2 =	sadd.s32 s3, s2  }
0x8d: {  	s2 =	sadd.s32 s2, s17  }
0x8e: {  	[smem:$0x3FC3] =	sst s2  }
0x8f: {  	_ = 	snop  }
0x90: {  	s2 =	sld [smem:$0x3FD0];
	(tm) =	ssettm $0x1  }
0x91: {  	s18 =	sld [smem:$0x3FFB];
	_ =	sdelay $0x3  }
0x92: {  	_ =	strace s18  }
0x93: {  	s3 =	sld [smem:$0x3FFC];
	_ =	sdelay $0x3  }
0x94: {  	_ =	strace s3  }
0x95: {  	s3 =	sld [smem:$0x3FFD];
	_ =	sdelay $0x3  }
0x96: {  	_ =	strace s3  }
0x97: {  	_ =	strace $0x8FFFFFFF  }
0x98: {  	s19 =	sld [smem:$0x3FDB];
	_ =	sdelay $0x1  }
0x99: {  	s4 =	simm.s32 $_scs_section_size  }
0x9a: {  	s5 =	simm.s32 $_size__tile_overlayer_lowered;
	s6 =	simm.s32 $_tile_overlayer_lowered  }
0x9b: {  	s22 =	simm.s32 $0x1BFF;
	s21 =	sshll.u32 s6, $0x1;
	s3 =	sadd.s32 s4, s19  }
0x9c: {  	s7 =	simm.s32 $0x0;
	s20 =	sshll.u32 s5, $0x1;
	s5 =	sadd.s32 s21, s3  }
0x9d: {  	[timem:s7], [sflag:s22] =	dma.local [hbm:s5], s20  }
0x9e: {  	_ =	swait.ge [sflag:s22], s20  }
0x9f: {  	s4 =	ssub.s32 $0x0, s20;
	[sflag:s22] =	ssyncset.done $0x0  }
0xa0: {  	[sflag:s22] =	ssyncadd.s32 s4;
	_ =	sdelay $0x1  }
0xa1: {  	s23 =	simm.s32 $0x1B8B  }
0xa2: {  	_ =	swait.ge [sflag:s23], $0x1  }
0xa3: {  	[sflag:s23] =	ssyncset.done $0x0  }
0xa4: {  	s25 =	simm.s32 $0x1B8E;
	s24 =	sld [smem:$0x3FFE];
	[sflag:s23] =	ssyncadd.s32 $0xFFFFFFFF  }
0xa5: {  	s26 =	simm.s32 $execute0_lowered;
	[smem:$0x3FD2] =	sst s25  }
0xa6: {  	s5 =	sshll.u32 s26, $0x1;
	_ =	strace $0x80000049;
	[dreg:$0x1] =	wrdreg $0xFFFFFFFF  }
0xa7: {  	s28 =	simm.s32 $_size_execute0_lowered;
	s3 =	sadd.s32 s3, s5;
	[dreg:$0x0] =	wrdreg $0x0  }
0xa8: {  	s5 =	sshll.u32 s28, $0x1;
	[dreg:$0x2] =	wrdreg s3  }
0xa9: {  	[dreg:$0x3] =	wrdreg s5  }
0xaa: {  	[dreg:$0x4] =	wrdreg $0xC0  }
0xab: {  	_ =	task [dreg:s7], $0x5FFFF  }
0xac: {  	[dreg:$0x1] =	wrdreg $0xFFFFFFFF  }
0xad: {  	[dreg:$0x0] =	wrdreg $0x60  }
0xae: {  	[dreg:$0x2] =	wrdreg s24  }
0xaf: {  	[dreg:$0x3] =	wrdreg s2  }
0xb0: {  	[dreg:$0x4] =	wrdreg $0x82000  }
0xb1: {  	[dreg:$0x5] =	wrdreg $0x9  }
0xb2: {  	_ =	task.clear_ibuf [dreg:s7], $0x6FFFF;
	_ =	strace $0x90000049  }
0xb3: {  	s29 =	simm.s32 $0x9;
	_ =	strace $0x8000004B  }
0xb4: {  	_ =	swait.ge [sflag:s29], $0x1  }
0xb5: {  	[sflag:s29] =	ssyncadd.s32 $0xFFFFFFFF  }
0xb6: {  	_ =	strace $0x9000004B  }
0xb7: {  	_ =	sfence  }
0xb8: {  	s30 =	sld [smem:$0x0];
	_ =	sdelay $0x2  }
0xb9: {  	s31 =	sshll.u32 s1, $0xD;
	s1 =	sshrl.u32 s1, $0x2  }
0xba: {  	s3 =	sand.u32 $0x4000, s31;
	s1 =	sadd.s32 s1, s30  }
0xbb: {  	s0 =	sor.u32 s3, s0;
	s1 =	sshll.u32 s1, $0x11  }
0xbc: {  	s0 =	sor.u32 s1, s0  }
0xbd: {  	s0 =	sadd.s32 $0x8F2B, s0  }
0xbe: {  	[sflag:s0] =	ssyncadd.remote.s32 $0x1  }
0xbf: {  	_ =	sfence.sel $0xFFFF  }
0xc0: {  	[dreg:$0x0] =	wrdreg $0xFFFFFFFF;
	(pc) =	sbr.abs _section_cstart, $3  }
0xc1: {  	[dreg:$0x1] =	wrdreg $0xFFFFFFFF  }
0xc2: {  	_ =	task.clear_ibuf [dreg:s7], $0x2FFFF;
	_ =	strace $0x9FFFFFFF  }
0xc3: {  	(tm) =	ssettm $0x7FFFFFFF  }
tec
execute0_lowered:
.L_overlay_start_1:
0x0: {  	(tag) =	ssettag $0x1  }
0x1: {  	s7 =	rddreg [dreg:$0x0]  }
0x2: {  	s1 =	rddreg [dreg:$0x1]  }
0x3: {  	s2 =	rddreg [dreg:$0x2]  }
0x4: {  	s0 =	rddreg [dreg:$0x3]  }
0x5: {  	s4 =	simm.s32 $0x0;
	s5 =	srdreg.scid;
	s3 =	stileid.u32  }
0x6: {  	s22 =	simm.s32 $0x80;
	s23 =	simm.s32 $0x100;
	s24 =	simm.s32 $0x180  }
0x7: {  	s25 =	simm.s32 $0x0;
	[smem:$0x7FF] =	sst s4;
	s8 =	sand.u32 $0x1, s5  }
0x8: {  	s5 =	sadd.s32 $0x1800, s7;
	s10 =	smul.u32 $0x50000, s3;
	s6 =	sadd.s32 $0xB800, s7  }
0x9: {  	s17 =	sadd.s32 $0x5C000, s7;
	s12 =	smul.u32 $0x14000, s3;
	_ =	strace $0x8000004A  }
0xa: {  	s9 =	ssub.s32 $0x2, s8;
	s11 =	sshll.u32 s8, $0x4;
	s16 =	smul.u32 $0x140000, s8  }
0xb: {  	s30 =	sshrl.u32 s9, $0x1;
	s10 =	sshrl.u32 s10, $0x2;
	s13 =	sor.u32 s3, s11  }
0xc: {  	s14 =	sadd.s32 $0x4000, s12;
	s15 =	sadd.s32 $0x8000, s12;
	s19 =	sadd.s32 $0xC000, s12  }
0xd: {  	s20 =	sadd.s32 $0x10000, s12;
	s18 =	ssub.s32 s9, s30;
	s7 =	sadd.s32 s10, s2  }
0xe: {  	s8 =	sadd.s32 s14, s2;
	s9 =	sadd.s32 s15, s2;
	s10 =	sadd.s32 s19, s2  }
0xf: {  	s12 =	sadd.s32 s12, s16;
	s11 =	sadd.s32 s20, s2;
	s14 =	sadd.s32 s16, s14  }
0x10: {  	s15 =	sadd.s32 s16, s15;
	s19 =	sadd.s32 s16, s19;
	s20 =	sadd.s32 s16, s20  }
0x11: {  	s21 =	sshrl.u32 s12, $0x3;
	s12 =	smul.u32 $0x2800, s13;
	s14 =	sshrl.u32 s14, $0x3  }
0x12: {  	s15 =	sshrl.u32 s15, $0x3;
	s19 =	sshrl.u32 s19, $0x3;
	s31 =	sshrl.u32 s20, $0x3  }
0x13: {  	s18 =	smax.u32 s18, $0x1;
	s20 =	simm.s32 $0x1;
	s13 =	sadd.s32 s17, s21  }
0x14: {  	s14 =	sadd.s32 s17, s14;
	s15 =	sadd.s32 s17, s15;
	s16 =	sadd.s32 s17, s19  }
0x15: {  	s17 =	sadd.s32 s17, s31;
	s19 =	simm.s32 $0x200;
	s21 =	simm.s32 $0x4200  }
.LBB2_1:
0x16: {  	[tilespmem:s19], [sflag:$0x1] =	stream.linear.gather [hbm4b:s1+s4], $0x4000, $0x38;
	[tilespmem:$0x1C200] =	vst v63  }
0x17: {  	_ =	swait.ge [sflag:s20], $0x4000  }
0x18: {  	[sflag:s20] =	ssyncset.done $0x0  }
0x19: {  	[sflag:s20] =	ssyncadd.s32 $0xFFFFC000  }
0x1a: {  	[tilespmem:s21], [sflag:$0x1] =	stream.linear.gather [hbm4b:s6+s4], $0x4000, $0x38;
	[tilespmem:$0x1C200] =	vst v63  }
0x1b: {  	_ =	swait.ge [sflag:s20], $0x4000  }
0x1c: {  	[sflag:s20] =	ssyncset.done $0x0  }
0x1d: {  	[sflag:s20] =	ssyncadd.s32 $0xFFFFC000  }
0x1e: {  	[spmem:s7] =	stream.linear.scatter [tilespmem:s21], [sflag:$0x1], $0x4000, $0x38;
	[tilespmem:$0x1C200] =	vst v63  }
0x1f: {  	_ =	swait.ge [sflag:s20], $0x4000  }
0x20: {  	[sflag:s20] =	ssyncset.done $0x0  }
0x21: {  	[sflag:s20] =	ssyncadd.s32 $0xFFFFC000  }
0x22: {  	[spmem:s8] =	stream.linear.scatter [tilespmem:s21], [sflag:$0x1], $0x4000, $0x38;
	[tilespmem:$0x1C200] =	vst v63  }
0x23: {  	_ =	swait.ge [sflag:s20], $0x4000  }
0x24: {  	[sflag:s20] =	ssyncset.done $0x0  }
0x25: {  	[sflag:s20] =	ssyncadd.s32 $0xFFFFC000  }
0x26: {  	[spmem:s9] =	stream.linear.scatter [tilespmem:s21], [sflag:$0x1], $0x4000, $0x38;
	[tilespmem:$0x1C200] =	vst v63  }
0x27: {  	_ =	swait.ge [sflag:s20], $0x4000  }
0x28: {  	[sflag:s20] =	ssyncset.done $0x0  }
0x29: {  	[sflag:s20] =	ssyncadd.s32 $0xFFFFC000  }
0x2a: {  	[spmem:s10] =	stream.linear.scatter [tilespmem:s21], [sflag:$0x1], $0x4000, $0x38;
	[tilespmem:$0x1C200] =	vst v63  }
0x2b: {  	_ =	swait.ge [sflag:s20], $0x4000  }
0x2c: {  	[sflag:s20] =	ssyncset.done $0x0  }
0x2d: {  	s26 =	sand.u32 $0x3C00, s4;
	[sflag:s20] =	ssyncadd.s32 $0xFFFFC000  }
0x2e: {  	[spmem:s11] =	stream.linear.scatter [tilespmem:s21], [sflag:$0x1], $0x4000, $0x38;
	[tilespmem:$0x1C200] =	vst v63  }
0x2f: {  	s28 =	sand.u32 $0x200, s4;
	s26 =	sadd.s32 s12, s26;
	_ =	swait.ge [sflag:s20], $0x4000  }
0x30: {  	s26 =	sor.u32 s28, s26;
	[sflag:s20] =	ssyncset.done $0x0  }
0x31: {  	s26 =	sshrl.u32 s26, $0x3;
	[sflag:s20] =	ssyncadd.s32 $0xFFFFC000  }
0x32: {  	s26 =	sadd.s32 s5, s26;
	[bflag:$0x0] =	sbarrier.arrive $0xFFFF  }
0x33: {  	[tilespmem:s4], [sflag:$0x1] =	stream.linear.gather [hbm4b:s26+s4], $0x200, $0x38;
	[tilespmem:$0x1C200] =	vst v63  }
0x34: {  	_ =	swait.ge [sflag:s20], $0x200  }
0x35: {  	[sflag:s20] =	ssyncset.done $0x0  }
0x36: {  	[sflag:s20] =	ssyncadd.s32 $0xFFFFFE00  }
0x37: {  	[spmem:s2] =	stream.indirect.scatter.add.f32 [tilespmem:s19], [sflag:$0x1], $0x80, s4, s22, $0xb8;
	[tilespmem:$0x1C200] =	vst v63  }
0x38: {  	_ =	swait.ge [sflag:s20], $0x4000  }
0x39: {  	[sflag:s20] =	ssyncset.done $0x0  }
0x3a: {  	[sflag:s20] =	ssyncadd.s32 $0xFFFFC000  }
0x3b: {  	[spmem:s2] =	stream.indirect.scatter.add.f32 [tilespmem:s19], [sflag:$0x1], $0x80, s22, s22, $0xb8;
	[tilespmem:$0x1C200] =	vst v63  }
0x3c: {  	_ =	swait.ge [sflag:s20], $0x4000  }
0x3d: {  	[sflag:s20] =	ssyncset.done $0x0  }
0x3e: {  	[sflag:s20] =	ssyncadd.s32 $0xFFFFC000  }
0x3f: {  	[spmem:s2] =	stream.indirect.scatter.add.f32 [tilespmem:s19], [sflag:$0x1], $0x80, s23, s22, $0xb8;
	[tilespmem:$0x1C200] =	vst v63  }
0x40: {  	_ =	swait.ge [sflag:s20], $0x4000  }
0x41: {  	s31 =	simm.s32 $0x200;
	[sflag:s20] =	ssyncset.done $0x0  }
0x42: {  	s28 =	sand.u32 $0x3C00, s31;
	[sflag:s20] =	ssyncadd.s32 $0xFFFFC000  }
0x43: {  	[spmem:s2] =	stream.indirect.scatter.add.f32 [tilespmem:s19], [sflag:$0x1], $0x80, s24, s22, $0xb8;
	[tilespmem:$0x1C200] =	vst v63  }
0x44: {  	s29 =	sand.u32 $0x200, s31;
	s28 =	sadd.s32 s12, s28;
	_ =	swait.ge [sflag:s20], $0x4000  }
0x45: {  	s28 =	sor.u32 s29, s28;
	s26 =	simm.s32 $0x400;
	[sflag:s20] =	ssyncset.done $0x0  }
.LBB2_2:
0x46: {  	s28 =	sshrl.u32 s28, $0x3  }
0x47: {  	[sflag:s20] =	ssyncadd.s32 $0xFFFFC000;
	s29 =	smov.u32 s26;
	s30 =	sadd.s32 $0x200, s26  }
0x48: {  	p0 =	sne.s32 s26, $0x2600;
	s26 =	sadd.s32 s5, s28  }
0x49: {  	[tilespmem:s4], [sflag:$0x1] =	stream.linear.gather [hbm4b:s26+s4], $0x200, $0x38;
	[tilespmem:$0x1C200] =	vst v63  }
0x4a: {  	_ =	swait.ge [sflag:s20], $0x200  }
0x4b: {  	[sflag:s20] =	ssyncset.done $0x0  }
0x4c: {  	[sflag:s20] =	ssyncadd.s32 $0xFFFFFE00  }
0x4d: {  	[spmem:s2] =	stream.indirect.scatter.add.f32 [tilespmem:s19], [sflag:$0x1], $0x80, s4, s22, $0xb8;
	[tilespmem:$0x1C200] =	vst v63  }
0x4e: {  	_ =	swait.ge [sflag:s20], $0x4000  }
0x4f: {  	[sflag:s20] =	ssyncset.done $0x0  }
0x50: {  	[sflag:s20] =	ssyncadd.s32 $0xFFFFC000  }
0x51: {  	[spmem:s2] =	stream.indirect.scatter.add.f32 [tilespmem:s19], [sflag:$0x1], $0x80, s22, s22, $0xb8;
	[tilespmem:$0x1C200] =	vst v63  }
0x52: {  	_ =	swait.ge [sflag:s20], $0x4000  }
0x53: {  	[sflag:s20] =	ssyncset.done $0x0  }
0x54: {  	[sflag:s20] =	ssyncadd.s32 $0xFFFFC000  }
0x55: {  	[spmem:s2] =	stream.indirect.scatter.add.f32 [tilespmem:s19], [sflag:$0x1], $0x80, s23, s22, $0xb8;
	[tilespmem:$0x1C200] =	vst v63  }
0x56: {  	_ =	swait.ge [sflag:s20], $0x4000  }
.Ltmp0:
0x57: {  	[sflag:s20] =	ssyncset.done $0x0;
	(pc) =	sbr.rel @p0 .LBB2_2-.Ltmp0, $4  }
0x58: {  	s26 =	sand.u32 $0x3C00, s29;
	[sflag:s20] =	ssyncadd.s32 $0xFFFFC000  }
0x59: {  	[spmem:s2] =	stream.indirect.scatter.add.f32 [tilespmem:s19], [sflag:$0x1], $0x80, s24, s22, $0xb8;
	[tilespmem:$0x1C200] =	vst v63  }
0x5a: {  	s28 =	sand.u32 $0x200, s29;
	s26 =	sadd.s32 s12, s26;
	_ =	swait.ge [sflag:s20], $0x4000  }
0x5b: {  	s28 =	sor.u32 s28, s26;
	s26 =	smov.u32 s30;
	[sflag:s20] =	ssyncset.done $0x0  }
0x5c: {  	s26 =	sshrl.u32 s28, $0x3  }
0x5d: {  	[sflag:s20] =	ssyncadd.s32 $0xFFFFC000;
	s26 =	sadd.s32 s5, s26  }
0x5e: {  	[tilespmem:s4], [sflag:$0x1] =	stream.linear.gather [hbm4b:s26+s4], $0x200, $0x38;
	[tilespmem:$0x1C200] =	vst v63  }
0x5f: {  	_ =	swait.ge [sflag:s20], $0x200  }
0x60: {  	[sflag:s20] =	ssyncset.done $0x0  }
0x61: {  	[sflag:s20] =	ssyncadd.s32 $0xFFFFFE00  }
0x62: {  	[spmem:s2] =	stream.indirect.scatter.add.f32 [tilespmem:s19], [sflag:$0x1], $0x80, s4, s22, $0xb8;
	[tilespmem:$0x1C200] =	vst v63  }
0x63: {  	_ =	swait.ge [sflag:s20], $0x4000  }
0x64: {  	[sflag:s20] =	ssyncset.done $0x0  }
0x65: {  	[sflag:s20] =	ssyncadd.s32 $0xFFFFC000  }
0x66: {  	[spmem:s2] =	stream.indirect.scatter.add.f32 [tilespmem:s19], [sflag:$0x1], $0x80, s22, s22, $0xb8;
	[tilespmem:$0x1C200] =	vst v63  }
0x67: {  	_ =	swait.ge [sflag:s20], $0x4000  }
0x68: {  	[sflag:s20] =	ssyncset.done $0x0  }
0x69: {  	[sflag:s20] =	ssyncadd.s32 $0xFFFFC000  }
0x6a: {  	[spmem:s2] =	stream.indirect.scatter.add.f32 [tilespmem:s19], [sflag:$0x1], $0x80, s23, s22, $0xb8;
	[tilespmem:$0x1C200] =	vst v63  }
0x6b: {  	_ =	swait.ge [sflag:s20], $0x4000  }
0x6c: {  	[sflag:s20] =	ssyncset.done $0x0  }
0x6d: {  	[sflag:s20] =	ssyncadd.s32 $0xFFFFC000  }
0x6e: {  	[spmem:s2] =	stream.indirect.scatter.add.f32 [tilespmem:s19], [sflag:$0x1], $0x80, s24, s22, $0xb8;
	[tilespmem:$0x1C200] =	vst v63  }
0x6f: {  	_ =	swait.ge [sflag:s20], $0x4000  }
0x70: {  	[sflag:s20] =	ssyncset.done $0x0  }
0x71: {  	[sflag:s20] =	ssyncadd.s32 $0xFFFFC000  }
0x72: {  	[bflag:$0x0] =	sbarrier.arrive $0xFFFF  }
0x73: {  	[tilespmem:s21], [sflag:$0x1] =	stream.linear.gather [spmem:s7], $0x4000, $0x38;
	[tilespmem:$0x1C200] =	vst v63  }
0x74: {  	_ =	swait.ge [sflag:s20], $0x4000  }
0x75: {  	[sflag:s20] =	ssyncset.done $0x0  }
0x76: {  	[sflag:s20] =	ssyncadd.s32 $0xFFFFC000  }
0x77: {  	[hbm4b:s13+s4] =	stream.linear.scatter [tilespmem:s21], [sflag:$0x1], $0x4000, $0x38;
	[tilespmem:$0x1C200] =	vst v63  }
0x78: {  	_ =	swait.ge [sflag:s20], $0x4000  }
0x79: {  	[sflag:s20] =	ssyncset.done $0x0  }
0x7a: {  	[sflag:s20] =	ssyncadd.s32 $0xFFFFC000  }
0x7b: {  	[tilespmem:s21], [sflag:$0x1] =	stream.linear.gather [spmem:s8], $0x4000, $0x38;
	[tilespmem:$0x1C200] =	vst v63  }
0x7c: {  	_ =	swait.ge [sflag:s20], $0x4000  }
0x7d: {  	[sflag:s20] =	ssyncset.done $0x0  }
0x7e: {  	[sflag:s20] =	ssyncadd.s32 $0xFFFFC000  }
0x7f: {  	[hbm4b:s14+s4] =	stream.linear.scatter [tilespmem:s21], [sflag:$0x1], $0x4000, $0x38;
	[tilespmem:$0x1C200] =	vst v63  }
0x80: {  	_ =	swait.ge [sflag:s20], $0x4000  }
0x81: {  	[sflag:s20] =	ssyncset.done $0x0  }
0x82: {  	[sflag:s20] =	ssyncadd.s32 $0xFFFFC000  }
0x83: {  	[tilespmem:s21], [sflag:$0x1] =	stream.linear.gather [spmem:s9], $0x4000, $0x38;
	[tilespmem:$0x1C200] =	vst v63  }
0x84: {  	_ =	swait.ge [sflag:s20], $0x4000  }
0x85: {  	[sflag:s20] =	ssyncset.done $0x0  }
0x86: {  	[sflag:s20] =	ssyncadd.s32 $0xFFFFC000  }
0x87: {  	[hbm4b:s15+s4] =	stream.linear.scatter [tilespmem:s21], [sflag:$0x1], $0x4000, $0x38;
	[tilespmem:$0x1C200] =	vst v63  }
0x88: {  	_ =	swait.ge [sflag:s20], $0x4000  }
0x89: {  	[sflag:s20] =	ssyncset.done $0x0  }
0x8a: {  	[sflag:s20] =	ssyncadd.s32 $0xFFFFC000  }
0x8b: {  	[tilespmem:s21], [sflag:$0x1] =	stream.linear.gather [spmem:s10], $0x4000, $0x38;
	[tilespmem:$0x1C200] =	vst v63  }
0x8c: {  	_ =	swait.ge [sflag:s20], $0x4000  }
0x8d: {  	[sflag:s20] =	ssyncset.done $0x0  }
0x8e: {  	[sflag:s20] =	ssyncadd.s32 $0xFFFFC000  }
0x8f: {  	[hbm4b:s16+s4] =	stream.linear.scatter [tilespmem:s21], [sflag:$0x1], $0x4000, $0x38;
	[tilespmem:$0x1C200] =	vst v63  }
0x90: {  	_ =	swait.ge [sflag:s20], $0x4000  }
0x91: {  	[sflag:s20] =	ssyncset.done $0x0  }
0x92: {  	[sflag:s20] =	ssyncadd.s32 $0xFFFFC000  }
0x93: {  	[tilespmem:s21], [sflag:$0x1] =	stream.linear.gather [spmem:s11], $0x4000, $0x38;
	[tilespmem:$0x1C200] =	vst v63  }
0x94: {  	s25 =	sadd.s32 $0x1, s25;
	_ =	swait.ge [sflag:s20], $0x4000  }
0x95: {  	p0 =	sne.s32 s25, s18;
	[sflag:s20] =	ssyncset.done $0x0  }
.Ltmp1:
0x96: {  	[sflag:s20] =	ssyncadd.s32 $0xFFFFC000;
	(pc) =	sbr.rel @p0 .LBB2_1-.Ltmp1, $4  }
0x97: {  	[hbm4b:s17+s4] =	stream.linear.scatter [tilespmem:s21], [sflag:$0x1], $0x4000, $0x38;
	[tilespmem:$0x1C200] =	vst v63  }
0x98: {  	_ =	swait.ge [sflag:s20], $0x4000  }
0x99: {  	[sflag:s20] =	ssyncset.done $0x0  }
0x9a: {  	[sflag:s20] =	ssyncadd.s32 $0xFFFFC000  }
0x9b: {  	_ =	sfence.sel $0x180000  }
0x9c: {  	[bflag:$0x0] =	sbarrier.arrive $0xFFFF  }
0x9d: {  	p0 =	sne.s32 s3, $0x0;
	_ =	strace $0x9000004A  }
0x9e: {  	s0 =	sadd.s32 @!p0 $0x100000, s0;
	[bflag:$0x2] =	sbarrier.arrive $0xFFFF  }
0x9f: {  	[sflag:s0] =	ssyncadd.tile.s32 @!p0 $0x1;
	_ =	shalt  }
.Lfunc_end2:
_tile_overlayer_lowered:
.L_overlay_start_2:
0xa0: {  	(tag) =	ssettag $0x2  }
0xa1: {  	s0 =	rddreg [dreg:$0x0];
	s2 =	stileid.u32  }
0xa2: {  	s1 =	rddreg [dreg:$0x1];
	p0 =	sne.s32 s2, $0x0  }
0xa3: {  	s3 =	rddreg [dreg:$0x2];
	[bflag:$0x3] =	sbarrier.arrive $0xFFFF;
	s2 =	simm.s32 @!p0 $0x1C01  }
0xa4: {  	[timem:s3], [sflag:s2] =	dma.local @!p0 [hbm:s0], s1  }
0xa5: {  	s0 =	simm.s32 @!p0 $0x1  }
0xa6: {  	_ =	swait.ge @!p0 [sflag:s0], s1  }
0xa7: {  	s1 =	ssub.s32 @!p0 $0x0, s1;
	[sflag:s0] =	ssyncset.done @!p0 $0x0  }
0xa8: {  	[sflag:s0] =	ssyncadd.s32 @!p0 s1  }
0xa9: {  	[bflag:$0x3] =	sbarrier.arrive $0xFFFF  }
0xaa: {  	_ =	shalt  }

</sc_bundles>
